<compile_context>
chip_gen: v7x
topology: tpu7x:2x2x1
jax: 0.10.2.dev20260603
libtpu: 0.0.44.dev20260713+nightly
codegen_flags: <defaults>
</compile_context>

<pallas_src>
import dataclasses
import functools

import jax
import jax.numpy as jnp
from jax import lax
from jax.experimental import pallas as pl
from jax.experimental.pallas import tpu as pltpu
from jax.experimental.pallas import tpu_sc as plsc

N = 10000
E = 160000
IN_FEAT = 256
OUT_FEAT = 128
NUM_HEADS = 5
NUM_RELS = 20

HP = 16
EP = 163840
NTILES = 32
EDGES_PER_TILE = EP // NTILES
BLK = 64
NBLK = EDGES_PER_TILE // BLK
ACC_ROWS = 10240
ZERO_ROWS = ACC_ROWS // 16


def _proj_body(feat_ref, wfc_ref, wself_ref, w1_ref, w2_ref,
               z_ref, selfz_ref, s1_ref, s2_ref):
    f = feat_ref[...]
    dn = (((1,), (1,)), ((), ()))
    z = lax.dot_general(f, wfc_ref[...], dn,
                        precision=lax.Precision.HIGHEST,
                        preferred_element_type=jnp.float32)
    z_ref[...] = z
    selfz_ref[...] = lax.dot_general(f, wself_ref[...], dn,
                                     precision=lax.Precision.HIGHEST,
                                     preferred_element_type=jnp.float32)
    s1_ref[...] = jnp.dot(z, w1_ref[...], precision=lax.Precision.HIGHEST,
                          preferred_element_type=jnp.float32)
    s2_ref[...] = jnp.dot(z, w2_ref[...], precision=lax.Precision.HIGHEST,
                          preferred_element_type=jnp.float32)


def _tc_proj(feat, wfc, wself, w1m, w2m):
    BN = 1000
    sw = NUM_RELS * HP
    return pl.pallas_call(
        _proj_body,
        grid=(N // BN,),
        in_specs=[
            pl.BlockSpec((BN, IN_FEAT), lambda i: (i, 0)),
            pl.BlockSpec((OUT_FEAT, IN_FEAT), lambda i: (0, 0)),
            pl.BlockSpec((NUM_HEADS * OUT_FEAT, IN_FEAT), lambda i: (0, 0)),
            pl.BlockSpec((OUT_FEAT, sw), lambda i: (0, 0)),
            pl.BlockSpec((OUT_FEAT, sw), lambda i: (0, 0)),
        ],
        out_specs=[
            pl.BlockSpec((BN, OUT_FEAT), lambda i: (i, 0)),
            pl.BlockSpec((BN, NUM_HEADS * OUT_FEAT), lambda i: (i, 0)),
            pl.BlockSpec((BN, sw), lambda i: (i, 0)),
            pl.BlockSpec((BN, sw), lambda i: (i, 0)),
        ],
        out_shape=[
            jax.ShapeDtypeStruct((N, OUT_FEAT), jnp.float32),
            jax.ShapeDtypeStruct((N, NUM_HEADS * OUT_FEAT), jnp.float32),
            jax.ShapeDtypeStruct((N, sw), jnp.float32),
            jax.ShapeDtypeStruct((N, sw), jnp.float32),
        ],
    )(feat, wfc, wself, w1m, w2m)


def _combine_body(p_ref, selfz_ref, out_ref):
    for h in range(NUM_HEADS):
        sl = slice(h * OUT_FEAT, (h + 1) * OUT_FEAT)
        out_ref[:, sl] = p_ref[0, h] + p_ref[1, h] + selfz_ref[:, sl]


def _tc_combine(partial, self_z):
    BN = 1000
    return pl.pallas_call(
        _combine_body,
        grid=(N // BN,),
        in_specs=[
            pl.BlockSpec((2, NUM_HEADS, BN, OUT_FEAT), lambda i: (0, 0, i, 0)),
            pl.BlockSpec((BN, NUM_HEADS * OUT_FEAT), lambda i: (i, 0)),
        ],
        out_specs=pl.BlockSpec((BN, NUM_HEADS * OUT_FEAT), lambda i: (i, 0)),
        out_shape=jax.ShapeDtypeStruct((N, NUM_HEADS * OUT_FEAT), jnp.float32),
    )(partial, self_z)


def _sc_edge_kernel(z_hbm, s1_hbm, s2_hbm, src_hbm, dst_hbm, et_hbm, out_hbm,
                    w0_all, dst_all,
                    s1A, s2A, zA, msgA, srcbA, i2bA, dstbA,
                    s1B, s2B, zB, msgB, srcbB, i2bB, dstbB,
                    att_v, acc,
                    semGA, semGB, semSA, semSB):
    c = lax.axis_index("c")
    s = lax.axis_index("s")
    tid = c * 16 + s
    base_edge = tid * EDGES_PER_TILE

    pltpu.sync_copy(src_hbm.at[pl.ds(base_edge, EDGES_PER_TILE)], w0_all)
    pltpu.sync_copy(et_hbm.at[pl.ds(base_edge, EDGES_PER_TILE)], dst_all)

    @plsc.parallel_loop(0, EDGES_PER_TILE, step=16, unroll=4)
    def _pk(e0):
        sl = pl.ds(e0, 16)
        w0_all[sl] = w0_all[sl] * NUM_RELS + dst_all[sl]

    pltpu.sync_copy(dst_hbm.at[pl.ds(base_edge, EDGES_PER_TILE)], dst_all)

    def start_gathers(b, s1b, s2b, zb, srcb, i2b, sem):
        @plsc.parallel_loop(0, BLK, step=16, unroll=2)
        def _ux(k0):
            sl = pl.ds(k0, 16)
            w0 = w0_all[pl.ds(b * BLK + k0, 16)]
            dv = dst_all[pl.ds(b * BLK + k0, 16)]
            sv = w0 // NUM_RELS
            srcb[sl] = sv
            i2b[sl] = dv * NUM_RELS + (w0 - sv * NUM_RELS)

        sl = pl.ds(b * BLK, BLK)
        pltpu.async_copy(s1_hbm.at[w0_all.at[sl]], s1b, sem)
        pltpu.async_copy(s2_hbm.at[i2b], s2b, sem)
        pltpu.async_copy(z_hbm.at[srcb], zb, sem)

    def wait_gathers(b, s1b, s2b, zb, srcb, i2b, sem):
        sl = pl.ds(b * BLK, BLK)
        pltpu.make_async_copy(s1_hbm.at[w0_all.at[sl]], s1b, sem).wait()
        pltpu.make_async_copy(s2_hbm.at[i2b], s2b, sem).wait()
        pltpu.make_async_copy(z_hbm.at[srcb], zb, sem).wait()

    def wait_scatter(msgb, dstb, sem):
        pltpu.make_async_copy(msgb, acc.at[dstb], sem).wait()

    def compute_block(b, s1b, s2b, zb, msgb, dstb, h):
        @plsc.parallel_loop(0, BLK, step=16, unroll=2)
        def _att(e0):
            sl = pl.ds(e0, 16)
            dstb[sl] = dst_all[pl.ds(b * BLK + e0, 16)]
            ids = lax.iota(jnp.int32, 16) + e0
            hh = jnp.zeros((16,), jnp.int32) + h
            a = (plsc.load_gather(s1b, [ids, hh])
                 + plsc.load_gather(s2b, [ids, hh]))
            att_v[sl] = jnp.maximum(a, 0.0) + 0.01 * jnp.minimum(a, 0.0)

        @plsc.parallel_loop(0, BLK, unroll=4)
        def _msg(e):
            ai = plsc.load_gather(att_v, [jnp.zeros((16,), jnp.int32) + e])
            for cc in range(OUT_FEAT // 16):
                sl = pl.ds(cc * 16, 16)
                msgb[e, sl] = ai * zb[e, sl]

    @pl.loop(0, NUM_HEADS)
    def _head(h):
        zeros16 = jnp.zeros((16,), jnp.float32)

        @plsc.parallel_loop(0, BLK, unroll=4)
        def _zm(r):
            for cc in range(OUT_FEAT // 16):
                msgA[r, pl.ds(cc * 16, 16)] = zeros16

        @pl.loop(0, ZERO_ROWS // BLK)
        def _za(i):
            pltpu.async_copy(msgA, acc.at[pl.ds(s * ZERO_ROWS + i * BLK, BLK)],
                             semSA)

        @pl.loop(0, ZERO_ROWS // BLK)
        def _zw(i):
            pltpu.make_async_copy(
                msgA, acc.at[pl.ds(s * ZERO_ROWS + i * BLK, BLK)], semSA).wait()

        plsc.subcore_barrier()

        start_gathers(0, s1A, s2A, zA, srcbA, i2bA, semGA)
        start_gathers(1, s1B, s2B, zB, srcbB, i2bB, semGB)

        @pl.loop(0, NBLK // 2)
        def _blk(p):
            b0 = 2 * p

            wait_gathers(b0, s1A, s2A, zA, srcbA, i2bA, semGA)

            @pl.when(p > 0)
            def _wsa():
                wait_scatter(msgA, dstbA, semSA)

            compute_block(b0, s1A, s2A, zA, msgA, dstbA, h)
            pltpu.async_copy(msgA, acc.at[dstbA], semSA, add=True)

            @pl.when(p < NBLK // 2 - 1)
            def _nga():
                start_gathers(b0 + 2, s1A, s2A, zA, srcbA, i2bA, semGA)

            wait_gathers(b0 + 1, s1B, s2B, zB, srcbB, i2bB, semGB)

            @pl.when(p > 0)
            def _wsb():
                wait_scatter(msgB, dstbB, semSB)

            compute_block(b0 + 1, s1B, s2B, zB, msgB, dstbB, h)
            pltpu.async_copy(msgB, acc.at[dstbB], semSB, add=True)

            @pl.when(p < NBLK // 2 - 1)
            def _ngb():
                start_gathers(b0 + 3, s1B, s2B, zB, srcbB, i2bB, semGB)

        wait_scatter(msgA, dstbA, semSA)
        wait_scatter(msgB, dstbB, semSB)
        plsc.subcore_barrier()
        pltpu.sync_copy(acc.at[pl.ds(s * ZERO_ROWS, ZERO_ROWS)],
                        out_hbm.at[c, h, pl.ds(s * ZERO_ROWS, ZERO_ROWS)])
        plsc.subcore_barrier()


def _sc_edge(z, s1f, s2f, src_p, dst_p, et_p):
    mesh = plsc.VectorSubcoreMesh(core_axis_name="c", subcore_axis_name="s")
    cp = pltpu.CompilerParams(use_tc_tiling_on_sc=False)
    if "needs_layout_passes" in pltpu.CompilerParams.__dataclass_fields__:
        cp = dataclasses.replace(cp, needs_layout_passes=False)
    run = pl.kernel(
        _sc_edge_kernel,
        out_type=jax.ShapeDtypeStruct((2, NUM_HEADS, ACC_ROWS, OUT_FEAT),
                                      jnp.float32),
        mesh=mesh,
        scratch_types=[
            pltpu.VMEM((EDGES_PER_TILE,), jnp.int32),
            pltpu.VMEM((EDGES_PER_TILE,), jnp.int32),
            pltpu.VMEM((BLK, HP), jnp.float32),
            pltpu.VMEM((BLK, HP), jnp.float32),
            pltpu.VMEM((BLK, OUT_FEAT), jnp.float32),
            pltpu.VMEM((BLK, OUT_FEAT), jnp.float32),
            pltpu.VMEM((BLK,), jnp.int32),
            pltpu.VMEM((BLK,), jnp.int32),
            pltpu.VMEM((BLK,), jnp.int32),
            pltpu.VMEM((BLK, HP), jnp.float32),
            pltpu.VMEM((BLK, HP), jnp.float32),
            pltpu.VMEM((BLK, OUT_FEAT), jnp.float32),
            pltpu.VMEM((BLK, OUT_FEAT), jnp.float32),
            pltpu.VMEM((BLK,), jnp.int32),
            pltpu.VMEM((BLK,), jnp.int32),
            pltpu.VMEM((BLK,), jnp.int32),
            pltpu.VMEM((BLK,), jnp.float32),
            pltpu.VMEM_SHARED((ACC_ROWS, OUT_FEAT), jnp.float32),
            pltpu.SemaphoreType.DMA,
            pltpu.SemaphoreType.DMA,
            pltpu.SemaphoreType.DMA,
            pltpu.SemaphoreType.DMA,
        ],
        compiler_params=cp,
    )
    return run(z, s1f, s2f, src_p, dst_p, et_p)


def kernel(feat, edge_index, edge_type, W_fc, W_self, attn_w):
    src = edge_index[0]
    dst = edge_index[1]
    pad = EP - E
    src_p = jnp.concatenate([src, jnp.zeros((pad,), jnp.int32)])
    dst_p = jnp.concatenate([dst, jnp.full((pad,), N, jnp.int32)])
    et_p = jnp.concatenate([edge_type, jnp.zeros((pad,), jnp.int32)])

    w1 = jnp.pad(attn_w[:, :OUT_FEAT, :], ((0, 0), (0, 0), (0, HP - NUM_HEADS)))
    w2 = jnp.pad(attn_w[:, OUT_FEAT:, :], ((0, 0), (0, 0), (0, HP - NUM_HEADS)))
    w1m = w1.transpose(1, 0, 2).reshape(OUT_FEAT, NUM_RELS * HP)
    w2m = w2.transpose(1, 0, 2).reshape(OUT_FEAT, NUM_RELS * HP)

    z, self_z, s1, s2 = _tc_proj(feat, W_fc, W_self, w1m, w2m)
    s1f = s1.reshape(N * NUM_RELS, HP)
    s2f = s2.reshape(N * NUM_RELS, HP)

    partial = _sc_edge(z, s1f, s2f, src_p, dst_p, et_p)
    return _tc_combine(partial, self_z)

# --- scband reference (transcript-rebuilt; emitter-appended) ---
"""Pipeline reference for scband-rgatlayer-31645319037677 (READ-ONLY COPY).

The authoritative reference and input builder live on the scoring server;
editing this copy changes nothing except your own understanding.
"""

import jax, jax.numpy as jnp
import numpy as np

N = 10000
E = 160000
IN_FEAT = 256
OUT_FEAT = 128
NUM_HEADS = 5
NUM_RELS = 20


def setup_inputs(seed: int = 0) -> dict:
    key = jax.random.key(seed)
    ks = jax.random.split(key, 6)
    feat = jax.random.normal(ks[0], (N, IN_FEAT), dtype=jnp.float32)
    edge_index = jax.random.randint(ks[1], (2, E), 0, N, dtype=jnp.int32)
    edge_type = jax.random.randint(ks[2], (E,), 0, NUM_RELS, dtype=jnp.int32)
    gain = float(np.sqrt(2.0))
    std_fc = gain * float(np.sqrt(2.0 / (IN_FEAT + OUT_FEAT)))
    W_fc = jax.random.normal(ks[3], (OUT_FEAT, IN_FEAT), dtype=jnp.float32) * std_fc
    std_self = gain * float(np.sqrt(2.0 / (IN_FEAT + NUM_HEADS * OUT_FEAT)))
    W_self = jax.random.normal(ks[4], (NUM_HEADS * OUT_FEAT, IN_FEAT), dtype=jnp.float32) * std_self
    std_attn = gain * float(np.sqrt(2.0 / (2 * OUT_FEAT + NUM_HEADS)))
    attn_w = jax.random.normal(ks[5], (NUM_RELS, 2 * OUT_FEAT, NUM_HEADS), dtype=jnp.float32) * std_attn
    return {"feat": feat, "edge_index": edge_index, "edge_type": edge_type,
            "W_fc": W_fc, "W_self": W_self, "attn_w": attn_w}


def reference(feat, edge_index, edge_type, W_fc, W_self, attn_w):
    src = edge_index[0]
    dst = edge_index[1]
    # z = self.fc(feat); self_z = self.self_fc(feat)
    z = feat @ W_fc.T                      # [N, OUT_FEAT]
    self_z = feat @ W_self.T               # [N, NUM_HEADS*OUT_FEAT]
    # edge_attention: z2 = cat(src z, dst z); w = attn_fcs[edge_type]; a = bmm(z2, w)
    z_src = jnp.take(z, src, axis=0)       # [E, OUT_FEAT]
    z_dst = jnp.take(z, dst, axis=0)       # [E, OUT_FEAT]
    z2 = jnp.concatenate([z_src, z_dst], axis=1)   # [E, 2*OUT_FEAT]
    w = jnp.take(attn_w, edge_type, axis=0)        # [E, 2*OUT_FEAT, NUM_HEADS]
    a = jnp.einsum('ec,ech->eh', z2, w)            # [E, NUM_HEADS]
    att = jax.nn.leaky_relu(a, negative_slope=0.01)
    # reduce: per dst node, sum over in-edges of flatten(outer(attention, z_src)); add self_z
    msg = (att[:, :, None] * z_src[:, None, :]).reshape(E, NUM_HEADS * OUT_FEAT)
    agg = jax.ops.segment_sum(msg, dst, num_segments=N)
    h = agg + self_z
    return h

if __name__ == "__main__":
    import jax
    _d = setup_inputs()
    print(jax.jit(kernel)(*tuple(_d.values())))

</pallas_src>

<mosaic_0001>
#map = affine_map<(d0, d1) -> (0, 0)>
#map1 = affine_map<(d0, d1) -> (0)>
#map2 = affine_map<(d0, d1) -> (0, 0, 0, 0)>
module attributes {stable_mosaic.version = 14 : i64} {
  func.func @_sc_edge_kernel(%arg0: i32, %arg1: i32, %arg2: memref<10000x128xf32, #tpu.memory_space<hbm>>, %arg3: memref<200000x16xf32, #tpu.memory_space<hbm>>, %arg4: memref<200000x16xf32, #tpu.memory_space<hbm>>, %arg5: memref<163840xi32, #tpu.memory_space<hbm>>, %arg6: memref<163840xi32, #tpu.memory_space<hbm>>, %arg7: memref<163840xi32, #tpu.memory_space<hbm>>, %arg8: memref<2x5x10240x128xf32, #tpu.memory_space<hbm>>, %arg9: memref<5120xi32, #tpu.memory_space<vmem>>, %arg10: memref<5120xi32, #tpu.memory_space<vmem>>, %arg11: memref<64x16xf32, #tpu.memory_space<vmem>>, %arg12: memref<64x16xf32, #tpu.memory_space<vmem>>, %arg13: memref<64x128xf32, #tpu.memory_space<vmem>>, %arg14: memref<64x128xf32, #tpu.memory_space<vmem>>, %arg15: memref<64xi32, #tpu.memory_space<vmem>>, %arg16: memref<64xi32, #tpu.memory_space<vmem>>, %arg17: memref<64xi32, #tpu.memory_space<vmem>>, %arg18: memref<64x16xf32, #tpu.memory_space<vmem>>, %arg19: memref<64x16xf32, #tpu.memory_space<vmem>>, %arg20: memref<64x128xf32, #tpu.memory_space<vmem>>, %arg21: memref<64x128xf32, #tpu.memory_space<vmem>>, %arg22: memref<64xi32, #tpu.memory_space<vmem>>, %arg23: memref<64xi32, #tpu.memory_space<vmem>>, %arg24: memref<64xi32, #tpu.memory_space<vmem>>, %arg25: memref<64xf32, #tpu.memory_space<vmem>>, %arg26: memref<10240x128xf32, #tpu.memory_space<vmem_shared>>, %arg27: memref<!tpu.dma_semaphore, #tpu.memory_space<semaphore_mem>>, %arg28: memref<!tpu.dma_semaphore, #tpu.memory_space<semaphore_mem>>, %arg29: memref<!tpu.dma_semaphore, #tpu.memory_space<semaphore_mem>>, %arg30: memref<!tpu.dma_semaphore, #tpu.memory_space<semaphore_mem>>) attributes {dimension_semantics = [#tpu.dimension_semantics<core_parallel>, #tpu.dimension_semantics<subcore_parallel>], iteration_bounds = array<i64: 2, 16>, scalar_prefetch = 0 : i64, scratch_operands = 22 : i64, tpu.core_type = #tpu.core_type<sc_vector_subcore>, window_params = [{transform_indices = #map}, {transform_indices = #map}, {transform_indices = #map}, {transform_indices = #map1}, {transform_indices = #map1}, {transform_indices = #map1}, {transform_indices = #map2}]} {
    %mul3A = arith.constant 16 : i32
    %mul3A_0 = arith.muli %arg0, %mul3A : i32
    %add3A = arith.addi %mul3A_0, %arg1 : i32
    %mul3A_1 = arith.constant 5120 : i32
    %mul3A_2 = arith.muli %add3A, %mul3A_1 : i32
    "tpu.region"() ({
      %run_scoped3A = tpu.sem_alloc : memref<!tpu.dma_semaphore, #tpu.memory_space<semaphore_mem>>
      %dma_start3A = tpu.memref_slice %arg5[%mul3A_2] : memref<163840xi32, #tpu.memory_space<hbm>> -> memref<5120xi32, #tpu.memory_space<hbm>>
      %dma_start3A_9 = tpu.memref_slice %arg5[%mul3A_2] : memref<163840xi32, #tpu.memory_space<hbm>> -> memref<5120xi32, #tpu.memory_space<hbm>>
      tpu.enqueue_dma source(%dma_start3A_9 : memref<5120xi32, #tpu.memory_space<hbm>>) target(%arg9 : memref<5120xi32, #tpu.memory_space<vmem>>) target_semaphore(%run_scoped3A : memref<!tpu.dma_semaphore, #tpu.memory_space<semaphore_mem>>)
      %dma_wait3A = tpu.memref_slice %arg5[%mul3A_2] : memref<163840xi32, #tpu.memory_space<hbm>> -> memref<5120xi32, #tpu.memory_space<hbm>>
      %dma_wait3A_10 = tpu.memref_slice %arg5[%mul3A_2] : memref<163840xi32, #tpu.memory_space<hbm>> -> memref<5120xi32, #tpu.memory_space<hbm>>
      tpu.wait_dma2 semaphore(%run_scoped3A : memref<!tpu.dma_semaphore, #tpu.memory_space<semaphore_mem>>) src(%dma_wait3A_10 : memref<5120xi32, #tpu.memory_space<hbm>>) dst(%arg9 : memref<5120xi32, #tpu.memory_space<vmem>>)
      tpu.yield
    }) : () -> ()
    "tpu.region"() ({
      %run_scoped3A = tpu.sem_alloc : memref<!tpu.dma_semaphore, #tpu.memory_space<semaphore_mem>>
      %dma_start3A = tpu.memref_slice %arg7[%mul3A_2] : memref<163840xi32, #tpu.memory_space<hbm>> -> memref<5120xi32, #tpu.memory_space<hbm>>
      %dma_start3A_9 = tpu.memref_slice %arg7[%mul3A_2] : memref<163840xi32, #tpu.memory_space<hbm>> -> memref<5120xi32, #tpu.memory_space<hbm>>
      tpu.enqueue_dma source(%dma_start3A_9 : memref<5120xi32, #tpu.memory_space<hbm>>) target(%arg10 : memref<5120xi32, #tpu.memory_space<vmem>>) target_semaphore(%run_scoped3A : memref<!tpu.dma_semaphore, #tpu.memory_space<semaphore_mem>>)
      %dma_wait3A = tpu.memref_slice %arg7[%mul3A_2] : memref<163840xi32, #tpu.memory_space<hbm>> -> memref<5120xi32, #tpu.memory_space<hbm>>
      %dma_wait3A_10 = tpu.memref_slice %arg7[%mul3A_2] : memref<163840xi32, #tpu.memory_space<hbm>> -> memref<5120xi32, #tpu.memory_space<hbm>>
      tpu.wait_dma2 semaphore(%run_scoped3A : memref<!tpu.dma_semaphore, #tpu.memory_space<semaphore_mem>>) src(%dma_wait3A_10 : memref<5120xi32, #tpu.memory_space<hbm>>) dst(%arg10 : memref<5120xi32, #tpu.memory_space<vmem>>)
      tpu.yield
    }) : () -> ()
    %parallel_loop3A = arith.constant 0 : i32
    %parallel_loop3A_3 = arith.constant 5120 : i32
    %parallel_loop3A_4 = arith.constant 16 : i32
    scf.for %parallel_loop3A_9 = %parallel_loop3A to %parallel_loop3A_3 step %parallel_loop3A_4  : i32 {
      %parallel_loop3A_10 = arith.index_cast %parallel_loop3A_9 : i32 to index
      %parallel_loop3A_11 = tpu.vector_load %arg9[%parallel_loop3A_10] {strides = array<i32>} : memref<5120xi32, #tpu.memory_space<vmem>>, vector<16xi32>,
      %parallel_loop3A_12 = arith.constant 20 : i32
      %parallel_loop3A_13 = vector.broadcast %parallel_loop3A_12 : i32 to vector<16xi32>
      %parallel_loop3A_14 = arith.muli %parallel_loop3A_11, %parallel_loop3A_13 : vector<16xi32>
      %parallel_loop3A_15 = arith.index_cast %parallel_loop3A_9 : i32 to index
      %parallel_loop3A_16 = tpu.vector_load %arg10[%parallel_loop3A_15] {strides = array<i32>} : memref<5120xi32, #tpu.memory_space<vmem>>, vector<16xi32>,
      %parallel_loop3A_17 = arith.addi %parallel_loop3A_14, %parallel_loop3A_16 : vector<16xi32>
      %parallel_loop3A_18 = arith.index_cast %parallel_loop3A_9 : i32 to index
      %parallel_loop3A_19 = tpu.vector_load %arg9[%parallel_loop3A_18] {strides = array<i32>} : memref<5120xi32, #tpu.memory_space<vmem>>, vector<16xi32>,
      tpu.vector_store %arg9[%parallel_loop3A_18], %parallel_loop3A_17 {strides = array<i32>} : memref<5120xi32, #tpu.memory_space<vmem>>, vector<16xi32>,
    } {sc.loop_unroll_factor = 4 : i64, sc.parallel_access}
    "tpu.region"() ({
      %run_scoped3A = tpu.sem_alloc : memref<!tpu.dma_semaphore, #tpu.memory_space<semaphore_mem>>
      %dma_start3A = tpu.memref_slice %arg6[%mul3A_2] : memref<163840xi32, #tpu.memory_space<hbm>> -> memref<5120xi32, #tpu.memory_space<hbm>>
      %dma_start3A_9 = tpu.memref_slice %arg6[%mul3A_2] : memref<163840xi32, #tpu.memory_space<hbm>> -> memref<5120xi32, #tpu.memory_space<hbm>>
      tpu.enqueue_dma source(%dma_start3A_9 : memref<5120xi32, #tpu.memory_space<hbm>>) target(%arg10 : memref<5120xi32, #tpu.memory_space<vmem>>) target_semaphore(%run_scoped3A : memref<!tpu.dma_semaphore, #tpu.memory_space<semaphore_mem>>)
      %dma_wait3A = tpu.memref_slice %arg6[%mul3A_2] : memref<163840xi32, #tpu.memory_space<hbm>> -> memref<5120xi32, #tpu.memory_space<hbm>>
      %dma_wait3A_10 = tpu.memref_slice %arg6[%mul3A_2] : memref<163840xi32, #tpu.memory_space<hbm>> -> memref<5120xi32, #tpu.memory_space<hbm>>
      tpu.wait_dma2 semaphore(%run_scoped3A : memref<!tpu.dma_semaphore, #tpu.memory_space<semaphore_mem>>) src(%dma_wait3A_10 : memref<5120xi32, #tpu.memory_space<hbm>>) dst(%arg10 : memref<5120xi32, #tpu.memory_space<vmem>>)
      tpu.yield
    }) : () -> ()
    %scan3A = arith.constant 0 : i32
    %scan3A_5 = arith.constant 5 : i32
    %scan3A_6 = arith.addi %scan3A, %scan3A_5 : i32
    %scan3A_7 = arith.constant 1 : i32
    scf.for %scan3A_9 = %scan3A to %scan3A_6 step %scan3A_7  : i32 {
      %mul3A_10 = arith.constant 1 : i32
      %mul3A_11 = arith.muli %scan3A_9, %mul3A_10 : i32
      %add3A_12 = arith.constant 0 : i32
      %add3A_13 = arith.addi %add3A_12, %mul3A_11 : i32
      %broadcast_in_dim3A = arith.constant 0.000000e+00 : f32
      %broadcast_in_dim3A_14 = vector.broadcast %broadcast_in_dim3A : f32 to vector<16xf32>
      %parallel_loop3A_15 = arith.constant 0 : i32
      %parallel_loop3A_16 = arith.constant 64 : i32
      %parallel_loop3A_17 = arith.constant 1 : i32
      scf.for %parallel_loop3A_71 = %parallel_loop3A_15 to %parallel_loop3A_16 step %parallel_loop3A_17  : i32 {
        %parallel_loop3A_72 = arith.index_cast %parallel_loop3A_71 : i32 to index
        %parallel_loop3A_73 = arith.constant 0 : index
        %parallel_loop3A_74 = tpu.vector_load %arg14[%parallel_loop3A_72, %parallel_loop3A_73] {strides = array<i32>} : memref<64x128xf32, #tpu.memory_space<vmem>>, vector<16xf32>,
        tpu.vector_store %arg14[%parallel_loop3A_72, %parallel_loop3A_73], %broadcast_in_dim3A_14 {strides = array<i32>} : memref<64x128xf32, #tpu.memory_space<vmem>>, vector<16xf32>,
        %parallel_loop3A_75 = arith.index_cast %parallel_loop3A_71 : i32 to index
        %parallel_loop3A_76 = arith.constant 16 : index
        %parallel_loop3A_77 = tpu.vector_load %arg14[%parallel_loop3A_75, %parallel_loop3A_76] {strides = array<i32>} : memref<64x128xf32, #tpu.memory_space<vmem>>, vector<16xf32>,
        tpu.vector_store %arg14[%parallel_loop3A_75, %parallel_loop3A_76], %broadcast_in_dim3A_14 {strides = array<i32>} : memref<64x128xf32, #tpu.memory_space<vmem>>, vector<16xf32>,
        %parallel_loop3A_78 = arith.index_cast %parallel_loop3A_71 : i32 to index
        %parallel_loop3A_79 = arith.constant 32 : index
        %parallel_loop3A_80 = tpu.vector_load %arg14[%parallel_loop3A_78, %parallel_loop3A_79] {strides = array<i32>} : memref<64x128xf32, #tpu.memory_space<vmem>>, vector<16xf32>,
        tpu.vector_store %arg14[%parallel_loop3A_78, %parallel_loop3A_79], %broadcast_in_dim3A_14 {strides = array<i32>} : memref<64x128xf32, #tpu.memory_space<vmem>>, vector<16xf32>,
        %parallel_loop3A_81 = arith.index_cast %parallel_loop3A_71 : i32 to index
        %parallel_loop3A_82 = arith.constant 48 : index
        %parallel_loop3A_83 = tpu.vector_load %arg14[%parallel_loop3A_81, %parallel_loop3A_82] {strides = array<i32>} : memref<64x128xf32, #tpu.memory_space<vmem>>, vector<16xf32>,
        tpu.vector_store %arg14[%parallel_loop3A_81, %parallel_loop3A_82], %broadcast_in_dim3A_14 {strides = array<i32>} : memref<64x128xf32, #tpu.memory_space<vmem>>, vector<16xf32>,
        %parallel_loop3A_84 = arith.index_cast %parallel_loop3A_71 : i32 to index
        %parallel_loop3A_85 = arith.constant 64 : index
        %parallel_loop3A_86 = tpu.vector_load %arg14[%parallel_loop3A_84, %parallel_loop3A_85] {strides = array<i32>} : memref<64x128xf32, #tpu.memory_space<vmem>>, vector<16xf32>,
        tpu.vector_store %arg14[%parallel_loop3A_84, %parallel_loop3A_85], %broadcast_in_dim3A_14 {strides = array<i32>} : memref<64x128xf32, #tpu.memory_space<vmem>>, vector<16xf32>,
        %parallel_loop3A_87 = arith.index_cast %parallel_loop3A_71 : i32 to index
        %parallel_loop3A_88 = arith.constant 80 : index
        %parallel_loop3A_89 = tpu.vector_load %arg14[%parallel_loop3A_87, %parallel_loop3A_88] {strides = array<i32>} : memref<64x128xf32, #tpu.memory_space<vmem>>, vector<16xf32>,
        tpu.vector_store %arg14[%parallel_loop3A_87, %parallel_loop3A_88], %broadcast_in_dim3A_14 {strides = array<i32>} : memref<64x128xf32, #tpu.memory_space<vmem>>, vector<16xf32>,
        %parallel_loop3A_90 = arith.index_cast %parallel_loop3A_71 : i32 to index
        %parallel_loop3A_91 = arith.constant 96 : index
        %parallel_loop3A_92 = tpu.vector_load %arg14[%parallel_loop3A_90, %parallel_loop3A_91] {strides = array<i32>} : memref<64x128xf32, #tpu.memory_space<vmem>>, vector<16xf32>,
        tpu.vector_store %arg14[%parallel_loop3A_90, %parallel_loop3A_91], %broadcast_in_dim3A_14 {strides = array<i32>} : memref<64x128xf32, #tpu.memory_space<vmem>>, vector<16xf32>,
        %parallel_loop3A_93 = arith.index_cast %parallel_loop3A_71 : i32 to index
        %parallel_loop3A_94 = arith.constant 112 : index
        %parallel_loop3A_95 = tpu.vector_load %arg14[%parallel_loop3A_93, %parallel_loop3A_94] {strides = array<i32>} : memref<64x128xf32, #tpu.memory_space<vmem>>, vector<16xf32>,
        tpu.vector_store %arg14[%parallel_loop3A_93, %parallel_loop3A_94], %broadcast_in_dim3A_14 {strides = array<i32>} : memref<64x128xf32, #tpu.memory_space<vmem>>, vector<16xf32>,
      } {sc.loop_unroll_factor = 4 : i64, sc.parallel_access}
      %scan3A_18 = arith.constant 0 : i32
      %scan3A_19 = arith.constant 10 : i32
      %scan3A_20 = arith.addi %scan3A_18, %scan3A_19 : i32
      %scan3A_21 = arith.constant 1 : i32
      scf.for %scan3A_71 = %scan3A_18 to %scan3A_20 step %scan3A_21  : i32 {
        %mul3A_72 = arith.constant 1 : i32
        %mul3A_73 = arith.muli %scan3A_71, %mul3A_72 : i32
        %add3A_74 = arith.constant 0 : i32
        %add3A_75 = arith.addi %add3A_74, %mul3A_73 : i32
        %mul3A_76 = arith.constant 640 : i32
        %mul3A_77 = arith.muli %arg1, %mul3A_76 : i32
        %mul3A_78 = arith.constant 64 : i32
        %mul3A_79 = arith.muli %add3A_75, %mul3A_78 : i32
        %add3A_80 = arith.addi %mul3A_77, %mul3A_79 : i32
        %dma_start3A_81 = arith.constant 0 : i32
        %dma_start3A_82 = tpu.memref_slice %arg26[%add3A_80, %dma_start3A_81] : memref<10240x128xf32, #tpu.memory_space<vmem_shared>> -> memref<64x128xf32, #tpu.memory_space<vmem_shared>>
        %dma_start3A_83 = arith.constant 0 : i32
        %dma_start3A_84 = tpu.memref_slice %arg26[%add3A_80, %dma_start3A_83] : memref<10240x128xf32, #tpu.memory_space<vmem_shared>> -> memref<64x128xf32, #tpu.memory_space<vmem_shared>>
        tpu.enqueue_dma source(%arg14 : memref<64x128xf32, #tpu.memory_space<vmem>>) target(%dma_start3A_84 : memref<64x128xf32, #tpu.memory_space<vmem_shared>>) target_semaphore(%arg29 : memref<!tpu.dma_semaphore, #tpu.memory_space<semaphore_mem>>)
      }
      %scan3A_22 = arith.constant 10 : i32
      %scan3A_23 = arith.constant 0 : i32
      %scan3A_24 = arith.constant 10 : i32
      %scan3A_25 = arith.addi %scan3A_23, %scan3A_24 : i32
      %scan3A_26 = arith.constant 1 : i32
      scf.for %scan3A_71 = %scan3A_23 to %scan3A_25 step %scan3A_26  : i32 {
        %mul3A_72 = arith.constant 1 : i32
        %mul3A_73 = arith.muli %scan3A_71, %mul3A_72 : i32
        %add3A_74 = arith.constant 0 : i32
        %add3A_75 = arith.addi %add3A_74, %mul3A_73 : i32
        %mul3A_76 = arith.constant 640 : i32
        %mul3A_77 = arith.muli %arg1, %mul3A_76 : i32
        %mul3A_78 = arith.constant 64 : i32
        %mul3A_79 = arith.muli %add3A_75, %mul3A_78 : i32
        %add3A_80 = arith.addi %mul3A_77, %mul3A_79 : i32
        %dma_wait3A_81 = arith.constant 0 : i32
        %dma_wait3A_82 = tpu.memref_slice %arg26[%add3A_80, %dma_wait3A_81] : memref<10240x128xf32, #tpu.memory_space<vmem_shared>> -> memref<64x128xf32, #tpu.memory_space<vmem_shared>>
        %dma_wait3A_83 = arith.constant 0 : i32
        %dma_wait3A_84 = tpu.memref_slice %arg26[%add3A_80, %dma_wait3A_83] : memref<10240x128xf32, #tpu.memory_space<vmem_shared>> -> memref<64x128xf32, #tpu.memory_space<vmem_shared>>
        tpu.wait_dma2 semaphore(%arg29 : memref<!tpu.dma_semaphore, #tpu.memory_space<semaphore_mem>>) src(%arg14 : memref<64x128xf32, #tpu.memory_space<vmem>>) dst(%dma_wait3A_84 : memref<64x128xf32, #tpu.memory_space<vmem_shared>>)
      }
      %scan3A_27 = arith.constant 10 : i32
      %barrier3A = arith.constant 0 : index
      tpu.barrier barrier_id(%barrier3A)
      %parallel_loop3A_28 = arith.constant 0 : i32
      %parallel_loop3A_29 = arith.constant 64 : i32
      %parallel_loop3A_30 = arith.constant 16 : i32
      scf.for %parallel_loop3A_71 = %parallel_loop3A_28 to %parallel_loop3A_29 step %parallel_loop3A_30  : i32 {
        %parallel_loop3A_72 = arith.constant 0 : i32
        %parallel_loop3A_73 = arith.addi %parallel_loop3A_72, %parallel_loop3A_71 : i32
        %parallel_loop3A_74 = arith.index_cast %parallel_loop3A_73 : i32 to index
        %parallel_loop3A_75 = tpu.vector_load %arg9[%parallel_loop3A_74] {strides = array<i32>} : memref<5120xi32, #tpu.memory_space<vmem>>, vector<16xi32>,
        %parallel_loop3A_76 = arith.constant 0 : i32
        %parallel_loop3A_77 = arith.addi %parallel_loop3A_76, %parallel_loop3A_71 : i32
        %parallel_loop3A_78 = arith.index_cast %parallel_loop3A_77 : i32 to index
        %parallel_loop3A_79 = tpu.vector_load %arg10[%parallel_loop3A_78] {strides = array<i32>} : memref<5120xi32, #tpu.memory_space<vmem>>, vector<16xi32>,
        %parallel_loop3A_80 = arith.constant 20 : i32
        %parallel_loop3A_81 = vector.broadcast %parallel_loop3A_80 : i32 to vector<16xi32>
        %parallel_loop3A_82 = arith.divsi %parallel_loop3A_75, %parallel_loop3A_81 : vector<16xi32>
        %parallel_loop3A_83 = arith.constant 0 : i32
        %parallel_loop3A_84 = vector.broadcast %parallel_loop3A_83 : i32 to vector<16xi32>
        %parallel_loop3A_85 = arith.cmpi sgt, %parallel_loop3A_75, %parallel_loop3A_84 : vector<16xi32>
        %parallel_loop3A_86 = arith.extui %parallel_loop3A_85 : vector<16xi1> to vector<16xi32>
        %parallel_loop3A_87 = arith.constant 0 : i32
        %parallel_loop3A_88 = vector.broadcast %parallel_loop3A_87 : i32 to vector<16xi32>
        %parallel_loop3A_89 = arith.cmpi slt, %parallel_loop3A_75, %parallel_loop3A_88 : vector<16xi32>
        %parallel_loop3A_90 = arith.extui %parallel_loop3A_89 : vector<16xi1> to vector<16xi32>
        %parallel_loop3A_91 = arith.subi %parallel_loop3A_86, %parallel_loop3A_90 : vector<16xi32>
        %parallel_loop3A_92 = arith.constant 0 : i32
        %parallel_loop3A_93 = arith.cmpi sgt, %parallel_loop3A_80, %parallel_loop3A_92 : i32
        %parallel_loop3A_94 = arith.extui %parallel_loop3A_93 : i1 to i32
        %parallel_loop3A_95 = arith.constant 0 : i32
        %parallel_loop3A_96 = arith.cmpi slt, %parallel_loop3A_80, %parallel_loop3A_95 : i32
        %parallel_loop3A_97 = arith.extui %parallel_loop3A_96 : i1 to i32
        %parallel_loop3A_98 = arith.subi %parallel_loop3A_94, %parallel_loop3A_97 : i32
        %parallel_loop3A_99 = vector.broadcast %parallel_loop3A_98 : i32 to vector<16xi32>
        %parallel_loop3A_100 = arith.cmpi ne, %parallel_loop3A_91, %parallel_loop3A_99 : vector<16xi32>
        %parallel_loop3A_101 = vector.broadcast %parallel_loop3A_80 : i32 to vector<16xi32>
        %parallel_loop3A_102 = arith.remsi %parallel_loop3A_75, %parallel_loop3A_101 : vector<16xi32>
        %parallel_loop3A_103 = arith.constant 0 : i32
        %parallel_loop3A_104 = vector.broadcast %parallel_loop3A_103 : i32 to vector<16xi32>
        %parallel_loop3A_105 = arith.cmpi ne, %parallel_loop3A_102, %parallel_loop3A_104 : vector<16xi32>
        %parallel_loop3A_106 = arith.andi %parallel_loop3A_100, %parallel_loop3A_105 : vector<16xi1>
        %parallel_loop3A_107 = arith.constant 1 : i32
        %parallel_loop3A_108 = vector.broadcast %parallel_loop3A_107 : i32 to vector<16xi32>
        %parallel_loop3A_109 = arith.subi %parallel_loop3A_82, %parallel_loop3A_108 : vector<16xi32>
        %parallel_loop3A_110 = arith.select %parallel_loop3A_106, %parallel_loop3A_109, %parallel_loop3A_82 : vector<16xi1>, vector<16xi32>
        %parallel_loop3A_111 = arith.index_cast %parallel_loop3A_71 : i32 to index
        %parallel_loop3A_112 = tpu.vector_load %arg15[%parallel_loop3A_111] {strides = array<i32>} : memref<64xi32, #tpu.memory_space<vmem>>, vector<16xi32>,
        tpu.vector_store %arg15[%parallel_loop3A_111], %parallel_loop3A_110 {strides = array<i32>} : memref<64xi32, #tpu.memory_space<vmem>>, vector<16xi32>,
        %parallel_loop3A_113 = arith.constant 20 : i32
        %parallel_loop3A_114 = vector.broadcast %parallel_loop3A_113 : i32 to vector<16xi32>
        %parallel_loop3A_115 = arith.muli %parallel_loop3A_79, %parallel_loop3A_114 : vector<16xi32>
        %parallel_loop3A_116 = arith.constant 20 : i32
        %parallel_loop3A_117 = vector.broadcast %parallel_loop3A_116 : i32 to vector<16xi32>
        %parallel_loop3A_118 = arith.muli %parallel_loop3A_110, %parallel_loop3A_117 : vector<16xi32>
        %parallel_loop3A_119 = arith.subi %parallel_loop3A_75, %parallel_loop3A_118 : vector<16xi32>
        %parallel_loop3A_120 = arith.addi %parallel_loop3A_115, %parallel_loop3A_119 : vector<16xi32>
        %parallel_loop3A_121 = arith.index_cast %parallel_loop3A_71 : i32 to index
        %parallel_loop3A_122 = tpu.vector_load %arg16[%parallel_loop3A_121] {strides = array<i32>} : memref<64xi32, #tpu.memory_space<vmem>>, vector<16xi32>,
        tpu.vector_store %arg16[%parallel_loop3A_121], %parallel_loop3A_120 {strides = array<i32>} : memref<64xi32, #tpu.memory_space<vmem>>, vector<16xi32>,
      } {sc.loop_unroll_factor = 2 : i64, sc.parallel_access}
      %dma_start3A = arith.constant 0 : i32
      %dma_start3A_31 = tpu.memref_slice %arg9[%dma_start3A] : memref<5120xi32, #tpu.memory_space<vmem>> -> memref<64xi32, #tpu.memory_space<vmem>>
      %dma_start3A_32 = arith.constant 0 : i32
      %dma_start3A_33 = arith.constant 0 : i32
      %dma_start3A_34 = tpu.memref_slice %arg3[%dma_start3A_32, %dma_start3A_33] : memref<200000x16xf32, #tpu.memory_space<hbm>> -> memref<200000x16xf32, #tpu.memory_space<hbm>>
      tpu.enqueue_indirect_dma source(%dma_start3A_34 : memref<200000x16xf32, #tpu.memory_space<hbm>>) target(%arg11 : memref<64x16xf32, #tpu.memory_space<vmem>>) offsets(%dma_start3A_31 : memref<64xi32, #tpu.memory_space<vmem>>) semaphore(%arg27 : memref<!tpu.dma_semaphore, #tpu.memory_space<semaphore_mem>>)
      %dma_start3A_35 = arith.constant 0 : i32
      %dma_start3A_36 = arith.constant 0 : i32
      %dma_start3A_37 = tpu.memref_slice %arg4[%dma_start3A_35, %dma_start3A_36] : memref<200000x16xf32, #tpu.memory_space<hbm>> -> memref<200000x16xf32, #tpu.memory_space<hbm>>
      tpu.enqueue_indirect_dma source(%dma_start3A_37 : memref<200000x16xf32, #tpu.memory_space<hbm>>) target(%arg12 : memref<64x16xf32, #tpu.memory_space<vmem>>) offsets(%arg16 : memref<64xi32, #tpu.memory_space<vmem>>) semaphore(%arg27 : memref<!tpu.dma_semaphore, #tpu.memory_space<semaphore_mem>>)
      %dma_start3A_38 = arith.constant 0 : i32
      %dma_start3A_39 = arith.constant 0 : i32
      %dma_start3A_40 = tpu.memref_slice %arg2[%dma_start3A_38, %dma_start3A_39] : memref<10000x128xf32, #tpu.memory_space<hbm>> -> memref<10000x128xf32, #tpu.memory_space<hbm>>
      tpu.enqueue_indirect_dma source(%dma_start3A_40 : memref<10000x128xf32, #tpu.memory_space<hbm>>) target(%arg13 : memref<64x128xf32, #tpu.memory_space<vmem>>) offsets(%arg15 : memref<64xi32, #tpu.memory_space<vmem>>) semaphore(%arg27 : memref<!tpu.dma_semaphore, #tpu.memory_space<semaphore_mem>>)
      %parallel_loop3A_41 = arith.constant 0 : i32
      %parallel_loop3A_42 = arith.constant 64 : i32
      %parallel_loop3A_43 = arith.constant 16 : i32
      scf.for %parallel_loop3A_71 = %parallel_loop3A_41 to %parallel_loop3A_42 step %parallel_loop3A_43  : i32 {
        %parallel_loop3A_72 = arith.constant 64 : i32
        %parallel_loop3A_73 = arith.addi %parallel_loop3A_72, %parallel_loop3A_71 : i32
        %parallel_loop3A_74 = arith.index_cast %parallel_loop3A_73 : i32 to index
        %parallel_loop3A_75 = tpu.vector_load %arg9[%parallel_loop3A_74] {strides = array<i32>} : memref<5120xi32, #tpu.memory_space<vmem>>, vector<16xi32>,
        %parallel_loop3A_76 = arith.constant 64 : i32
        %parallel_loop3A_77 = arith.addi %parallel_loop3A_76, %parallel_loop3A_71 : i32
        %parallel_loop3A_78 = arith.index_cast %parallel_loop3A_77 : i32 to index
        %parallel_loop3A_79 = tpu.vector_load %arg10[%parallel_loop3A_78] {strides = array<i32>} : memref<5120xi32, #tpu.memory_space<vmem>>, vector<16xi32>,
        %parallel_loop3A_80 = arith.constant 20 : i32
        %parallel_loop3A_81 = vector.broadcast %parallel_loop3A_80 : i32 to vector<16xi32>
        %parallel_loop3A_82 = arith.divsi %parallel_loop3A_75, %parallel_loop3A_81 : vector<16xi32>
        %parallel_loop3A_83 = arith.constant 0 : i32
        %parallel_loop3A_84 = vector.broadcast %parallel_loop3A_83 : i32 to vector<16xi32>
        %parallel_loop3A_85 = arith.cmpi sgt, %parallel_loop3A_75, %parallel_loop3A_84 : vector<16xi32>
        %parallel_loop3A_86 = arith.extui %parallel_loop3A_85 : vector<16xi1> to vector<16xi32>
        %parallel_loop3A_87 = arith.constant 0 : i32
        %parallel_loop3A_88 = vector.broadcast %parallel_loop3A_87 : i32 to vector<16xi32>
        %parallel_loop3A_89 = arith.cmpi slt, %parallel_loop3A_75, %parallel_loop3A_88 : vector<16xi32>
        %parallel_loop3A_90 = arith.extui %parallel_loop3A_89 : vector<16xi1> to vector<16xi32>
        %parallel_loop3A_91 = arith.subi %parallel_loop3A_86, %parallel_loop3A_90 : vector<16xi32>
        %parallel_loop3A_92 = arith.constant 0 : i32
        %parallel_loop3A_93 = arith.cmpi sgt, %parallel_loop3A_80, %parallel_loop3A_92 : i32
        %parallel_loop3A_94 = arith.extui %parallel_loop3A_93 : i1 to i32
        %parallel_loop3A_95 = arith.constant 0 : i32
        %parallel_loop3A_96 = arith.cmpi slt, %parallel_loop3A_80, %parallel_loop3A_95 : i32
        %parallel_loop3A_97 = arith.extui %parallel_loop3A_96 : i1 to i32
        %parallel_loop3A_98 = arith.subi %parallel_loop3A_94, %parallel_loop3A_97 : i32
        %parallel_loop3A_99 = vector.broadcast %parallel_loop3A_98 : i32 to vector<16xi32>
        %parallel_loop3A_100 = arith.cmpi ne, %parallel_loop3A_91, %parallel_loop3A_99 : vector<16xi32>
        %parallel_loop3A_101 = vector.broadcast %parallel_loop3A_80 : i32 to vector<16xi32>
        %parallel_loop3A_102 = arith.remsi %parallel_loop3A_75, %parallel_loop3A_101 : vector<16xi32>
        %parallel_loop3A_103 = arith.constant 0 : i32
        %parallel_loop3A_104 = vector.broadcast %parallel_loop3A_103 : i32 to vector<16xi32>
        %parallel_loop3A_105 = arith.cmpi ne, %parallel_loop3A_102, %parallel_loop3A_104 : vector<16xi32>
        %parallel_loop3A_106 = arith.andi %parallel_loop3A_100, %parallel_loop3A_105 : vector<16xi1>
        %parallel_loop3A_107 = arith.constant 1 : i32
        %parallel_loop3A_108 = vector.broadcast %parallel_loop3A_107 : i32 to vector<16xi32>
        %parallel_loop3A_109 = arith.subi %parallel_loop3A_82, %parallel_loop3A_108 : vector<16xi32>
        %parallel_loop3A_110 = arith.select %parallel_loop3A_106, %parallel_loop3A_109, %parallel_loop3A_82 : vector<16xi1>, vector<16xi32>
        %parallel_loop3A_111 = arith.index_cast %parallel_loop3A_71 : i32 to index
        %parallel_loop3A_112 = tpu.vector_load %arg22[%parallel_loop3A_111] {strides = array<i32>} : memref<64xi32, #tpu.memory_space<vmem>>, vector<16xi32>,
        tpu.vector_store %arg22[%parallel_loop3A_111], %parallel_loop3A_110 {strides = array<i32>} : memref<64xi32, #tpu.memory_space<vmem>>, vector<16xi32>,
        %parallel_loop3A_113 = arith.constant 20 : i32
        %parallel_loop3A_114 = vector.broadcast %parallel_loop3A_113 : i32 to vector<16xi32>
        %parallel_loop3A_115 = arith.muli %parallel_loop3A_79, %parallel_loop3A_114 : vector<16xi32>
        %parallel_loop3A_116 = arith.constant 20 : i32
        %parallel_loop3A_117 = vector.broadcast %parallel_loop3A_116 : i32 to vector<16xi32>
        %parallel_loop3A_118 = arith.muli %parallel_loop3A_110, %parallel_loop3A_117 : vector<16xi32>
        %parallel_loop3A_119 = arith.subi %parallel_loop3A_75, %parallel_loop3A_118 : vector<16xi32>
        %parallel_loop3A_120 = arith.addi %parallel_loop3A_115, %parallel_loop3A_119 : vector<16xi32>
        %parallel_loop3A_121 = arith.index_cast %parallel_loop3A_71 : i32 to index
        %parallel_loop3A_122 = tpu.vector_load %arg23[%parallel_loop3A_121] {strides = array<i32>} : memref<64xi32, #tpu.memory_space<vmem>>, vector<16xi32>,
        tpu.vector_store %arg23[%parallel_loop3A_121], %parallel_loop3A_120 {strides = array<i32>} : memref<64xi32, #tpu.memory_space<vmem>>, vector<16xi32>,
      } {sc.loop_unroll_factor = 2 : i64, sc.parallel_access}
      %dma_start3A_44 = arith.constant 64 : i32
      %dma_start3A_45 = tpu.memref_slice %arg9[%dma_start3A_44] : memref<5120xi32, #tpu.memory_space<vmem>> -> memref<64xi32, #tpu.memory_space<vmem>>
      %dma_start3A_46 = arith.constant 0 : i32
      %dma_start3A_47 = arith.constant 0 : i32
      %dma_start3A_48 = tpu.memref_slice %arg3[%dma_start3A_46, %dma_start3A_47] : memref<200000x16xf32, #tpu.memory_space<hbm>> -> memref<200000x16xf32, #tpu.memory_space<hbm>>
      tpu.enqueue_indirect_dma source(%dma_start3A_48 : memref<200000x16xf32, #tpu.memory_space<hbm>>) target(%arg18 : memref<64x16xf32, #tpu.memory_space<vmem>>) offsets(%dma_start3A_45 : memref<64xi32, #tpu.memory_space<vmem>>) semaphore(%arg28 : memref<!tpu.dma_semaphore, #tpu.memory_space<semaphore_mem>>)
      %dma_start3A_49 = arith.constant 0 : i32
      %dma_start3A_50 = arith.constant 0 : i32
      %dma_start3A_51 = tpu.memref_slice %arg4[%dma_start3A_49, %dma_start3A_50] : memref<200000x16xf32, #tpu.memory_space<hbm>> -> memref<200000x16xf32, #tpu.memory_space<hbm>>
      tpu.enqueue_indirect_dma source(%dma_start3A_51 : memref<200000x16xf32, #tpu.memory_space<hbm>>) target(%arg19 : memref<64x16xf32, #tpu.memory_space<vmem>>) offsets(%arg23 : memref<64xi32, #tpu.memory_space<vmem>>) semaphore(%arg28 : memref<!tpu.dma_semaphore, #tpu.memory_space<semaphore_mem>>)
      %dma_start3A_52 = arith.constant 0 : i32
      %dma_start3A_53 = arith.constant 0 : i32
      %dma_start3A_54 = tpu.memref_slice %arg2[%dma_start3A_52, %dma_start3A_53] : memref<10000x128xf32, #tpu.memory_space<hbm>> -> memref<10000x128xf32, #tpu.memory_space<hbm>>
      tpu.enqueue_indirect_dma source(%dma_start3A_54 : memref<10000x128xf32, #tpu.memory_space<hbm>>) target(%arg20 : memref<64x128xf32, #tpu.memory_space<vmem>>) offsets(%arg22 : memref<64xi32, #tpu.memory_space<vmem>>) semaphore(%arg28 : memref<!tpu.dma_semaphore, #tpu.memory_space<semaphore_mem>>)
      %scan3A_55 = arith.constant 0 : i32
      %scan3A_56 = arith.constant 40 : i32
      %scan3A_57 = arith.addi %scan3A_55, %scan3A_56 : i32
      %scan3A_58 = arith.constant 1 : i32
      scf.for %scan3A_71 = %scan3A_55 to %scan3A_57 step %scan3A_58  : i32 {
        %mul3A_72 = arith.constant 1 : i32
        %mul3A_73 = arith.muli %scan3A_71, %mul3A_72 : i32
        %add3A_74 = arith.constant 0 : i32
        %add3A_75 = arith.addi %add3A_74, %mul3A_73 : i32
        %mul3A_76 = arith.constant 2 : i32
        %mul3A_77 = arith.muli %mul3A_76, %add3A_75 : i32
        %mul3A_78 = arith.constant 64 : i32
        %mul3A_79 = arith.muli %mul3A_77, %mul3A_78 : i32
        %dma_wait3A_80 = tpu.memref_slice %arg9[%mul3A_79] : memref<5120xi32, #tpu.memory_space<vmem>> -> memref<64xi32, #tpu.memory_space<vmem>>
        %dma_wait3A_81 = arith.constant 0 : i32
        %dma_wait3A_82 = arith.constant 0 : i32
        %dma_wait3A_83 = tpu.memref_slice %arg3[%dma_wait3A_81, %dma_wait3A_82] : memref<200000x16xf32, #tpu.memory_space<hbm>> -> memref<200000x16xf32, #tpu.memory_space<hbm>>
        tpu.wait_indirect_dma semaphore(%arg27 : memref<!tpu.dma_semaphore, #tpu.memory_space<semaphore_mem>>) src(%dma_wait3A_83 : memref<200000x16xf32, #tpu.memory_space<hbm>>) dst(%arg11 : memref<64x16xf32, #tpu.memory_space<vmem>>)
        %dma_wait3A_84 = arith.constant 0 : i32
        %dma_wait3A_85 = arith.constant 0 : i32
        %dma_wait3A_86 = tpu.memref_slice %arg4[%dma_wait3A_84, %dma_wait3A_85] : memref<200000x16xf32, #tpu.memory_space<hbm>> -> memref<200000x16xf32, #tpu.memory_space<hbm>>
        tpu.wait_indirect_dma semaphore(%arg27 : memref<!tpu.dma_semaphore, #tpu.memory_space<semaphore_mem>>) src(%dma_wait3A_86 : memref<200000x16xf32, #tpu.memory_space<hbm>>) dst(%arg12 : memref<64x16xf32, #tpu.memory_space<vmem>>)
        %dma_wait3A_87 = arith.constant 0 : i32
        %dma_wait3A_88 = arith.constant 0 : i32
        %dma_wait3A_89 = tpu.memref_slice %arg2[%dma_wait3A_87, %dma_wait3A_88] : memref<10000x128xf32, #tpu.memory_space<hbm>> -> memref<10000x128xf32, #tpu.memory_space<hbm>>
        tpu.wait_indirect_dma semaphore(%arg27 : memref<!tpu.dma_semaphore, #tpu.memory_space<semaphore_mem>>) src(%dma_wait3A_89 : memref<10000x128xf32, #tpu.memory_space<hbm>>) dst(%arg13 : memref<64x128xf32, #tpu.memory_space<vmem>>)
        %gt3A = arith.constant 0 : i32
        %gt3A_90 = arith.cmpi sgt, %add3A_75, %gt3A : i32
        %convert_element_type3A = arith.extui %gt3A_90 : i1 to i32
        %cond3A = arith.constant 0 : i32
        %cond3A_91 = arith.cmpi ne, %convert_element_type3A, %cond3A : i32
        scf.if %cond3A_91 {
          %dma_wait3A_140 = arith.constant 0 : i32
          %dma_wait3A_141 = arith.constant 0 : i32
          %dma_wait3A_142 = tpu.memref_slice %arg26[%dma_wait3A_140, %dma_wait3A_141] : memref<10240x128xf32, #tpu.memory_space<vmem_shared>> -> memref<10240x128xf32, #tpu.memory_space<vmem_shared>>
          tpu.wait_indirect_dma semaphore(%arg29 : memref<!tpu.dma_semaphore, #tpu.memory_space<semaphore_mem>>) src(%arg14 : memref<64x128xf32, #tpu.memory_space<vmem>>) dst(%dma_wait3A_142 : memref<10240x128xf32, #tpu.memory_space<vmem_shared>>)
        } else {
        }
        %parallel_loop3A_92 = arith.constant 0 : i32
        %parallel_loop3A_93 = arith.constant 64 : i32
        %parallel_loop3A_94 = arith.constant 16 : i32
        scf.for %parallel_loop3A_140 = %parallel_loop3A_92 to %parallel_loop3A_93 step %parallel_loop3A_94  : i32 {
          %parallel_loop3A_141 = arith.constant 64 : i32
          %parallel_loop3A_142 = arith.muli %mul3A_77, %parallel_loop3A_141 : i32
          %parallel_loop3A_143 = arith.addi %parallel_loop3A_142, %parallel_loop3A_140 : i32
          %parallel_loop3A_144 = arith.index_cast %parallel_loop3A_143 : i32 to index
          %parallel_loop3A_145 = tpu.vector_load %arg10[%parallel_loop3A_144] {strides = array<i32>} : memref<5120xi32, #tpu.memory_space<vmem>>, vector<16xi32>,
          %parallel_loop3A_146 = arith.index_cast %parallel_loop3A_140 : i32 to index
          %parallel_loop3A_147 = tpu.vector_load %arg17[%parallel_loop3A_146] {strides = array<i32>} : memref<64xi32, #tpu.memory_space<vmem>>, vector<16xi32>,
          tpu.vector_store %arg17[%parallel_loop3A_146], %parallel_loop3A_145 {strides = array<i32>} : memref<64xi32, #tpu.memory_space<vmem>>, vector<16xi32>,
          %parallel_loop3A_148 = tpu.iota {dimensions = array<i32: 0>} : vector<16xi32>
          %parallel_loop3A_149 = vector.broadcast %parallel_loop3A_140 : i32 to vector<16xi32>
          %parallel_loop3A_150 = arith.addi %parallel_loop3A_148, %parallel_loop3A_149 : vector<16xi32>
          %parallel_loop3A_151 = arith.constant 0 : i32
          %parallel_loop3A_152 = vector.broadcast %parallel_loop3A_151 : i32 to vector<16xi32>
          %parallel_loop3A_153 = vector.broadcast %add3A_13 : i32 to vector<16xi32>
          %parallel_loop3A_154 = arith.addi %parallel_loop3A_152, %parallel_loop3A_153 : vector<16xi32>
          %parallel_loop3A_155 = tpu.vector_load_idx %arg11[%parallel_loop3A_150, %parallel_loop3A_154] : memref<64x16xf32, #tpu.memory_space<vmem>>[vector<16xi32>, vector<16xi32>], vector<16xf32>,
          %parallel_loop3A_156 = tpu.vector_load_idx %arg12[%parallel_loop3A_150, %parallel_loop3A_154] : memref<64x16xf32, #tpu.memory_space<vmem>>[vector<16xi32>, vector<16xi32>], vector<16xf32>,
          %parallel_loop3A_157 = arith.addf %parallel_loop3A_155, %parallel_loop3A_156 : vector<16xf32>
          %parallel_loop3A_158 = arith.constant 0.000000e+00 : f32
          %parallel_loop3A_159 = vector.broadcast %parallel_loop3A_158 : f32 to vector<16xf32>
          %parallel_loop3A_160 = arith.maximumf %parallel_loop3A_157, %parallel_loop3A_159 : vector<16xf32>
          %parallel_loop3A_161 = arith.constant 0.000000e+00 : f32
          %parallel_loop3A_162 = vector.broadcast %parallel_loop3A_161 : f32 to vector<16xf32>
          %parallel_loop3A_163 = arith.minimumf %parallel_loop3A_157, %parallel_loop3A_162 : vector<16xf32>
          %parallel_loop3A_164 = arith.constant 0.00999999977 : f32
          %parallel_loop3A_165 = vector.broadcast %parallel_loop3A_164 : f32 to vector<16xf32>
          %parallel_loop3A_166 = arith.mulf %parallel_loop3A_165, %parallel_loop3A_163 : vector<16xf32>
          %parallel_loop3A_167 = arith.addf %parallel_loop3A_160, %parallel_loop3A_166 : vector<16xf32>
          %parallel_loop3A_168 = arith.index_cast %parallel_loop3A_140 : i32 to index
          %parallel_loop3A_169 = tpu.vector_load %arg25[%parallel_loop3A_168] {strides = array<i32>} : memref<64xf32, #tpu.memory_space<vmem>>, vector<16xf32>,
          tpu.vector_store %arg25[%parallel_loop3A_168], %parallel_loop3A_167 {strides = array<i32>} : memref<64xf32, #tpu.memory_space<vmem>>, vector<16xf32>,
        } {sc.loop_unroll_factor = 2 : i64, sc.parallel_access}
        %parallel_loop3A_95 = arith.constant 0 : i32
        %parallel_loop3A_96 = arith.constant 64 : i32
        %parallel_loop3A_97 = arith.constant 1 : i32
        scf.for %parallel_loop3A_140 = %parallel_loop3A_95 to %parallel_loop3A_96 step %parallel_loop3A_97  : i32 {
          %parallel_loop3A_141 = arith.constant 0 : i32
          %parallel_loop3A_142 = vector.broadcast %parallel_loop3A_141 : i32 to vector<16xi32>
          %parallel_loop3A_143 = vector.broadcast %parallel_loop3A_140 : i32 to vector<16xi32>
          %parallel_loop3A_144 = arith.addi %parallel_loop3A_142, %parallel_loop3A_143 : vector<16xi32>
          %parallel_loop3A_145 = tpu.vector_load_idx %arg25[%parallel_loop3A_144] : memref<64xf32, #tpu.memory_space<vmem>>[vector<16xi32>], vector<16xf32>,
          %parallel_loop3A_146 = arith.index_cast %parallel_loop3A_140 : i32 to index
          %parallel_loop3A_147 = arith.constant 0 : index
          %parallel_loop3A_148 = tpu.vector_load %arg13[%parallel_loop3A_146, %parallel_loop3A_147] {strides = array<i32>} : memref<64x128xf32, #tpu.memory_space<vmem>>, vector<16xf32>,
          %parallel_loop3A_149 = arith.mulf %parallel_loop3A_145, %parallel_loop3A_148 : vector<16xf32>
          %parallel_loop3A_150 = arith.index_cast %parallel_loop3A_140 : i32 to index
          %parallel_loop3A_151 = arith.constant 0 : index
          %parallel_loop3A_152 = tpu.vector_load %arg14[%parallel_loop3A_150, %parallel_loop3A_151] {strides = array<i32>} : memref<64x128xf32, #tpu.memory_space<vmem>>, vector<16xf32>,
          tpu.vector_store %arg14[%parallel_loop3A_150, %parallel_loop3A_151], %parallel_loop3A_149 {strides = array<i32>} : memref<64x128xf32, #tpu.memory_space<vmem>>, vector<16xf32>,
          %parallel_loop3A_153 = arith.index_cast %parallel_loop3A_140 : i32 to index
          %parallel_loop3A_154 = arith.constant 16 : index
          %parallel_loop3A_155 = tpu.vector_load %arg13[%parallel_loop3A_153, %parallel_loop3A_154] {strides = array<i32>} : memref<64x128xf32, #tpu.memory_space<vmem>>, vector<16xf32>,
          %parallel_loop3A_156 = arith.mulf %parallel_loop3A_145, %parallel_loop3A_155 : vector<16xf32>
          %parallel_loop3A_157 = arith.index_cast %parallel_loop3A_140 : i32 to index
          %parallel_loop3A_158 = arith.constant 16 : index
          %parallel_loop3A_159 = tpu.vector_load %arg14[%parallel_loop3A_157, %parallel_loop3A_158] {strides = array<i32>} : memref<64x128xf32, #tpu.memory_space<vmem>>, vector<16xf32>,
          tpu.vector_store %arg14[%parallel_loop3A_157, %parallel_loop3A_158], %parallel_loop3A_156 {strides = array<i32>} : memref<64x128xf32, #tpu.memory_space<vmem>>, vector<16xf32>,
          %parallel_loop3A_160 = arith.index_cast %parallel_loop3A_140 : i32 to index
          %parallel_loop3A_161 = arith.constant 32 : index
          %parallel_loop3A_162 = tpu.vector_load %arg13[%parallel_loop3A_160, %parallel_loop3A_161] {strides = array<i32>} : memref<64x128xf32, #tpu.memory_space<vmem>>, vector<16xf32>,
          %parallel_loop3A_163 = arith.mulf %parallel_loop3A_145, %parallel_loop3A_162 : vector<16xf32>
          %parallel_loop3A_164 = arith.index_cast %parallel_loop3A_140 : i32 to index
          %parallel_loop3A_165 = arith.constant 32 : index
          %parallel_loop3A_166 = tpu.vector_load %arg14[%parallel_loop3A_164, %parallel_loop3A_165] {strides = array<i32>} : memref<64x128xf32, #tpu.memory_space<vmem>>, vector<16xf32>,
          tpu.vector_store %arg14[%parallel_loop3A_164, %parallel_loop3A_165], %parallel_loop3A_163 {strides = array<i32>} : memref<64x128xf32, #tpu.memory_space<vmem>>, vector<16xf32>,
          %parallel_loop3A_167 = arith.index_cast %parallel_loop3A_140 : i32 to index
          %parallel_loop3A_168 = arith.constant 48 : index
          %parallel_loop3A_169 = tpu.vector_load %arg13[%parallel_loop3A_167, %parallel_loop3A_168] {strides = array<i32>} : memref<64x128xf32, #tpu.memory_space<vmem>>, vector<16xf32>,
          %parallel_loop3A_170 = arith.mulf %parallel_loop3A_145, %parallel_loop3A_169 : vector<16xf32>
          %parallel_loop3A_171 = arith.index_cast %parallel_loop3A_140 : i32 to index
          %parallel_loop3A_172 = arith.constant 48 : index
          %parallel_loop3A_173 = tpu.vector_load %arg14[%parallel_loop3A_171, %parallel_loop3A_172] {strides = array<i32>} : memref<64x128xf32, #tpu.memory_space<vmem>>, vector<16xf32>,
          tpu.vector_store %arg14[%parallel_loop3A_171, %parallel_loop3A_172], %parallel_loop3A_170 {strides = array<i32>} : memref<64x128xf32, #tpu.memory_space<vmem>>, vector<16xf32>,
          %parallel_loop3A_174 = arith.index_cast %parallel_loop3A_140 : i32 to index
          %parallel_loop3A_175 = arith.constant 64 : index
          %parallel_loop3A_176 = tpu.vector_load %arg13[%parallel_loop3A_174, %parallel_loop3A_175] {strides = array<i32>} : memref<64x128xf32, #tpu.memory_space<vmem>>, vector<16xf32>,
          %parallel_loop3A_177 = arith.mulf %parallel_loop3A_145, %parallel_loop3A_176 : vector<16xf32>
          %parallel_loop3A_178 = arith.index_cast %parallel_loop3A_140 : i32 to index
          %parallel_loop3A_179 = arith.constant 64 : index
          %parallel_loop3A_180 = tpu.vector_load %arg14[%parallel_loop3A_178, %parallel_loop3A_179] {strides = array<i32>} : memref<64x128xf32, #tpu.memory_space<vmem>>, vector<16xf32>,
          tpu.vector_store %arg14[%parallel_loop3A_178, %parallel_loop3A_179], %parallel_loop3A_177 {strides = array<i32>} : memref<64x128xf32, #tpu.memory_space<vmem>>, vector<16xf32>,
          %parallel_loop3A_181 = arith.index_cast %parallel_loop3A_140 : i32 to index
          %parallel_loop3A_182 = arith.constant 80 : index
          %parallel_loop3A_183 = tpu.vector_load %arg13[%parallel_loop3A_181, %parallel_loop3A_182] {strides = array<i32>} : memref<64x128xf32, #tpu.memory_space<vmem>>, vector<16xf32>,
          %parallel_loop3A_184 = arith.mulf %parallel_loop3A_145, %parallel_loop3A_183 : vector<16xf32>
          %parallel_loop3A_185 = arith.index_cast %parallel_loop3A_140 : i32 to index
          %parallel_loop3A_186 = arith.constant 80 : index
          %parallel_loop3A_187 = tpu.vector_load %arg14[%parallel_loop3A_185, %parallel_loop3A_186] {strides = array<i32>} : memref<64x128xf32, #tpu.memory_space<vmem>>, vector<16xf32>,
          tpu.vector_store %arg14[%parallel_loop3A_185, %parallel_loop3A_186], %parallel_loop3A_184 {strides = array<i32>} : memref<64x128xf32, #tpu.memory_space<vmem>>, vector<16xf32>,
          %parallel_loop3A_188 = arith.index_cast %parallel_loop3A_140 : i32 to index
          %parallel_loop3A_189 = arith.constant 96 : index
          %parallel_loop3A_190 = tpu.vector_load %arg13[%parallel_loop3A_188, %parallel_loop3A_189] {strides = array<i32>} : memref<64x128xf32, #tpu.memory_space<vmem>>, vector<16xf32>,
          %parallel_loop3A_191 = arith.mulf %parallel_loop3A_145, %parallel_loop3A_190 : vector<16xf32>
          %parallel_loop3A_192 = arith.index_cast %parallel_loop3A_140 : i32 to index
          %parallel_loop3A_193 = arith.constant 96 : index
          %parallel_loop3A_194 = tpu.vector_load %arg14[%parallel_loop3A_192, %parallel_loop3A_193] {strides = array<i32>} : memref<64x128xf32, #tpu.memory_space<vmem>>, vector<16xf32>,
          tpu.vector_store %arg14[%parallel_loop3A_192, %parallel_loop3A_193], %parallel_loop3A_191 {strides = array<i32>} : memref<64x128xf32, #tpu.memory_space<vmem>>, vector<16xf32>,
          %parallel_loop3A_195 = arith.index_cast %parallel_loop3A_140 : i32 to index
          %parallel_loop3A_196 = arith.constant 112 : index
          %parallel_loop3A_197 = tpu.vector_load %arg13[%parallel_loop3A_195, %parallel_loop3A_196] {strides = array<i32>} : memref<64x128xf32, #tpu.memory_space<vmem>>, vector<16xf32>,
          %parallel_loop3A_198 = arith.mulf %parallel_loop3A_145, %parallel_loop3A_197 : vector<16xf32>
          %parallel_loop3A_199 = arith.index_cast %parallel_loop3A_140 : i32 to index
          %parallel_loop3A_200 = arith.constant 112 : index
          %parallel_loop3A_201 = tpu.vector_load %arg14[%parallel_loop3A_199, %parallel_loop3A_200] {strides = array<i32>} : memref<64x128xf32, #tpu.memory_space<vmem>>, vector<16xf32>,
          tpu.vector_store %arg14[%parallel_loop3A_199, %parallel_loop3A_200], %parallel_loop3A_198 {strides = array<i32>} : memref<64x128xf32, #tpu.memory_space<vmem>>, vector<16xf32>,
        } {sc.loop_unroll_factor = 4 : i64, sc.parallel_access}
        %dma_start3A_98 = arith.constant 0 : i32
        %dma_start3A_99 = arith.constant 0 : i32
        %dma_start3A_100 = tpu.memref_slice %arg26[%dma_start3A_98, %dma_start3A_99] : memref<10240x128xf32, #tpu.memory_space<vmem_shared>> -> memref<10240x128xf32, #tpu.memory_space<vmem_shared>>
        tpu.enqueue_indirect_dma source(%arg14 : memref<64x128xf32, #tpu.memory_space<vmem>>) target(%dma_start3A_100 : memref<10240x128xf32, #tpu.memory_space<vmem_shared>>) offsets(%arg17 : memref<64xi32, #tpu.memory_space<vmem>>) semaphore(%arg29 : memref<!tpu.dma_semaphore, #tpu.memory_space<semaphore_mem>>) {add = true}
        %lt3A = arith.constant 39 : i32
        %lt3A_101 = arith.cmpi slt, %add3A_75, %lt3A : i32
        %convert_element_type3A_102 = arith.extui %lt3A_101 : i1 to i32
        %cond3A_103 = arith.constant 0 : i32
        %cond3A_104 = arith.cmpi ne, %convert_element_type3A_102, %cond3A_103 : i32
        scf.if %cond3A_104 {
          %add3A_140 = arith.constant 2 : i32
          %add3A_141 = arith.addi %mul3A_77, %add3A_140 : i32
          %parallel_loop3A_142 = arith.constant 0 : i32
          %parallel_loop3A_143 = arith.constant 64 : i32
          %parallel_loop3A_144 = arith.constant 16 : i32
          scf.for %parallel_loop3A_157 = %parallel_loop3A_142 to %parallel_loop3A_143 step %parallel_loop3A_144  : i32 {
            %parallel_loop3A_158 = arith.constant 64 : i32
            %parallel_loop3A_159 = arith.muli %add3A_141, %parallel_loop3A_158 : i32
            %parallel_loop3A_160 = arith.addi %parallel_loop3A_159, %parallel_loop3A_157 : i32
            %parallel_loop3A_161 = arith.index_cast %parallel_loop3A_160 : i32 to index
            %parallel_loop3A_162 = tpu.vector_load %arg9[%parallel_loop3A_161] {strides = array<i32>} : memref<5120xi32, #tpu.memory_space<vmem>>, vector<16xi32>,
            %parallel_loop3A_163 = arith.constant 64 : i32
            %parallel_loop3A_164 = arith.muli %add3A_141, %parallel_loop3A_163 : i32
            %parallel_loop3A_165 = arith.addi %parallel_loop3A_164, %parallel_loop3A_157 : i32
            %parallel_loop3A_166 = arith.index_cast %parallel_loop3A_165 : i32 to index
            %parallel_loop3A_167 = tpu.vector_load %arg10[%parallel_loop3A_166] {strides = array<i32>} : memref<5120xi32, #tpu.memory_space<vmem>>, vector<16xi32>,
            %parallel_loop3A_168 = arith.constant 20 : i32
            %parallel_loop3A_169 = vector.broadcast %parallel_loop3A_168 : i32 to vector<16xi32>
            %parallel_loop3A_170 = arith.divsi %parallel_loop3A_162, %parallel_loop3A_169 : vector<16xi32>
            %parallel_loop3A_171 = arith.constant 0 : i32
            %parallel_loop3A_172 = vector.broadcast %parallel_loop3A_171 : i32 to vector<16xi32>
            %parallel_loop3A_173 = arith.cmpi sgt, %parallel_loop3A_162, %parallel_loop3A_172 : vector<16xi32>
            %parallel_loop3A_174 = arith.extui %parallel_loop3A_173 : vector<16xi1> to vector<16xi32>
            %parallel_loop3A_175 = arith.constant 0 : i32
            %parallel_loop3A_176 = vector.broadcast %parallel_loop3A_175 : i32 to vector<16xi32>
            %parallel_loop3A_177 = arith.cmpi slt, %parallel_loop3A_162, %parallel_loop3A_176 : vector<16xi32>
            %parallel_loop3A_178 = arith.extui %parallel_loop3A_177 : vector<16xi1> to vector<16xi32>
            %parallel_loop3A_179 = arith.subi %parallel_loop3A_174, %parallel_loop3A_178 : vector<16xi32>
            %parallel_loop3A_180 = arith.constant 0 : i32
            %parallel_loop3A_181 = arith.cmpi sgt, %parallel_loop3A_168, %parallel_loop3A_180 : i32
            %parallel_loop3A_182 = arith.extui %parallel_loop3A_181 : i1 to i32
            %parallel_loop3A_183 = arith.constant 0 : i32
            %parallel_loop3A_184 = arith.cmpi slt, %parallel_loop3A_168, %parallel_loop3A_183 : i32
            %parallel_loop3A_185 = arith.extui %parallel_loop3A_184 : i1 to i32
            %parallel_loop3A_186 = arith.subi %parallel_loop3A_182, %parallel_loop3A_185 : i32
            %parallel_loop3A_187 = vector.broadcast %parallel_loop3A_186 : i32 to vector<16xi32>
            %parallel_loop3A_188 = arith.cmpi ne, %parallel_loop3A_179, %parallel_loop3A_187 : vector<16xi32>
            %parallel_loop3A_189 = vector.broadcast %parallel_loop3A_168 : i32 to vector<16xi32>
            %parallel_loop3A_190 = arith.remsi %parallel_loop3A_162, %parallel_loop3A_189 : vector<16xi32>
            %parallel_loop3A_191 = arith.constant 0 : i32
            %parallel_loop3A_192 = vector.broadcast %parallel_loop3A_191 : i32 to vector<16xi32>
            %parallel_loop3A_193 = arith.cmpi ne, %parallel_loop3A_190, %parallel_loop3A_192 : vector<16xi32>
            %parallel_loop3A_194 = arith.andi %parallel_loop3A_188, %parallel_loop3A_193 : vector<16xi1>
            %parallel_loop3A_195 = arith.constant 1 : i32
            %parallel_loop3A_196 = vector.broadcast %parallel_loop3A_195 : i32 to vector<16xi32>
            %parallel_loop3A_197 = arith.subi %parallel_loop3A_170, %parallel_loop3A_196 : vector<16xi32>
            %parallel_loop3A_198 = arith.select %parallel_loop3A_194, %parallel_loop3A_197, %parallel_loop3A_170 : vector<16xi1>, vector<16xi32>
            %parallel_loop3A_199 = arith.index_cast %parallel_loop3A_157 : i32 to index
            %parallel_loop3A_200 = tpu.vector_load %arg15[%parallel_loop3A_199] {strides = array<i32>} : memref<64xi32, #tpu.memory_space<vmem>>, vector<16xi32>,
            tpu.vector_store %arg15[%parallel_loop3A_199], %parallel_loop3A_198 {strides = array<i32>} : memref<64xi32, #tpu.memory_space<vmem>>, vector<16xi32>,
            %parallel_loop3A_201 = arith.constant 20 : i32
            %parallel_loop3A_202 = vector.broadcast %parallel_loop3A_201 : i32 to vector<16xi32>
            %parallel_loop3A_203 = arith.muli %parallel_loop3A_167, %parallel_loop3A_202 : vector<16xi32>
            %parallel_loop3A_204 = arith.constant 20 : i32
            %parallel_loop3A_205 = vector.broadcast %parallel_loop3A_204 : i32 to vector<16xi32>
            %parallel_loop3A_206 = arith.muli %parallel_loop3A_198, %parallel_loop3A_205 : vector<16xi32>
            %parallel_loop3A_207 = arith.subi %parallel_loop3A_162, %parallel_loop3A_206 : vector<16xi32>
            %parallel_loop3A_208 = arith.addi %parallel_loop3A_203, %parallel_loop3A_207 : vector<16xi32>
            %parallel_loop3A_209 = arith.index_cast %parallel_loop3A_157 : i32 to index
            %parallel_loop3A_210 = tpu.vector_load %arg16[%parallel_loop3A_209] {strides = array<i32>} : memref<64xi32, #tpu.memory_space<vmem>>, vector<16xi32>,
            tpu.vector_store %arg16[%parallel_loop3A_209], %parallel_loop3A_208 {strides = array<i32>} : memref<64xi32, #tpu.memory_space<vmem>>, vector<16xi32>,
          } {sc.loop_unroll_factor = 2 : i64, sc.parallel_access}
          %mul3A_145 = arith.constant 64 : i32
          %mul3A_146 = arith.muli %add3A_141, %mul3A_145 : i32
          %dma_start3A_147 = tpu.memref_slice %arg9[%mul3A_146] : memref<5120xi32, #tpu.memory_space<vmem>> -> memref<64xi32, #tpu.memory_space<vmem>>
          %dma_start3A_148 = arith.constant 0 : i32
          %dma_start3A_149 = arith.constant 0 : i32
          %dma_start3A_150 = tpu.memref_slice %arg3[%dma_start3A_148, %dma_start3A_149] : memref<200000x16xf32, #tpu.memory_space<hbm>> -> memref<200000x16xf32, #tpu.memory_space<hbm>>
          tpu.enqueue_indirect_dma source(%dma_start3A_150 : memref<200000x16xf32, #tpu.memory_space<hbm>>) target(%arg11 : memref<64x16xf32, #tpu.memory_space<vmem>>) offsets(%dma_start3A_147 : memref<64xi32, #tpu.memory_space<vmem>>) semaphore(%arg27 : memref<!tpu.dma_semaphore, #tpu.memory_space<semaphore_mem>>)
          %dma_start3A_151 = arith.constant 0 : i32
          %dma_start3A_152 = arith.constant 0 : i32
          %dma_start3A_153 = tpu.memref_slice %arg4[%dma_start3A_151, %dma_start3A_152] : memref<200000x16xf32, #tpu.memory_space<hbm>> -> memref<200000x16xf32, #tpu.memory_space<hbm>>
          tpu.enqueue_indirect_dma source(%dma_start3A_153 : memref<200000x16xf32, #tpu.memory_space<hbm>>) target(%arg12 : memref<64x16xf32, #tpu.memory_space<vmem>>) offsets(%arg16 : memref<64xi32, #tpu.memory_space<vmem>>) semaphore(%arg27 : memref<!tpu.dma_semaphore, #tpu.memory_space<semaphore_mem>>)
          %dma_start3A_154 = arith.constant 0 : i32
          %dma_start3A_155 = arith.constant 0 : i32
          %dma_start3A_156 = tpu.memref_slice %arg2[%dma_start3A_154, %dma_start3A_155] : memref<10000x128xf32, #tpu.memory_space<hbm>> -> memref<10000x128xf32, #tpu.memory_space<hbm>>
          tpu.enqueue_indirect_dma source(%dma_start3A_156 : memref<10000x128xf32, #tpu.memory_space<hbm>>) target(%arg13 : memref<64x128xf32, #tpu.memory_space<vmem>>) offsets(%arg15 : memref<64xi32, #tpu.memory_space<vmem>>) semaphore(%arg27 : memref<!tpu.dma_semaphore, #tpu.memory_space<semaphore_mem>>)
        } else {
        }
        %add3A_105 = arith.constant 1 : i32
        %add3A_106 = arith.addi %mul3A_77, %add3A_105 : i32
        %mul3A_107 = arith.constant 64 : i32
        %mul3A_108 = arith.muli %add3A_106, %mul3A_107 : i32
        %dma_wait3A_109 = tpu.memref_slice %arg9[%mul3A_108] : memref<5120xi32, #tpu.memory_space<vmem>> -> memref<64xi32, #tpu.memory_space<vmem>>
        %dma_wait3A_110 = arith.constant 0 : i32
        %dma_wait3A_111 = arith.constant 0 : i32
        %dma_wait3A_112 = tpu.memref_slice %arg3[%dma_wait3A_110, %dma_wait3A_111] : memref<200000x16xf32, #tpu.memory_space<hbm>> -> memref<200000x16xf32, #tpu.memory_space<hbm>>
        tpu.wait_indirect_dma semaphore(%arg28 : memref<!tpu.dma_semaphore, #tpu.memory_space<semaphore_mem>>) src(%dma_wait3A_112 : memref<200000x16xf32, #tpu.memory_space<hbm>>) dst(%arg18 : memref<64x16xf32, #tpu.memory_space<vmem>>)
        %dma_wait3A_113 = arith.constant 0 : i32
        %dma_wait3A_114 = arith.constant 0 : i32
        %dma_wait3A_115 = tpu.memref_slice %arg4[%dma_wait3A_113, %dma_wait3A_114] : memref<200000x16xf32, #tpu.memory_space<hbm>> -> memref<200000x16xf32, #tpu.memory_space<hbm>>
        tpu.wait_indirect_dma semaphore(%arg28 : memref<!tpu.dma_semaphore, #tpu.memory_space<semaphore_mem>>) src(%dma_wait3A_115 : memref<200000x16xf32, #tpu.memory_space<hbm>>) dst(%arg19 : memref<64x16xf32, #tpu.memory_space<vmem>>)
        %dma_wait3A_116 = arith.constant 0 : i32
        %dma_wait3A_117 = arith.constant 0 : i32
        %dma_wait3A_118 = tpu.memref_slice %arg2[%dma_wait3A_116, %dma_wait3A_117] : memref<10000x128xf32, #tpu.memory_space<hbm>> -> memref<10000x128xf32, #tpu.memory_space<hbm>>
        tpu.wait_indirect_dma semaphore(%arg28 : memref<!tpu.dma_semaphore, #tpu.memory_space<semaphore_mem>>) src(%dma_wait3A_118 : memref<10000x128xf32, #tpu.memory_space<hbm>>) dst(%arg20 : memref<64x128xf32, #tpu.memory_space<vmem>>)
        %gt3A_119 = arith.constant 0 : i32
        %gt3A_120 = arith.cmpi sgt, %add3A_75, %gt3A_119 : i32
        %convert_element_type3A_121 = arith.extui %gt3A_120 : i1 to i32
        %cond3A_122 = arith.constant 0 : i32
        %cond3A_123 = arith.cmpi ne, %convert_element_type3A_121, %cond3A_122 : i32
        scf.if %cond3A_123 {
          %dma_wait3A_140 = arith.constant 0 : i32
          %dma_wait3A_141 = arith.constant 0 : i32
          %dma_wait3A_142 = tpu.memref_slice %arg26[%dma_wait3A_140, %dma_wait3A_141] : memref<10240x128xf32, #tpu.memory_space<vmem_shared>> -> memref<10240x128xf32, #tpu.memory_space<vmem_shared>>
          tpu.wait_indirect_dma semaphore(%arg30 : memref<!tpu.dma_semaphore, #tpu.memory_space<semaphore_mem>>) src(%arg21 : memref<64x128xf32, #tpu.memory_space<vmem>>) dst(%dma_wait3A_142 : memref<10240x128xf32, #tpu.memory_space<vmem_shared>>)
        } else {
        }
        %add3A_124 = arith.constant 1 : i32
        %add3A_125 = arith.addi %mul3A_77, %add3A_124 : i32
        %parallel_loop3A_126 = arith.constant 0 : i32
        %parallel_loop3A_127 = arith.constant 64 : i32
        %parallel_loop3A_128 = arith.constant 16 : i32
        scf.for %parallel_loop3A_140 = %parallel_loop3A_126 to %parallel_loop3A_127 step %parallel_loop3A_128  : i32 {
          %parallel_loop3A_141 = arith.constant 64 : i32
          %parallel_loop3A_142 = arith.muli %add3A_125, %parallel_loop3A_141 : i32
          %parallel_loop3A_143 = arith.addi %parallel_loop3A_142, %parallel_loop3A_140 : i32
          %parallel_loop3A_144 = arith.index_cast %parallel_loop3A_143 : i32 to index
          %parallel_loop3A_145 = tpu.vector_load %arg10[%parallel_loop3A_144] {strides = array<i32>} : memref<5120xi32, #tpu.memory_space<vmem>>, vector<16xi32>,
          %parallel_loop3A_146 = arith.index_cast %parallel_loop3A_140 : i32 to index
          %parallel_loop3A_147 = tpu.vector_load %arg24[%parallel_loop3A_146] {strides = array<i32>} : memref<64xi32, #tpu.memory_space<vmem>>, vector<16xi32>,
          tpu.vector_store %arg24[%parallel_loop3A_146], %parallel_loop3A_145 {strides = array<i32>} : memref<64xi32, #tpu.memory_space<vmem>>, vector<16xi32>,
          %parallel_loop3A_148 = tpu.iota {dimensions = array<i32: 0>} : vector<16xi32>
          %parallel_loop3A_149 = vector.broadcast %parallel_loop3A_140 : i32 to vector<16xi32>
          %parallel_loop3A_150 = arith.addi %parallel_loop3A_148, %parallel_loop3A_149 : vector<16xi32>
          %parallel_loop3A_151 = arith.constant 0 : i32
          %parallel_loop3A_152 = vector.broadcast %parallel_loop3A_151 : i32 to vector<16xi32>
          %parallel_loop3A_153 = vector.broadcast %add3A_13 : i32 to vector<16xi32>
          %parallel_loop3A_154 = arith.addi %parallel_loop3A_152, %parallel_loop3A_153 : vector<16xi32>
          %parallel_loop3A_155 = tpu.vector_load_idx %arg18[%parallel_loop3A_150, %parallel_loop3A_154] : memref<64x16xf32, #tpu.memory_space<vmem>>[vector<16xi32>, vector<16xi32>], vector<16xf32>,
          %parallel_loop3A_156 = tpu.vector_load_idx %arg19[%parallel_loop3A_150, %parallel_loop3A_154] : memref<64x16xf32, #tpu.memory_space<vmem>>[vector<16xi32>, vector<16xi32>], vector<16xf32>,
          %parallel_loop3A_157 = arith.addf %parallel_loop3A_155, %parallel_loop3A_156 : vector<16xf32>
          %parallel_loop3A_158 = arith.constant 0.000000e+00 : f32
          %parallel_loop3A_159 = vector.broadcast %parallel_loop3A_158 : f32 to vector<16xf32>
          %parallel_loop3A_160 = arith.maximumf %parallel_loop3A_157, %parallel_loop3A_159 : vector<16xf32>
          %parallel_loop3A_161 = arith.constant 0.000000e+00 : f32
          %parallel_loop3A_162 = vector.broadcast %parallel_loop3A_161 : f32 to vector<16xf32>
          %parallel_loop3A_163 = arith.minimumf %parallel_loop3A_157, %parallel_loop3A_162 : vector<16xf32>
          %parallel_loop3A_164 = arith.constant 0.00999999977 : f32
          %parallel_loop3A_165 = vector.broadcast %parallel_loop3A_164 : f32 to vector<16xf32>
          %parallel_loop3A_166 = arith.mulf %parallel_loop3A_165, %parallel_loop3A_163 : vector<16xf32>
          %parallel_loop3A_167 = arith.addf %parallel_loop3A_160, %parallel_loop3A_166 : vector<16xf32>
          %parallel_loop3A_168 = arith.index_cast %parallel_loop3A_140 : i32 to index
          %parallel_loop3A_169 = tpu.vector_load %arg25[%parallel_loop3A_168] {strides = array<i32>} : memref<64xf32, #tpu.memory_space<vmem>>, vector<16xf32>,
          tpu.vector_store %arg25[%parallel_loop3A_168], %parallel_loop3A_167 {strides = array<i32>} : memref<64xf32, #tpu.memory_space<vmem>>, vector<16xf32>,
        } {sc.loop_unroll_factor = 2 : i64, sc.parallel_access}
        %parallel_loop3A_129 = arith.constant 0 : i32
        %parallel_loop3A_130 = arith.constant 64 : i32
        %parallel_loop3A_131 = arith.constant 1 : i32
        scf.for %parallel_loop3A_140 = %parallel_loop3A_129 to %parallel_loop3A_130 step %parallel_loop3A_131  : i32 {
          %parallel_loop3A_141 = arith.constant 0 : i32
          %parallel_loop3A_142 = vector.broadcast %parallel_loop3A_141 : i32 to vector<16xi32>
          %parallel_loop3A_143 = vector.broadcast %parallel_loop3A_140 : i32 to vector<16xi32>
          %parallel_loop3A_144 = arith.addi %parallel_loop3A_142, %parallel_loop3A_143 : vector<16xi32>
          %parallel_loop3A_145 = tpu.vector_load_idx %arg25[%parallel_loop3A_144] : memref<64xf32, #tpu.memory_space<vmem>>[vector<16xi32>], vector<16xf32>,
          %parallel_loop3A_146 = arith.index_cast %parallel_loop3A_140 : i32 to index
          %parallel_loop3A_147 = arith.constant 0 : index
          %parallel_loop3A_148 = tpu.vector_load %arg20[%parallel_loop3A_146, %parallel_loop3A_147] {strides = array<i32>} : memref<64x128xf32, #tpu.memory_space<vmem>>, vector<16xf32>,
          %parallel_loop3A_149 = arith.mulf %parallel_loop3A_145, %parallel_loop3A_148 : vector<16xf32>
          %parallel_loop3A_150 = arith.index_cast %parallel_loop3A_140 : i32 to index
          %parallel_loop3A_151 = arith.constant 0 : index
          %parallel_loop3A_152 = tpu.vector_load %arg21[%parallel_loop3A_150, %parallel_loop3A_151] {strides = array<i32>} : memref<64x128xf32, #tpu.memory_space<vmem>>, vector<16xf32>,
          tpu.vector_store %arg21[%parallel_loop3A_150, %parallel_loop3A_151], %parallel_loop3A_149 {strides = array<i32>} : memref<64x128xf32, #tpu.memory_space<vmem>>, vector<16xf32>,
          %parallel_loop3A_153 = arith.index_cast %parallel_loop3A_140 : i32 to index
          %parallel_loop3A_154 = arith.constant 16 : index
          %parallel_loop3A_155 = tpu.vector_load %arg20[%parallel_loop3A_153, %parallel_loop3A_154] {strides = array<i32>} : memref<64x128xf32, #tpu.memory_space<vmem>>, vector<16xf32>,
          %parallel_loop3A_156 = arith.mulf %parallel_loop3A_145, %parallel_loop3A_155 : vector<16xf32>
          %parallel_loop3A_157 = arith.index_cast %parallel_loop3A_140 : i32 to index
          %parallel_loop3A_158 = arith.constant 16 : index
          %parallel_loop3A_159 = tpu.vector_load %arg21[%parallel_loop3A_157, %parallel_loop3A_158] {strides = array<i32>} : memref<64x128xf32, #tpu.memory_space<vmem>>, vector<16xf32>,
          tpu.vector_store %arg21[%parallel_loop3A_157, %parallel_loop3A_158], %parallel_loop3A_156 {strides = array<i32>} : memref<64x128xf32, #tpu.memory_space<vmem>>, vector<16xf32>,
          %parallel_loop3A_160 = arith.index_cast %parallel_loop3A_140 : i32 to index
          %parallel_loop3A_161 = arith.constant 32 : index
          %parallel_loop3A_162 = tpu.vector_load %arg20[%parallel_loop3A_160, %parallel_loop3A_161] {strides = array<i32>} : memref<64x128xf32, #tpu.memory_space<vmem>>, vector<16xf32>,
          %parallel_loop3A_163 = arith.mulf %parallel_loop3A_145, %parallel_loop3A_162 : vector<16xf32>
          %parallel_loop3A_164 = arith.index_cast %parallel_loop3A_140 : i32 to index
          %parallel_loop3A_165 = arith.constant 32 : index
          %parallel_loop3A_166 = tpu.vector_load %arg21[%parallel_loop3A_164, %parallel_loop3A_165] {strides = array<i32>} : memref<64x128xf32, #tpu.memory_space<vmem>>, vector<16xf32>,
          tpu.vector_store %arg21[%parallel_loop3A_164, %parallel_loop3A_165], %parallel_loop3A_163 {strides = array<i32>} : memref<64x128xf32, #tpu.memory_space<vmem>>, vector<16xf32>,
          %parallel_loop3A_167 = arith.index_cast %parallel_loop3A_140 : i32 to index
          %parallel_loop3A_168 = arith.constant 48 : index
          %parallel_loop3A_169 = tpu.vector_load %arg20[%parallel_loop3A_167, %parallel_loop3A_168] {strides = array<i32>} : memref<64x128xf32, #tpu.memory_space<vmem>>, vector<16xf32>,
          %parallel_loop3A_170 = arith.mulf %parallel_loop3A_145, %parallel_loop3A_169 : vector<16xf32>
          %parallel_loop3A_171 = arith.index_cast %parallel_loop3A_140 : i32 to index
          %parallel_loop3A_172 = arith.constant 48 : index
          %parallel_loop3A_173 = tpu.vector_load %arg21[%parallel_loop3A_171, %parallel_loop3A_172] {strides = array<i32>} : memref<64x128xf32, #tpu.memory_space<vmem>>, vector<16xf32>,
          tpu.vector_store %arg21[%parallel_loop3A_171, %parallel_loop3A_172], %parallel_loop3A_170 {strides = array<i32>} : memref<64x128xf32, #tpu.memory_space<vmem>>, vector<16xf32>,
          %parallel_loop3A_174 = arith.index_cast %parallel_loop3A_140 : i32 to index
          %parallel_loop3A_175 = arith.constant 64 : index
          %parallel_loop3A_176 = tpu.vector_load %arg20[%parallel_loop3A_174, %parallel_loop3A_175] {strides = array<i32>} : memref<64x128xf32, #tpu.memory_space<vmem>>, vector<16xf32>,
          %parallel_loop3A_177 = arith.mulf %parallel_loop3A_145, %parallel_loop3A_176 : vector<16xf32>
          %parallel_loop3A_178 = arith.index_cast %parallel_loop3A_140 : i32 to index
          %parallel_loop3A_179 = arith.constant 64 : index
          %parallel_loop3A_180 = tpu.vector_load %arg21[%parallel_loop3A_178, %parallel_loop3A_179] {strides = array<i32>} : memref<64x128xf32, #tpu.memory_space<vmem>>, vector<16xf32>,
          tpu.vector_store %arg21[%parallel_loop3A_178, %parallel_loop3A_179], %parallel_loop3A_177 {strides = array<i32>} : memref<64x128xf32, #tpu.memory_space<vmem>>, vector<16xf32>,
          %parallel_loop3A_181 = arith.index_cast %parallel_loop3A_140 : i32 to index
          %parallel_loop3A_182 = arith.constant 80 : index
          %parallel_loop3A_183 = tpu.vector_load %arg20[%parallel_loop3A_181, %parallel_loop3A_182] {strides = array<i32>} : memref<64x128xf32, #tpu.memory_space<vmem>>, vector<16xf32>,
          %parallel_loop3A_184 = arith.mulf %parallel_loop3A_145, %parallel_loop3A_183 : vector<16xf32>
          %parallel_loop3A_185 = arith.index_cast %parallel_loop3A_140 : i32 to index
          %parallel_loop3A_186 = arith.constant 80 : index
          %parallel_loop3A_187 = tpu.vector_load %arg21[%parallel_loop3A_185, %parallel_loop3A_186] {strides = array<i32>} : memref<64x128xf32, #tpu.memory_space<vmem>>, vector<16xf32>,
          tpu.vector_store %arg21[%parallel_loop3A_185, %parallel_loop3A_186], %parallel_loop3A_184 {strides = array<i32>} : memref<64x128xf32, #tpu.memory_space<vmem>>, vector<16xf32>,
          %parallel_loop3A_188 = arith.index_cast %parallel_loop3A_140 : i32 to index
          %parallel_loop3A_189 = arith.constant 96 : index
          %parallel_loop3A_190 = tpu.vector_load %arg20[%parallel_loop3A_188, %parallel_loop3A_189] {strides = array<i32>} : memref<64x128xf32, #tpu.memory_space<vmem>>, vector<16xf32>,
          %parallel_loop3A_191 = arith.mulf %parallel_loop3A_145, %parallel_loop3A_190 : vector<16xf32>
          %parallel_loop3A_192 = arith.index_cast %parallel_loop3A_140 : i32 to index
          %parallel_loop3A_193 = arith.constant 96 : index
          %parallel_loop3A_194 = tpu.vector_load %arg21[%parallel_loop3A_192, %parallel_loop3A_193] {strides = array<i32>} : memref<64x128xf32, #tpu.memory_space<vmem>>, vector<16xf32>,
          tpu.vector_store %arg21[%parallel_loop3A_192, %parallel_loop3A_193], %parallel_loop3A_191 {strides = array<i32>} : memref<64x128xf32, #tpu.memory_space<vmem>>, vector<16xf32>,
          %parallel_loop3A_195 = arith.index_cast %parallel_loop3A_140 : i32 to index
          %parallel_loop3A_196 = arith.constant 112 : index
          %parallel_loop3A_197 = tpu.vector_load %arg20[%parallel_loop3A_195, %parallel_loop3A_196] {strides = array<i32>} : memref<64x128xf32, #tpu.memory_space<vmem>>, vector<16xf32>,
          %parallel_loop3A_198 = arith.mulf %parallel_loop3A_145, %parallel_loop3A_197 : vector<16xf32>
          %parallel_loop3A_199 = arith.index_cast %parallel_loop3A_140 : i32 to index
          %parallel_loop3A_200 = arith.constant 112 : index
          %parallel_loop3A_201 = tpu.vector_load %arg21[%parallel_loop3A_199, %parallel_loop3A_200] {strides = array<i32>} : memref<64x128xf32, #tpu.memory_space<vmem>>, vector<16xf32>,
          tpu.vector_store %arg21[%parallel_loop3A_199, %parallel_loop3A_200], %parallel_loop3A_198 {strides = array<i32>} : memref<64x128xf32, #tpu.memory_space<vmem>>, vector<16xf32>,
        } {sc.loop_unroll_factor = 4 : i64, sc.parallel_access}
        %dma_start3A_132 = arith.constant 0 : i32
        %dma_start3A_133 = arith.constant 0 : i32
        %dma_start3A_134 = tpu.memref_slice %arg26[%dma_start3A_132, %dma_start3A_133] : memref<10240x128xf32, #tpu.memory_space<vmem_shared>> -> memref<10240x128xf32, #tpu.memory_space<vmem_shared>>
        tpu.enqueue_indirect_dma source(%arg21 : memref<64x128xf32, #tpu.memory_space<vmem>>) target(%dma_start3A_134 : memref<10240x128xf32, #tpu.memory_space<vmem_shared>>) offsets(%arg24 : memref<64xi32, #tpu.memory_space<vmem>>) semaphore(%arg30 : memref<!tpu.dma_semaphore, #tpu.memory_space<semaphore_mem>>) {add = true}
        %lt3A_135 = arith.constant 39 : i32
        %lt3A_136 = arith.cmpi slt, %add3A_75, %lt3A_135 : i32
        %convert_element_type3A_137 = arith.extui %lt3A_136 : i1 to i32
        %cond3A_138 = arith.constant 0 : i32
        %cond3A_139 = arith.cmpi ne, %convert_element_type3A_137, %cond3A_138 : i32
        scf.if %cond3A_139 {
          %add3A_140 = arith.constant 3 : i32
          %add3A_141 = arith.addi %mul3A_77, %add3A_140 : i32
          %parallel_loop3A_142 = arith.constant 0 : i32
          %parallel_loop3A_143 = arith.constant 64 : i32
          %parallel_loop3A_144 = arith.constant 16 : i32
          scf.for %parallel_loop3A_157 = %parallel_loop3A_142 to %parallel_loop3A_143 step %parallel_loop3A_144  : i32 {
            %parallel_loop3A_158 = arith.constant 64 : i32
            %parallel_loop3A_159 = arith.muli %add3A_141, %parallel_loop3A_158 : i32
            %parallel_loop3A_160 = arith.addi %parallel_loop3A_159, %parallel_loop3A_157 : i32
            %parallel_loop3A_161 = arith.index_cast %parallel_loop3A_160 : i32 to index
            %parallel_loop3A_162 = tpu.vector_load %arg9[%parallel_loop3A_161] {strides = array<i32>} : memref<5120xi32, #tpu.memory_space<vmem>>, vector<16xi32>,
            %parallel_loop3A_163 = arith.constant 64 : i32
            %parallel_loop3A_164 = arith.muli %add3A_141, %parallel_loop3A_163 : i32
            %parallel_loop3A_165 = arith.addi %parallel_loop3A_164, %parallel_loop3A_157 : i32
            %parallel_loop3A_166 = arith.index_cast %parallel_loop3A_165 : i32 to index
            %parallel_loop3A_167 = tpu.vector_load %arg10[%parallel_loop3A_166] {strides = array<i32>} : memref<5120xi32, #tpu.memory_space<vmem>>, vector<16xi32>,
            %parallel_loop3A_168 = arith.constant 20 : i32
            %parallel_loop3A_169 = vector.broadcast %parallel_loop3A_168 : i32 to vector<16xi32>
            %parallel_loop3A_170 = arith.divsi %parallel_loop3A_162, %parallel_loop3A_169 : vector<16xi32>
            %parallel_loop3A_171 = arith.constant 0 : i32
            %parallel_loop3A_172 = vector.broadcast %parallel_loop3A_171 : i32 to vector<16xi32>
            %parallel_loop3A_173 = arith.cmpi sgt, %parallel_loop3A_162, %parallel_loop3A_172 : vector<16xi32>
            %parallel_loop3A_174 = arith.extui %parallel_loop3A_173 : vector<16xi1> to vector<16xi32>
            %parallel_loop3A_175 = arith.constant 0 : i32
            %parallel_loop3A_176 = vector.broadcast %parallel_loop3A_175 : i32 to vector<16xi32>
            %parallel_loop3A_177 = arith.cmpi slt, %parallel_loop3A_162, %parallel_loop3A_176 : vector<16xi32>
            %parallel_loop3A_178 = arith.extui %parallel_loop3A_177 : vector<16xi1> to vector<16xi32>
            %parallel_loop3A_179 = arith.subi %parallel_loop3A_174, %parallel_loop3A_178 : vector<16xi32>
            %parallel_loop3A_180 = arith.constant 0 : i32
            %parallel_loop3A_181 = arith.cmpi sgt, %parallel_loop3A_168, %parallel_loop3A_180 : i32
            %parallel_loop3A_182 = arith.extui %parallel_loop3A_181 : i1 to i32
            %parallel_loop3A_183 = arith.constant 0 : i32
            %parallel_loop3A_184 = arith.cmpi slt, %parallel_loop3A_168, %parallel_loop3A_183 : i32
            %parallel_loop3A_185 = arith.extui %parallel_loop3A_184 : i1 to i32
            %parallel_loop3A_186 = arith.subi %parallel_loop3A_182, %parallel_loop3A_185 : i32
            %parallel_loop3A_187 = vector.broadcast %parallel_loop3A_186 : i32 to vector<16xi32>
            %parallel_loop3A_188 = arith.cmpi ne, %parallel_loop3A_179, %parallel_loop3A_187 : vector<16xi32>
            %parallel_loop3A_189 = vector.broadcast %parallel_loop3A_168 : i32 to vector<16xi32>
            %parallel_loop3A_190 = arith.remsi %parallel_loop3A_162, %parallel_loop3A_189 : vector<16xi32>
            %parallel_loop3A_191 = arith.constant 0 : i32
            %parallel_loop3A_192 = vector.broadcast %parallel_loop3A_191 : i32 to vector<16xi32>
            %parallel_loop3A_193 = arith.cmpi ne, %parallel_loop3A_190, %parallel_loop3A_192 : vector<16xi32>
            %parallel_loop3A_194 = arith.andi %parallel_loop3A_188, %parallel_loop3A_193 : vector<16xi1>
            %parallel_loop3A_195 = arith.constant 1 : i32
            %parallel_loop3A_196 = vector.broadcast %parallel_loop3A_195 : i32 to vector<16xi32>
            %parallel_loop3A_197 = arith.subi %parallel_loop3A_170, %parallel_loop3A_196 : vector<16xi32>
            %parallel_loop3A_198 = arith.select %parallel_loop3A_194, %parallel_loop3A_197, %parallel_loop3A_170 : vector<16xi1>, vector<16xi32>
            %parallel_loop3A_199 = arith.index_cast %parallel_loop3A_157 : i32 to index
            %parallel_loop3A_200 = tpu.vector_load %arg22[%parallel_loop3A_199] {strides = array<i32>} : memref<64xi32, #tpu.memory_space<vmem>>, vector<16xi32>,
            tpu.vector_store %arg22[%parallel_loop3A_199], %parallel_loop3A_198 {strides = array<i32>} : memref<64xi32, #tpu.memory_space<vmem>>, vector<16xi32>,
            %parallel_loop3A_201 = arith.constant 20 : i32
            %parallel_loop3A_202 = vector.broadcast %parallel_loop3A_201 : i32 to vector<16xi32>
            %parallel_loop3A_203 = arith.muli %parallel_loop3A_167, %parallel_loop3A_202 : vector<16xi32>
            %parallel_loop3A_204 = arith.constant 20 : i32
            %parallel_loop3A_205 = vector.broadcast %parallel_loop3A_204 : i32 to vector<16xi32>
            %parallel_loop3A_206 = arith.muli %parallel_loop3A_198, %parallel_loop3A_205 : vector<16xi32>
            %parallel_loop3A_207 = arith.subi %parallel_loop3A_162, %parallel_loop3A_206 : vector<16xi32>
            %parallel_loop3A_208 = arith.addi %parallel_loop3A_203, %parallel_loop3A_207 : vector<16xi32>
            %parallel_loop3A_209 = arith.index_cast %parallel_loop3A_157 : i32 to index
            %parallel_loop3A_210 = tpu.vector_load %arg23[%parallel_loop3A_209] {strides = array<i32>} : memref<64xi32, #tpu.memory_space<vmem>>, vector<16xi32>,
            tpu.vector_store %arg23[%parallel_loop3A_209], %parallel_loop3A_208 {strides = array<i32>} : memref<64xi32, #tpu.memory_space<vmem>>, vector<16xi32>,
          } {sc.loop_unroll_factor = 2 : i64, sc.parallel_access}
          %mul3A_145 = arith.constant 64 : i32
          %mul3A_146 = arith.muli %add3A_141, %mul3A_145 : i32
          %dma_start3A_147 = tpu.memref_slice %arg9[%mul3A_146] : memref<5120xi32, #tpu.memory_space<vmem>> -> memref<64xi32, #tpu.memory_space<vmem>>
          %dma_start3A_148 = arith.constant 0 : i32
          %dma_start3A_149 = arith.constant 0 : i32
          %dma_start3A_150 = tpu.memref_slice %arg3[%dma_start3A_148, %dma_start3A_149] : memref<200000x16xf32, #tpu.memory_space<hbm>> -> memref<200000x16xf32, #tpu.memory_space<hbm>>
          tpu.enqueue_indirect_dma source(%dma_start3A_150 : memref<200000x16xf32, #tpu.memory_space<hbm>>) target(%arg18 : memref<64x16xf32, #tpu.memory_space<vmem>>) offsets(%dma_start3A_147 : memref<64xi32, #tpu.memory_space<vmem>>) semaphore(%arg28 : memref<!tpu.dma_semaphore, #tpu.memory_space<semaphore_mem>>)
          %dma_start3A_151 = arith.constant 0 : i32
          %dma_start3A_152 = arith.constant 0 : i32
          %dma_start3A_153 = tpu.memref_slice %arg4[%dma_start3A_151, %dma_start3A_152] : memref<200000x16xf32, #tpu.memory_space<hbm>> -> memref<200000x16xf32, #tpu.memory_space<hbm>>
          tpu.enqueue_indirect_dma source(%dma_start3A_153 : memref<200000x16xf32, #tpu.memory_space<hbm>>) target(%arg19 : memref<64x16xf32, #tpu.memory_space<vmem>>) offsets(%arg23 : memref<64xi32, #tpu.memory_space<vmem>>) semaphore(%arg28 : memref<!tpu.dma_semaphore, #tpu.memory_space<semaphore_mem>>)
          %dma_start3A_154 = arith.constant 0 : i32
          %dma_start3A_155 = arith.constant 0 : i32
          %dma_start3A_156 = tpu.memref_slice %arg2[%dma_start3A_154, %dma_start3A_155] : memref<10000x128xf32, #tpu.memory_space<hbm>> -> memref<10000x128xf32, #tpu.memory_space<hbm>>
          tpu.enqueue_indirect_dma source(%dma_start3A_156 : memref<10000x128xf32, #tpu.memory_space<hbm>>) target(%arg20 : memref<64x128xf32, #tpu.memory_space<vmem>>) offsets(%arg22 : memref<64xi32, #tpu.memory_space<vmem>>) semaphore(%arg28 : memref<!tpu.dma_semaphore, #tpu.memory_space<semaphore_mem>>)
        } else {
        }
      }
      %scan3A_59 = arith.constant 40 : i32
      %dma_wait3A = arith.constant 0 : i32
      %dma_wait3A_60 = arith.constant 0 : i32
      %dma_wait3A_61 = tpu.memref_slice %arg26[%dma_wait3A, %dma_wait3A_60] : memref<10240x128xf32, #tpu.memory_space<vmem_shared>> -> memref<10240x128xf32, #tpu.memory_space<vmem_shared>>
      tpu.wait_indirect_dma semaphore(%arg29 : memref<!tpu.dma_semaphore, #tpu.memory_space<semaphore_mem>>) src(%arg14 : memref<64x128xf32, #tpu.memory_space<vmem>>) dst(%dma_wait3A_61 : memref<10240x128xf32, #tpu.memory_space<vmem_shared>>)
      %dma_wait3A_62 = arith.constant 0 : i32
      %dma_wait3A_63 = arith.constant 0 : i32
      %dma_wait3A_64 = tpu.memref_slice %arg26[%dma_wait3A_62, %dma_wait3A_63] : memref<10240x128xf32, #tpu.memory_space<vmem_shared>> -> memref<10240x128xf32, #tpu.memory_space<vmem_shared>>
      tpu.wait_indirect_dma semaphore(%arg30 : memref<!tpu.dma_semaphore, #tpu.memory_space<semaphore_mem>>) src(%arg21 : memref<64x128xf32, #tpu.memory_space<vmem>>) dst(%dma_wait3A_64 : memref<10240x128xf32, #tpu.memory_space<vmem_shared>>)
      %barrier3A_65 = arith.constant 0 : index
      tpu.barrier barrier_id(%barrier3A_65)
      %mul3A_66 = arith.constant 640 : i32
      %mul3A_67 = arith.muli %arg1, %mul3A_66 : i32
      %mul3A_68 = arith.constant 640 : i32
      %mul3A_69 = arith.muli %arg1, %mul3A_68 : i32
      "tpu.region"() ({
        %run_scoped3A = tpu.sem_alloc : memref<!tpu.dma_semaphore, #tpu.memory_space<semaphore_mem>>
        %dma_start3A_71 = arith.constant 0 : i32
        %dma_start3A_72 = tpu.memref_slice %arg8[%arg0, %add3A_13, %mul3A_69, %dma_start3A_71] : memref<2x5x10240x128xf32, #tpu.memory_space<hbm>> -> memref<1x1x640x128xf32, #tpu.memory_space<hbm>>
        %dma_start3A_73 = tpu.memref_squeeze %dma_start3A_72 : memref<1x1x640x128xf32, #tpu.memory_space<hbm>> -> memref<640x128xf32, #tpu.memory_space<hbm>>
        %dma_start3A_74 = arith.constant 0 : i32
        %dma_start3A_75 = tpu.memref_slice %arg26[%mul3A_67, %dma_start3A_74] : memref<10240x128xf32, #tpu.memory_space<vmem_shared>> -> memref<640x128xf32, #tpu.memory_space<vmem_shared>>
        tpu.enqueue_dma source(%dma_start3A_75 : memref<640x128xf32, #tpu.memory_space<vmem_shared>>) target(%dma_start3A_73 : memref<640x128xf32, #tpu.memory_space<hbm>>) target_semaphore(%run_scoped3A : memref<!tpu.dma_semaphore, #tpu.memory_space<semaphore_mem>>)
        %dma_wait3A_76 = arith.constant 0 : i32
        %dma_wait3A_77 = tpu.memref_slice %arg8[%arg0, %add3A_13, %mul3A_69, %dma_wait3A_76] : memref<2x5x10240x128xf32, #tpu.memory_space<hbm>> -> memref<1x1x640x128xf32, #tpu.memory_space<hbm>>
        %dma_wait3A_78 = tpu.memref_squeeze %dma_wait3A_77 : memref<1x1x640x128xf32, #tpu.memory_space<hbm>> -> memref<640x128xf32, #tpu.memory_space<hbm>>
        %dma_wait3A_79 = arith.constant 0 : i32
        %dma_wait3A_80 = tpu.memref_slice %arg26[%mul3A_67, %dma_wait3A_79] : memref<10240x128xf32, #tpu.memory_space<vmem_shared>> -> memref<640x128xf32, #tpu.memory_space<vmem_shared>>
        tpu.wait_dma2 semaphore(%run_scoped3A : memref<!tpu.dma_semaphore, #tpu.memory_space<semaphore_mem>>) src(%dma_wait3A_80 : memref<640x128xf32, #tpu.memory_space<vmem_shared>>) dst(%dma_wait3A_78 : memref<640x128xf32, #tpu.memory_space<hbm>>)
        tpu.yield
      }) : () -> ()
      %barrier3A_70 = arith.constant 0 : index
      tpu.barrier barrier_id(%barrier3A_70)
    }
    %scan3A_8 = arith.constant 5 : i32
    return
  }
}

module attributes {stable_mosaic.version = 14 : i64} {
  func.func @_proj_body(%arg0: i32, %arg1: memref<1000x256xf32, #tpu.memory_space<vmem>>, %arg2: memref<128x256xf32, #tpu.memory_space<vmem>>, %arg3: memref<640x256xf32, #tpu.memory_space<vmem>>, %arg4: memref<128x320xf32, #tpu.memory_space<vmem>>, %arg5: memref<128x320xf32, #tpu.memory_space<vmem>>, %arg6: memref<1000x128xf32, #tpu.memory_space<vmem>>, %arg7: memref<1000x640xf32, #tpu.memory_space<vmem>>, %arg8: memref<1000x320xf32, #tpu.memory_space<vmem>>, %arg9: memref<1000x320xf32, #tpu.memory_space<vmem>>) attributes {dimension_semantics = [#tpu.dimension_semantics<arbitrary>], iteration_bounds = array<i64: 10>, scalar_prefetch = 0 : i64, scratch_operands = 0 : i64, tpu.core_type = #tpu.core_type<tc>, window_params = [{transform_indices = @transform_0, window_bounds = array<i64: 1000, 256>}, {pipeline_mode = #tpu.pipeline_mode<synchronous>, transform_indices = @transform_1, window_bounds = array<i64: 128, 256>}, {pipeline_mode = #tpu.pipeline_mode<synchronous>, transform_indices = @transform_2, window_bounds = array<i64: 640, 256>}, {pipeline_mode = #tpu.pipeline_mode<synchronous>, transform_indices = @transform_3, window_bounds = array<i64: 128, 320>}, {pipeline_mode = #tpu.pipeline_mode<synchronous>, transform_indices = @transform_4, window_bounds = array<i64: 128, 320>}, {transform_indices = @transform_5, window_bounds = array<i64: 1000, 128>}, {transform_indices = @transform_6, window_bounds = array<i64: 1000, 640>}, {transform_indices = @transform_7, window_bounds = array<i64: 1000, 320>}, {transform_indices = @transform_8, window_bounds = array<i64: 1000, 320>}]} {
    %get3A = arith.constant 0 : index
    %get3A_0 = arith.constant 0 : index
    %get3A_1 = vector.load %arg1[%get3A, %get3A_0] : memref<1000x256xf32, #tpu.memory_space<vmem>>, vector<1000x256xf32>
    %get3A_2 = arith.constant 0 : index
    %get3A_3 = arith.constant 0 : index
    %get3A_4 = vector.load %arg2[%get3A_2, %get3A_3] : memref<128x256xf32, #tpu.memory_space<vmem>>, vector<128x256xf32>
    %dot_general3A = arith.constant dense<0.000000e+00> : vector<1000x128xf32>
    %dot_general3A_5 = tpu.matmul %get3A_1, %get3A_4, %dot_general3A {dimension_numbers = #tpu.dot_dimension_numbers<[1], [1], [0], [0], [0, 0, 1, 0], [], []>, precision = #tpu.contract_precision<fp32>, transpose_lhs_hint = false} : vector<1000x256xf32>, vector<128x256xf32>, vector<1000x128xf32> -> vector<1000x128xf32>
    %swap3A = arith.constant 0 : index
    %swap3A_6 = arith.constant 0 : index
    %swap3A_7 = vector.load %arg6[%swap3A, %swap3A_6] : memref<1000x128xf32, #tpu.memory_space<vmem>>, vector<1000x128xf32>
    tpu.vector_store %arg6[%swap3A, %swap3A_6], %dot_general3A_5 {strides = array<i32>} : memref<1000x128xf32, #tpu.memory_space<vmem>>, vector<1000x128xf32>,
    %get3A_8 = arith.constant 0 : index
    %get3A_9 = arith.constant 0 : index
    %get3A_10 = vector.load %arg3[%get3A_8, %get3A_9] : memref<640x256xf32, #tpu.memory_space<vmem>>, vector<640x256xf32>
    %dot_general3A_11 = arith.constant dense<0.000000e+00> : vector<1000x640xf32>
    %dot_general3A_12 = tpu.matmul %get3A_1, %get3A_10, %dot_general3A_11 {dimension_numbers = #tpu.dot_dimension_numbers<[1], [1], [0], [0], [0, 0, 1, 0], [], []>, precision = #tpu.contract_precision<fp32>, transpose_lhs_hint = false} : vector<1000x256xf32>, vector<640x256xf32>, vector<1000x640xf32> -> vector<1000x640xf32>
    %swap3A_13 = arith.constant 0 : index
    %swap3A_14 = arith.constant 0 : index
    %swap3A_15 = vector.load %arg7[%swap3A_13, %swap3A_14] : memref<1000x640xf32, #tpu.memory_space<vmem>>, vector<1000x640xf32>
    tpu.vector_store %arg7[%swap3A_13, %swap3A_14], %dot_general3A_12 {strides = array<i32>} : memref<1000x640xf32, #tpu.memory_space<vmem>>, vector<1000x640xf32>,
    %get3A_16 = arith.constant 0 : index
    %get3A_17 = arith.constant 0 : index
    %get3A_18 = vector.load %arg4[%get3A_16, %get3A_17] : memref<128x320xf32, #tpu.memory_space<vmem>>, vector<128x320xf32>
    %dot_general3A_19 = arith.constant dense<0.000000e+00> : vector<1000x320xf32>
    %dot_general3A_20 = tpu.matmul %dot_general3A_5, %get3A_18, %dot_general3A_19 {dimension_numbers = #tpu.dot_dimension_numbers<[1], [0], [0], [1], [0, 0, 1, 1], [], []>, precision = #tpu.contract_precision<fp32>, transpose_lhs_hint = false} : vector<1000x128xf32>, vector<128x320xf32>, vector<1000x320xf32> -> vector<1000x320xf32>
    %swap3A_21 = arith.constant 0 : index
    %swap3A_22 = arith.constant 0 : index
    %swap3A_23 = vector.load %arg8[%swap3A_21, %swap3A_22] : memref<1000x320xf32, #tpu.memory_space<vmem>>, vector<1000x320xf32>
    tpu.vector_store %arg8[%swap3A_21, %swap3A_22], %dot_general3A_20 {strides = array<i32>} : memref<1000x320xf32, #tpu.memory_space<vmem>>, vector<1000x320xf32>,
    %get3A_24 = arith.constant 0 : index
    %get3A_25 = arith.constant 0 : index
    %get3A_26 = vector.load %arg5[%get3A_24, %get3A_25] : memref<128x320xf32, #tpu.memory_space<vmem>>, vector<128x320xf32>
    %dot_general3A_27 = arith.constant dense<0.000000e+00> : vector<1000x320xf32>
    %dot_general3A_28 = tpu.matmul %dot_general3A_5, %get3A_26, %dot_general3A_27 {dimension_numbers = #tpu.dot_dimension_numbers<[1], [0], [0], [1], [0, 0, 1, 1], [], []>, precision = #tpu.contract_precision<fp32>, transpose_lhs_hint = false} : vector<1000x128xf32>, vector<128x320xf32>, vector<1000x320xf32> -> vector<1000x320xf32>
    %swap3A_29 = arith.constant 0 : index
    %swap3A_30 = arith.constant 0 : index
    %swap3A_31 = vector.load %arg9[%swap3A_29, %swap3A_30] : memref<1000x320xf32, #tpu.memory_space<vmem>>, vector<1000x320xf32>
    tpu.vector_store %arg9[%swap3A_29, %swap3A_30], %dot_general3A_28 {strides = array<i32>} : memref<1000x320xf32, #tpu.memory_space<vmem>>, vector<1000x320xf32>,
    return
  }
  func.func @transform_0(%arg0: i32) -> (i32, i32) {
    %c0_i32 = arith.constant 0 : i32
    %c0_i32_0 = arith.constant 0 : i32
    return %arg0, %c0_i32 : i32, i32
  }
  func.func @transform_1(%arg0: i32) -> (i32, i32) {
    %c0_i32 = arith.constant 0 : i32
    %c0_i32_0 = arith.constant 0 : i32
    %c0_i32_1 = arith.constant 0 : i32
    return %c0_i32, %c0_i32_0 : i32, i32
  }
  func.func @transform_2(%arg0: i32) -> (i32, i32) {
    %c0_i32 = arith.constant 0 : i32
    %c0_i32_0 = arith.constant 0 : i32
    %c0_i32_1 = arith.constant 0 : i32
    return %c0_i32, %c0_i32_0 : i32, i32
  }
  func.func @transform_3(%arg0: i32) -> (i32, i32) {
    %c0_i32 = arith.constant 0 : i32
    %c0_i32_0 = arith.constant 0 : i32
    %c0_i32_1 = arith.constant 0 : i32
    return %c0_i32, %c0_i32_0 : i32, i32
  }
  func.func @transform_4(%arg0: i32) -> (i32, i32) {
    %c0_i32 = arith.constant 0 : i32
    %c0_i32_0 = arith.constant 0 : i32
    %c0_i32_1 = arith.constant 0 : i32
    return %c0_i32, %c0_i32_0 : i32, i32
  }
  func.func @transform_5(%arg0: i32) -> (i32, i32) {
    %c0_i32 = arith.constant 0 : i32
    %c0_i32_0 = arith.constant 0 : i32
    return %arg0, %c0_i32 : i32, i32
  }
  func.func @transform_6(%arg0: i32) -> (i32, i32) {
    %c0_i32 = arith.constant 0 : i32
    %c0_i32_0 = arith.constant 0 : i32
    return %arg0, %c0_i32 : i32, i32
  }
  func.func @transform_7(%arg0: i32) -> (i32, i32) {
    %c0_i32 = arith.constant 0 : i32
    %c0_i32_0 = arith.constant 0 : i32
    return %arg0, %c0_i32 : i32, i32
  }
  func.func @transform_8(%arg0: i32) -> (i32, i32) {
    %c0_i32 = arith.constant 0 : i32
    %c0_i32_0 = arith.constant 0 : i32
    return %arg0, %c0_i32 : i32, i32
  }
}

module attributes {stable_mosaic.version = 14 : i64} {
  func.func @_combine_body(%arg0: i32, %arg1: memref<2x5x1000x128xf32, #tpu.memory_space<vmem>>, %arg2: memref<1000x640xf32, #tpu.memory_space<vmem>>, %arg3: memref<1000x640xf32, #tpu.memory_space<vmem>>) attributes {dimension_semantics = [#tpu.dimension_semantics<arbitrary>], iteration_bounds = array<i64: 10>, scalar_prefetch = 0 : i64, scratch_operands = 0 : i64, tpu.core_type = #tpu.core_type<tc>, window_params = [{transform_indices = @transform_0, window_bounds = array<i64: 2, 5, 1000, 128>}, {transform_indices = @transform_1, window_bounds = array<i64: 1000, 640>}, {transform_indices = @transform_2, window_bounds = array<i64: 1000, 640>}]} {
    %get3A = arith.constant 0 : index
    %get3A_0 = arith.constant 0 : index
    %get3A_1 = arith.constant 0 : index
    %get3A_2 = arith.constant 0 : index
    %get3A_3 = vector.load %arg1[%get3A, %get3A_0, %get3A_1, %get3A_2] : memref<2x5x1000x128xf32, #tpu.memory_space<vmem>>, vector<1x1x1000x128xf32>
    %get3A_4 = vector.shape_cast %get3A_3 : vector<1x1x1000x128xf32> to vector<1000x128xf32>
    %get3A_5 = arith.constant 1 : index
    %get3A_6 = arith.constant 0 : index
    %get3A_7 = arith.constant 0 : index
    %get3A_8 = arith.constant 0 : index
    %get3A_9 = vector.load %arg1[%get3A_5, %get3A_6, %get3A_7, %get3A_8] : memref<2x5x1000x128xf32, #tpu.memory_space<vmem>>, vector<1x1x1000x128xf32>
    %get3A_10 = vector.shape_cast %get3A_9 : vector<1x1x1000x128xf32> to vector<1000x128xf32>
    %add3A = arith.addf %get3A_4, %get3A_10 : vector<1000x128xf32>
    %get3A_11 = arith.constant 0 : index
    %get3A_12 = arith.constant 0 : index
    %get3A_13 = vector.load %arg2[%get3A_11, %get3A_12] : memref<1000x640xf32, #tpu.memory_space<vmem>>, vector<1000x128xf32>
    %add3A_14 = arith.addf %add3A, %get3A_13 : vector<1000x128xf32>
    %swap3A = arith.constant 0 : index
    %swap3A_15 = arith.constant 0 : index
    %swap3A_16 = vector.load %arg3[%swap3A, %swap3A_15] : memref<1000x640xf32, #tpu.memory_space<vmem>>, vector<1000x128xf32>
    tpu.vector_store %arg3[%swap3A, %swap3A_15], %add3A_14 {strides = array<i32>} : memref<1000x640xf32, #tpu.memory_space<vmem>>, vector<1000x128xf32>,
    %get3A_17 = arith.constant 0 : index
    %get3A_18 = arith.constant 1 : index
    %get3A_19 = arith.constant 0 : index
    %get3A_20 = arith.constant 0 : index
    %get3A_21 = vector.load %arg1[%get3A_17, %get3A_18, %get3A_19, %get3A_20] : memref<2x5x1000x128xf32, #tpu.memory_space<vmem>>, vector<1x1x1000x128xf32>
    %get3A_22 = vector.shape_cast %get3A_21 : vector<1x1x1000x128xf32> to vector<1000x128xf32>
    %get3A_23 = arith.constant 1 : index
    %get3A_24 = arith.constant 1 : index
    %get3A_25 = arith.constant 0 : index
    %get3A_26 = arith.constant 0 : index
    %get3A_27 = vector.load %arg1[%get3A_23, %get3A_24, %get3A_25, %get3A_26] : memref<2x5x1000x128xf32, #tpu.memory_space<vmem>>, vector<1x1x1000x128xf32>
    %get3A_28 = vector.shape_cast %get3A_27 : vector<1x1x1000x128xf32> to vector<1000x128xf32>
    %add3A_29 = arith.addf %get3A_22, %get3A_28 : vector<1000x128xf32>
    %get3A_30 = arith.constant 0 : index
    %get3A_31 = arith.constant 128 : index
    %get3A_32 = vector.load %arg2[%get3A_30, %get3A_31] : memref<1000x640xf32, #tpu.memory_space<vmem>>, vector<1000x128xf32>
    %add3A_33 = arith.addf %add3A_29, %get3A_32 : vector<1000x128xf32>
    %swap3A_34 = arith.constant 0 : index
    %swap3A_35 = arith.constant 128 : index
    %swap3A_36 = vector.load %arg3[%swap3A_34, %swap3A_35] : memref<1000x640xf32, #tpu.memory_space<vmem>>, vector<1000x128xf32>
    tpu.vector_store %arg3[%swap3A_34, %swap3A_35], %add3A_33 {strides = array<i32>} : memref<1000x640xf32, #tpu.memory_space<vmem>>, vector<1000x128xf32>,
    %get3A_37 = arith.constant 0 : index
    %get3A_38 = arith.constant 2 : index
    %get3A_39 = arith.constant 0 : index
    %get3A_40 = arith.constant 0 : index
    %get3A_41 = vector.load %arg1[%get3A_37, %get3A_38, %get3A_39, %get3A_40] : memref<2x5x1000x128xf32, #tpu.memory_space<vmem>>, vector<1x1x1000x128xf32>
    %get3A_42 = vector.shape_cast %get3A_41 : vector<1x1x1000x128xf32> to vector<1000x128xf32>
    %get3A_43 = arith.constant 1 : index
    %get3A_44 = arith.constant 2 : index
    %get3A_45 = arith.constant 0 : index
    %get3A_46 = arith.constant 0 : index
    %get3A_47 = vector.load %arg1[%get3A_43, %get3A_44, %get3A_45, %get3A_46] : memref<2x5x1000x128xf32, #tpu.memory_space<vmem>>, vector<1x1x1000x128xf32>
    %get3A_48 = vector.shape_cast %get3A_47 : vector<1x1x1000x128xf32> to vector<1000x128xf32>
    %add3A_49 = arith.addf %get3A_42, %get3A_48 : vector<1000x128xf32>
    %get3A_50 = arith.constant 0 : index
    %get3A_51 = arith.constant 256 : index
    %get3A_52 = vector.load %arg2[%get3A_50, %get3A_51] : memref<1000x640xf32, #tpu.memory_space<vmem>>, vector<1000x128xf32>
    %add3A_53 = arith.addf %add3A_49, %get3A_52 : vector<1000x128xf32>
    %swap3A_54 = arith.constant 0 : index
    %swap3A_55 = arith.constant 256 : index
    %swap3A_56 = vector.load %arg3[%swap3A_54, %swap3A_55] : memref<1000x640xf32, #tpu.memory_space<vmem>>, vector<1000x128xf32>
    tpu.vector_store %arg3[%swap3A_54, %swap3A_55], %add3A_53 {strides = array<i32>} : memref<1000x640xf32, #tpu.memory_space<vmem>>, vector<1000x128xf32>,
    %get3A_57 = arith.constant 0 : index
    %get3A_58 = arith.constant 3 : index
    %get3A_59 = arith.constant 0 : index
    %get3A_60 = arith.constant 0 : index
    %get3A_61 = vector.load %arg1[%get3A_57, %get3A_58, %get3A_59, %get3A_60] : memref<2x5x1000x128xf32, #tpu.memory_space<vmem>>, vector<1x1x1000x128xf32>
    %get3A_62 = vector.shape_cast %get3A_61 : vector<1x1x1000x128xf32> to vector<1000x128xf32>
    %get3A_63 = arith.constant 1 : index
    %get3A_64 = arith.constant 3 : index
    %get3A_65 = arith.constant 0 : index
    %get3A_66 = arith.constant 0 : index
    %get3A_67 = vector.load %arg1[%get3A_63, %get3A_64, %get3A_65, %get3A_66] : memref<2x5x1000x128xf32, #tpu.memory_space<vmem>>, vector<1x1x1000x128xf32>
    %get3A_68 = vector.shape_cast %get3A_67 : vector<1x1x1000x128xf32> to vector<1000x128xf32>
    %add3A_69 = arith.addf %get3A_62, %get3A_68 : vector<1000x128xf32>
    %get3A_70 = arith.constant 0 : index
    %get3A_71 = arith.constant 384 : index
    %get3A_72 = vector.load %arg2[%get3A_70, %get3A_71] : memref<1000x640xf32, #tpu.memory_space<vmem>>, vector<1000x128xf32>
    %add3A_73 = arith.addf %add3A_69, %get3A_72 : vector<1000x128xf32>
    %swap3A_74 = arith.constant 0 : index
    %swap3A_75 = arith.constant 384 : index
    %swap3A_76 = vector.load %arg3[%swap3A_74, %swap3A_75] : memref<1000x640xf32, #tpu.memory_space<vmem>>, vector<1000x128xf32>
    tpu.vector_store %arg3[%swap3A_74, %swap3A_75], %add3A_73 {strides = array<i32>} : memref<1000x640xf32, #tpu.memory_space<vmem>>, vector<1000x128xf32>,
    %get3A_77 = arith.constant 0 : index
    %get3A_78 = arith.constant 4 : index
    %get3A_79 = arith.constant 0 : index
    %get3A_80 = arith.constant 0 : index
    %get3A_81 = vector.load %arg1[%get3A_77, %get3A_78, %get3A_79, %get3A_80] : memref<2x5x1000x128xf32, #tpu.memory_space<vmem>>, vector<1x1x1000x128xf32>
    %get3A_82 = vector.shape_cast %get3A_81 : vector<1x1x1000x128xf32> to vector<1000x128xf32>
    %get3A_83 = arith.constant 1 : index
    %get3A_84 = arith.constant 4 : index
    %get3A_85 = arith.constant 0 : index
    %get3A_86 = arith.constant 0 : index
    %get3A_87 = vector.load %arg1[%get3A_83, %get3A_84, %get3A_85, %get3A_86] : memref<2x5x1000x128xf32, #tpu.memory_space<vmem>>, vector<1x1x1000x128xf32>
    %get3A_88 = vector.shape_cast %get3A_87 : vector<1x1x1000x128xf32> to vector<1000x128xf32>
    %add3A_89 = arith.addf %get3A_82, %get3A_88 : vector<1000x128xf32>
    %get3A_90 = arith.constant 0 : index
    %get3A_91 = arith.constant 512 : index
    %get3A_92 = vector.load %arg2[%get3A_90, %get3A_91] : memref<1000x640xf32, #tpu.memory_space<vmem>>, vector<1000x128xf32>
    %add3A_93 = arith.addf %add3A_89, %get3A_92 : vector<1000x128xf32>
    %swap3A_94 = arith.constant 0 : index
    %swap3A_95 = arith.constant 512 : index
    %swap3A_96 = vector.load %arg3[%swap3A_94, %swap3A_95] : memref<1000x640xf32, #tpu.memory_space<vmem>>, vector<1000x128xf32>
    tpu.vector_store %arg3[%swap3A_94, %swap3A_95], %add3A_93 {strides = array<i32>} : memref<1000x640xf32, #tpu.memory_space<vmem>>, vector<1000x128xf32>,
    return
  }
  func.func @transform_0(%arg0: i32) -> (i32, i32, i32, i32) {
    %c0_i32 = arith.constant 0 : i32
    %c0_i32_0 = arith.constant 0 : i32
    %c0_i32_1 = arith.constant 0 : i32
    %c0_i32_2 = arith.constant 0 : i32
    return %c0_i32, %c0_i32_0, %arg0, %c0_i32_1 : i32, i32, i32, i32
  }
  func.func @transform_1(%arg0: i32) -> (i32, i32) {
    %c0_i32 = arith.constant 0 : i32
    %c0_i32_0 = arith.constant 0 : i32
    return %arg0, %c0_i32 : i32, i32
  }
  func.func @transform_2(%arg0: i32) -> (i32, i32) {
    %c0_i32 = arith.constant 0 : i32
    %c0_i32_0 = arith.constant 0 : i32
    return %arg0, %c0_i32 : i32, i32
  }
}

</mosaic_0001>

<sc_bundles>
// kernel: kernel.5.cloned.1.call-start
scs
__scs_entry_jumppad:
0x0: {  	(pc) =	sbr.rel $0x88, $3  }
0x1: {  	(tag) =	ssettag $0x0;
	lr =	simm.s32 $0x1  }
0x2: {  	[smem:$0x3F9B] =	sst lr;
	_ =	strace $0xD0000000  }
0x3: {  	_ = 	snop  }
0x4: {  	_ = 	snop  }
0x5: {  	_ = 	snop  }
0x6: {  	_ = 	snop  }
0x7: {  	_ = 	snop  }
__scs_overlays_trampoline_lowered:
0x8: {  	[smem:$0x3FAA] =	sst s0  }
0x9: {  	[smem:$0x3FAB] =	sst s1  }
0xa: {  	[smem:$0x3FAC] =	sst s2  }
0xb: {  	[smem:$0x3FAD] =	sst s3  }
0xc: {  	[smem:$0x3FAE] =	sst s4  }
0xd: {  	[smem:$0x3FAF] =	sst s5  }
0xe: {  	[smem:$0x3FB0] =	sst s6  }
0xf: {  	[smem:$0x3FB1] =	sst s7  }
0x10: {  	[smem:$0x3FB2] =	sst s8  }
0x11: {  	[smem:$0x3FB3] =	sst s9;
	s0 =	simm.s32 @!p0 $0x0  }
0x12: {  	s1 =	sld [smem:$0x3F99];
	s0 =	simm.s32 @p0 $0x1  }
0x13: {  	[smem:$0x3FB4] =	sst s0;
	s0 =	simm.s32 @!p1 $0x0  }
0x14: {  	s2 =	sld [smem:$0x3F98];
	s0 =	simm.s32 @p1 $0x1  }
0x15: {  	[smem:$0x3FB5] =	sst s0;
	s0 =	simm.s32 @!p2 $0x0  }
0x16: {  	s3 =	sld [smem:$0x3FDB];
	s0 =	simm.s32 @p2 $0x1  }
0x17: {  	s4 =	simm.s32 $0x1BF5;
	[smem:$0x3FB7] =	sst s0  }
0x18: {  	s0 =	sld [smem:$0x3F9A];
	_ =	swait.ge [sflag:s4], $0x0  }
0x19: {  	s7 =	sld [smem:$0x3F9B]  }
0x1a: {  	s8 =	sadd.s32 $0xFFFFE003, lr  }
0x1b: {  	s9 =	sadd.s32 $0xFFFFFEF7, lr;
	s5 =	simm.s32 $0xFFFFFFFF;
	p2 =	slt.u32 s8, $0xFFFFF086  }
0x1c: {  	p1 =	slt.u32 s9, $0xF7A;
	s5 =	simm.s32 @!p2 $0x0  }
0x1d: {  	s5 =	simm.s32 @p1 $0x1;
	p0 =	seq.s32 s7, s2  }
0x1e: {  	s7 =	smul.u32 @!p0 $0xF7A, s2;
	p2 =	seq.s32 @!p0 s5, $0x0  }
0x1f: {  	s9 =	smul.u32 $0xF7A, s1;
	s8 =	simm.s32 @!p0 $0x1BF5;
	p2 =	por !p2, p0  }
0x20: {  	[sflag:s8] =	ssyncset.s32 @!p0 $0xFFFFF086;
	s6 =	sadd.s32 @!p0 s3, s7;
	s7 =	simm.s32 @!p0 $0x108  }
0x21: {  	s3 =	sadd.s32 s3, s9;
	s6 =	sadd.s32 @!p0 $0x88, s6;
	s7 =	simm.s32 @p2 $0x1082  }
0x22: {  	[simem:s7], [sflag:s8] =	dma.local @!p0 [hbm:s6], $0xF7A  }
0x23: {  	s9 =	sor.u32 $0xD0000000, s2;
	s6 =	simm.s32 $0x108;
	_ =	swait.ge @!p0 [sflag:s8], $0x0  }
0x24: {  	s3 =	sadd.s32 $0x88, s3;
	s6 =	simm.s32 @!p1 $0x1082;
	[sflag:s4] =	ssyncset.s32 $0xFFFFF086  }
0x25: {  	[simem:s6], [sflag:s4] =	dma.local [hbm:s3], $0xF7A  }
0x26: {  	[smem:$0x3F9B] =	sst s1;
	(tag) =	ssettag s2;
	_ =	strace s9  }
0x27: {  	s1 =	sld [smem:$0x3FAB]  }
0x28: {  	s2 =	sld [smem:$0x3FAC]  }
0x29: {  	s4 =	sld [smem:$0x3FAE]  }
0x2a: {  	p0 =	seq.s32 s5, $0x0;
	s5 =	sld [smem:$0x3FAF]  }
0x2b: {  	s6 =	sld [smem:$0x3FB0]  }
0x2c: {  	s7 =	sld [smem:$0x3FB1]  }
0x2d: {  	s3 =	simm.s32 $0x108;
	s8 =	sld [smem:$0x3FB2]  }
0x2e: {  	s3 =	simm.s32 @!p0 $0x1082;
	s9 =	sld [smem:$0x3FB3]  }
0x2f: {  	lr =	sadd.s32 s0, s3;
	s0 =	sld [smem:$0x3FAA]  }
0x30: {  	s3 =	sld [smem:$0x3FAD]  }
0x31: {  	[smem:$0x3FB6] =	sst s10  }
0x32: {  	s10 =	sld [smem:$0x3FB4];
	_ =	sdelay $0x3  }
0x33: {  	p0 =	seq.s32 s10, $0x1;
	s10 =	sld [smem:$0x3FB6];
	_ =	sdelay $0x3  }
0x34: {  	[smem:$0x3FB6] =	sst s10  }
0x35: {  	s10 =	sld [smem:$0x3FB5];
	_ =	sdelay $0x3  }
0x36: {  	p1 =	seq.s32 s10, $0x1;
	s10 =	sld [smem:$0x3FB6];
	_ =	sdelay $0x3  }
0x37: {  	[smem:$0x3FB6] =	sst s10  }
0x38: {  	s10 =	sld [smem:$0x3FB7]  }
0x39: {  	_ = 	snop;
	(pc) =	sbr.ind lr, $3  }
0x3a: {  	_ = 	snop  }
0x3b: {  	_ = 	snop  }
0x3c: {  	p2 =	seq.s32 s10, $0x1;
	s10 =	sld [smem:$0x3FB6]  }
0x3d: {  	_ =	shalt  }
0x3e: {  	_ =	shalt  }
0x3f: {  	_ =	shalt  }
0x40: {  	_ =	shalt  }
0x41: {  	_ =	shalt  }
0x42: {  	_ =	shalt  }
0x43: {  	_ =	shalt  }
0x44: {  	_ =	shalt  }
0x45: {  	_ =	shalt  }
0x46: {  	_ =	shalt  }
0x47: {  	_ =	shalt  }
0x48: {  	_ =	shalt  }
0x49: {  	_ =	shalt  }
0x4a: {  	_ =	shalt  }
0x4b: {  	_ =	shalt  }
0x4c: {  	_ =	shalt  }
0x4d: {  	_ =	shalt  }
0x4e: {  	_ =	shalt  }
0x4f: {  	_ =	shalt  }
0x50: {  	_ =	shalt  }
0x51: {  	_ =	shalt  }
0x52: {  	_ =	shalt  }
0x53: {  	_ =	shalt  }
0x54: {  	_ =	shalt  }
0x55: {  	_ =	shalt  }
0x56: {  	_ =	shalt  }
0x57: {  	_ =	shalt  }
0x58: {  	_ =	shalt  }
0x59: {  	_ =	shalt  }
0x5a: {  	_ =	shalt  }
0x5b: {  	_ =	shalt  }
0x5c: {  	_ =	shalt  }
0x5d: {  	_ =	shalt  }
0x5e: {  	_ =	shalt  }
0x5f: {  	_ =	shalt  }
0x60: {  	_ =	shalt  }
0x61: {  	_ =	shalt  }
0x62: {  	_ =	shalt  }
0x63: {  	_ =	shalt  }
0x64: {  	_ =	shalt  }
0x65: {  	_ =	shalt  }
0x66: {  	_ =	shalt  }
0x67: {  	_ =	shalt  }
0x68: {  	_ =	shalt  }
0x69: {  	_ =	shalt  }
0x6a: {  	_ =	shalt  }
0x6b: {  	_ =	shalt  }
0x6c: {  	_ =	shalt  }
0x6d: {  	_ =	shalt  }
0x6e: {  	_ =	shalt  }
0x6f: {  	_ =	shalt  }
0x70: {  	_ =	shalt  }
0x71: {  	_ =	shalt  }
0x72: {  	_ =	shalt  }
0x73: {  	_ =	shalt  }
0x74: {  	_ =	shalt  }
0x75: {  	_ =	shalt  }
0x76: {  	_ =	shalt  }
0x77: {  	_ =	shalt  }
0x78: {  	_ =	shalt  }
0x79: {  	_ =	shalt  }
0x7a: {  	_ =	shalt  }
0x7b: {  	_ =	shalt  }
0x7c: {  	_ =	shalt  }
0x7d: {  	_ =	shalt  }
0x7e: {  	_ =	shalt  }
0x7f: {  	_ =	shalt  }
0x80: {  	_ =	shalt  }
0x81: {  	_ =	shalt  }
0x82: {  	_ =	shalt  }
0x83: {  	_ =	shalt  }
0x84: {  	_ =	shalt  }
0x85: {  	_ =	shalt  }
0x86: {  	_ =	shalt  }
0x87: {  	_ =	shalt  }
.Lfunc_end0:
.L_simem_size_0:
called_computation_lowered:
.L_overlay_start_0:
0x88: {  	s2 =	sld [smem:$0x3FD9]  }
0x89: {  	s3 =	sld [smem:$0x3FFE];
	_ =	sdelay $0x1  }
0x8a: {  	s1 =	srdreg.scid  }
0x8b: {  	s0 =	sand.u32 $0x1, s1  }
0x8c: {  	s17 =	sshll.u32 s0, $0xA;
	s2 =	sadd.s32 s3, s2  }
0x8d: {  	s2 =	sadd.s32 s2, s17  }
0x8e: {  	[smem:$0x3FC2] =	sst s2  }
0x8f: {  	_ = 	snop  }
0x90: {  	s2 =	sld [smem:$0x3FD0];
	(tm) =	ssettm $0x1  }
0x91: {  	s18 =	sld [smem:$0x3FFB];
	_ =	sdelay $0x3  }
0x92: {  	_ =	strace s18  }
0x93: {  	s3 =	sld [smem:$0x3FFC];
	_ =	sdelay $0x3  }
0x94: {  	_ =	strace s3  }
0x95: {  	s3 =	sld [smem:$0x3FFD];
	_ =	sdelay $0x3  }
0x96: {  	_ =	strace s3  }
0x97: {  	_ =	strace $0x8FFFFFFF  }
0x98: {  	s19 =	sld [smem:$0x3FDB];
	_ =	sdelay $0x1  }
0x99: {  	s4 =	simm.s32 $_scs_section_size  }
0x9a: {  	s5 =	simm.s32 $_size__tile_overlayer_lowered;
	s6 =	simm.s32 $_tile_overlayer_lowered  }
0x9b: {  	s22 =	simm.s32 $0x1BFF;
	s21 =	sshll.u32 s6, $0x1;
	s3 =	sadd.s32 s4, s19  }
0x9c: {  	s7 =	simm.s32 $0x0;
	s20 =	sshll.u32 s5, $0x1;
	s5 =	sadd.s32 s21, s3  }
0x9d: {  	[timem:s7], [sflag:s22] =	dma.local [hbm:s5], s20  }
0x9e: {  	_ =	swait.ge [sflag:s22], s20  }
0x9f: {  	s4 =	ssub.s32 $0x0, s20;
	[sflag:s22] =	ssyncset.done $0x0  }
0xa0: {  	[sflag:s22] =	ssyncadd.s32 s4;
	_ =	sdelay $0x1  }
0xa1: {  	s23 =	simm.s32 $0x1B8B  }
0xa2: {  	_ =	swait.ge [sflag:s23], $0x1  }
0xa3: {  	[sflag:s23] =	ssyncset.done $0x0  }
0xa4: {  	s25 =	simm.s32 $0x1B8E;
	s24 =	sld [smem:$0x3FFE];
	[sflag:s23] =	ssyncadd.s32 $0xFFFFFFFF  }
0xa5: {  	s26 =	simm.s32 $execute0_lowered;
	[smem:$0x3FD2] =	sst s25  }
0xa6: {  	s5 =	sshll.u32 s26, $0x1;
	_ =	strace $0x80000046;
	[dreg:$0x1] =	wrdreg $0xFFFFFFFF  }
0xa7: {  	s28 =	simm.s32 $_size_execute0_lowered;
	s3 =	sadd.s32 s3, s5;
	[dreg:$0x0] =	wrdreg $0x0  }
0xa8: {  	s5 =	sshll.u32 s28, $0x1;
	[dreg:$0x2] =	wrdreg s3  }
0xa9: {  	[dreg:$0x3] =	wrdreg s5  }
0xaa: {  	[dreg:$0x4] =	wrdreg $0xC0  }
0xab: {  	_ =	task [dreg:s7], $0x5FFFF  }
0xac: {  	[dreg:$0x1] =	wrdreg $0xFFFFFFFF  }
0xad: {  	[dreg:$0x0] =	wrdreg $0x60  }
0xae: {  	[dreg:$0x2] =	wrdreg s24  }
0xaf: {  	[dreg:$0x3] =	wrdreg s2  }
0xb0: {  	[dreg:$0x4] =	wrdreg $0xB9C00  }
0xb1: {  	[dreg:$0x5] =	wrdreg $0x9  }
0xb2: {  	_ =	task.clear_ibuf [dreg:s7], $0x6FFFF;
	_ =	strace $0x90000046  }
0xb3: {  	s29 =	simm.s32 $0x9;
	_ =	strace $0x80000048  }
0xb4: {  	_ =	swait.ge [sflag:s29], $0x1  }
0xb5: {  	[sflag:s29] =	ssyncadd.s32 $0xFFFFFFFF  }
0xb6: {  	_ =	strace $0x90000048  }
0xb7: {  	_ =	sfence  }
0xb8: {  	s30 =	sld [smem:$0x0];
	_ =	sdelay $0x2  }
0xb9: {  	s31 =	sshll.u32 s1, $0xD;
	s1 =	sshrl.u32 s1, $0x2  }
0xba: {  	s3 =	sand.u32 $0x4000, s31;
	s1 =	sadd.s32 s1, s30  }
0xbb: {  	s0 =	sor.u32 s3, s0;
	s1 =	sshll.u32 s1, $0x11  }
0xbc: {  	s0 =	sor.u32 s1, s0  }
0xbd: {  	s0 =	sadd.s32 $0x8F2B, s0  }
0xbe: {  	[sflag:s0] =	ssyncadd.remote.s32 $0x1  }
0xbf: {  	_ =	sfence.sel $0xFFFF  }
0xc0: {  	[dreg:$0x0] =	wrdreg $0xFFFFFFFF;
	(pc) =	sbr.abs _section_cstart, $3  }
0xc1: {  	[dreg:$0x1] =	wrdreg $0xFFFFFFFF  }
0xc2: {  	_ =	task.clear_ibuf [dreg:s7], $0x2FFFF;
	_ =	strace $0x9FFFFFFF  }
0xc3: {  	(tm) =	ssettm $0x7FFFFFFF  }
tec
execute0_lowered:
.L_overlay_start_1:
0x0: {  	(tag) =	ssettag $0x1  }
0x1: {  	s0 =	rddreg [dreg:$0x0]  }
0x2: {  	s6 =	rddreg [dreg:$0x2]  }
0x3: {  	s1 =	srdreg.scid;
	s7 =	stileid.u32  }
0x4: {  	s3 =	simm.s32 $0x0;
	s1 =	sand.u32 $0x1, s1;
	s5 =	smul.u32 $0x50000, s7  }
0x5: {  	[smem:$0x7FF] =	sst s3;
	s11 =	sadd.s32 $0x143400, s0;
	s17 =	smul.u32 $0x14000, s7  }
0x6: {  	s2 =	sshll.u32 s1, $0x4;
	s13 =	ssub.s32 $0x2, s1;
	s1 =	smul.u32 $0x640000, s1  }
0x7: {  	s12 =	sadd.s32 $0x16A600, s0;
	_ =	strace $0x80000047;
	[dreg:$0x4] =	wrdreg s11  }
0x8: {  	[dreg:$0x5] =	wrdreg s12;
	s16 =	sshrl.u32 s5, $0x2;
	s1 =	sadd.s32 s1, s17  }
0x9: {  	s20 =	sadd.s32 s17, s6;
	s19 =	sadd.s32 s16, s6;
	[dreg:$0xb] =	wrdreg s1  }
0xa: {  	s31 =	sshrl.u32 s20, $0x3;
	[dreg:$0xa] =	wrdreg s19  }
0xb: {  	s21 =	sadd.s32 $0x2000, s19;
	[dreg:$0x16] =	wrdreg s31  }
0xc: {  	s22 =	sadd.s32 $0x4000, s19;
	[dreg:$0xd] =	wrdreg s21  }
0xd: {  	s23 =	sadd.s32 $0x6000, s19;
	[dreg:$0xe] =	wrdreg s22  }
0xe: {  	s24 =	sadd.s32 $0x8000, s19;
	[dreg:$0xf] =	wrdreg s23  }
0xf: {  	s25 =	sadd.s32 $0xA000, s19;
	[dreg:$0x10] =	wrdreg s24  }
0x10: {  	s26 =	sadd.s32 $0xC000, s19;
	[dreg:$0x11] =	wrdreg s25  }
0x11: {  	s2 =	sor.u32 s7, s2;
	s28 =	sadd.s32 $0xE000, s19;
	[dreg:$0x12] =	wrdreg s26  }
0x12: {  	v1 =	vimm.s32 $0xECA86420;
	s2 =	smul.u32 $0x280, s2;
	s29 =	sadd.s32 $0x10000, s19;
	[dreg:$0x13] =	wrdreg s28  }
0x13: {  	v0 =	vimm.f32 $0.0e+00;
	vm0 =	vcmask $0xB08;
	vm1 =	vcmask $0x1310;
	s12 =	simm.s32 $0xB980;
	s30 =	sadd.s32 $0x12000, s19;
	[dreg:$0x14] =	wrdreg s29  }
0x14: {  	vm2 =	vcmask $0x1B18;
	vm3 =	vcmask $0x300;
	vm4 =	vcmask $0x2320;
	s2 =	sadd.s32 s2, s0;
	s0 =	sadd.s32 $0x1CC200, s0;
	[dreg:$0x15] =	wrdreg s30  }
.Ltmp0:
0x15: {  	vm5 =	vcmask $0x2B28;
	vm6 =	vcmask $0x3330;
	v4 =	vlaneseq.u32;
	[dreg:$0x6] =	wrdreg s0;
	s15 =	sadd.s32 $0x5A00, s2;
	(pc) =	sbr.rel .LBB2_1-.Ltmp0, $4  }
0x16: {  	vm7 =	vcmask $0x3B38;
	vm8 =	vmmov $0xff;
	vm9 =	vcmask $0x704;
	s4 =	sshrl.u32 s13, $0x1;
	s18 =	sadd.s32 $0xA00, s2;
	[dreg:$0x7] =	wrdreg s15  }
0x17: {  	vm10 =	vcmask $0xF0C;
	vm13 =	vcmask $0x1F1C;
	v1 =	vunpack.c.l.s4.s8 v1;
	s14 =	ssub.s32 s13, s4;
	s2 =	sadd.s32 $0xAA00, s2;
	[dreg:$0x8] =	wrdreg s18  }
0x18: {  	vm14 =	vcmask $0x2724;
	vm15 =	vcmask $0x2F2C;
	v3 =	vimm.s32 $0x0;
	s5 =	simm.s32 $0x3;
	s0 =	smax.u32 s14, $0x1;
	[dreg:$0x9] =	wrdreg s2  }
0x19: {  	v2 =	vmul.u32 $0x2, v4;
	v4 =	vmul.u32 $0x10, v4;
	v1 =	vunpack.c.0.s8.s32 v1;
	s4 =	simm.s32 $0x1400;
	s1 =	simm.s32 $0x0;
	[dreg:$0xc] =	wrdreg s0  }
.LBB2_28:
0x1a: {  	s1 =	rddreg [dreg:$0x17]  }
0x1b: {  	s0 =	rddreg [dreg:$0xc];
	s1 =	sadd.s32 $0x1, s1  }
0x1c: {  	p0 =	sne.s32 s1, s0  }
.Ltmp1:
0x1d: {  	_ = 	snop;
	(pc) =	sbr.rel @!p0 .LBB2_29-.Ltmp1, $2  }
0x1e: {  	_ =	sdelay $0x2  }
0x1f: {  	s4 =	simm.s32 $0x1400  }
.LBB2_1:
0x20: {  	[dreg:$0x17] =	wrdreg s1  }
0x21: {  	s0 =	simm.s32 $0x0;
	s30 =	rddreg [dreg:$0x7];
	s2 =	simm.s32 $0x5  }
0x22: {  	[tilespmem:s0], [sflag:$0x5] =	stream.linear.gather [hbm4b:s30+s0], $0x1400, $0x38;
	[tilespmem:$0x1F9C0] =	vst v63  }
0x23: {  	_ =	swait.ge [sflag:s2], $0x1400  }
0x24: {  	[sflag:s2] =	ssyncset.done $0x0  }
0x25: {  	s31 =	rddreg [dreg:$0x8];
	[sflag:s2] =	ssyncadd.s32 $0xFFFFEC00  }
0x26: {  	[tilespmem:s4], [sflag:$0x5] =	stream.linear.gather [hbm4b:s31+s0], $0x1400, $0x38;
	[tilespmem:$0x1F9C0] =	vst v63  }
0x27: {  	_ =	swait.ge [sflag:s2], $0x1400  }
0x28: {  	[sflag:s2] =	ssyncset.done $0x0  }
0x29: {  	s0 =	simm.s32 $0x20;
	[sflag:s2] =	ssyncadd.s32 $0xFFFFEC00  }
0x2a: {  	v8 =	vld [tilespmem:s0+$0x10]  }
0x2b: {  	s1 =	simm.s32 $0x1420;
	v9 =	vld [tilespmem:s0+$0xFFFFFFF0]  }
0x2c: {  	v11 =	vld [tilespmem:s1+$0x10]  }
0x2d: {  	v6 =	vld [tilespmem:s0+$0x0]  }
0x2e: {  	v7 =	vld [tilespmem:s0+$0xFFFFFFE0]  }
0x2f: {  	v5 =	vld [tilespmem:s1+$0xFFFFFFE0];
	v12 =	vmul.u32 $0x14, v8  }
0x30: {  	v8 =	vld [tilespmem:s1+$0xFFFFFFF0]  }
0x31: {  	s3 =	simm.s32 $0x60;
	s2 =	simm.s32 $0x0;
	v10 =	vld [tilespmem:s1+$0x0];
	v9 =	vmul.u32 $0x14, v9;
	v11 =	vadd.s32 v11, v12  }
.LBB2_2:
0x32: {  	v12 =	vld [tilespmem:s3+$0x10];
	s2 =	sadd.s32 $0x40, s2;
	v13 =	vmul.u32 $0x14, v6;
	[tilespmem:s0+$0x10] =	vst v11  }
0x33: {  	s1 =	sadd.s32 $0x40, s1;
	v11 =	vld [tilespmem:s3+$0xFFFFFFF0];
	p0 =	slt.u32 s2, $0x13C0;
	v7 =	vmul.u32 $0x14, v7  }
0x34: {  	v14 =	vld [tilespmem:s1+$0x10]  }
.Ltmp2:
0x35: {  	v6 =	vld [tilespmem:s3+$0x0];
	v5 =	vadd.s32 v5, v7;
	v8 =	vadd.s32 v8, v9;
	(pc) =	sbr.rel @p0 .LBB2_2-.Ltmp2, $4  }
0x36: {  	v7 =	vld [tilespmem:s3+$0xFFFFFFE0];
	[tilespmem:s0+$0xFFFFFFE0] =	vst v5;
	v10 =	vadd.s32 v10, v13  }
0x37: {  	v5 =	vld [tilespmem:s1+$0xFFFFFFE0];
	v12 =	vmul.u32 $0x14, v12;
	[tilespmem:s0+$0xFFFFFFF0] =	vst v8  }
0x38: {  	v9 =	vmul.u32 $0x14, v11;
	v8 =	vld [tilespmem:s1+$0xFFFFFFF0];
	[tilespmem:s0+$0x0] =	vst v10;
	s0 =	smov.u32 s3  }
0x39: {  	s3 =	sadd.s32 $0x40, s3;
	v10 =	vld [tilespmem:s1+$0x0];
	v11 =	vadd.s32 v14, v12  }
0x3a: {  	_ = 	snop  }
0x3b: {  	v7 =	vmul.u32 $0x14, v7;
	_ =	sdelay $0x1  }
0x3c: {  	v6 =	vmul.u32 $0x14, v6;
	[tilespmem:s0+$0x10] =	vst v11;
	v5 =	vadd.s32 v5, v7  }
0x3d: {  	v7 =	vadd.s32 v8, v9;
	[tilespmem:s0+$0xFFFFFFE0] =	vst v5  }
0x3e: {  	v5 =	vadd.s32 v10, v6;
	[tilespmem:s0+$0xFFFFFFF0] =	vst v7  }
0x3f: {  	[tilespmem:s0+$0x0] =	vst v5  }
0x40: {  	s2 =	simm.s32 $0x0;
	s1 =	simm.s32 $0x0;
	s0 =	rddreg [dreg:$0x9]  }
.Ltmp3:
0x41: {  	s31 =	simm.s32 $0x5;
	[dreg:$0x18] =	wrdreg s1;
	(pc) =	sbr.rel .LBB2_4-.Ltmp3, $4  }
0x42: {  	[tilespmem:s4], [sflag:$0x5] =	stream.linear.gather [hbm4b:s0+s2], $0x1400, $0x38;
	[tilespmem:$0x1F9C0] =	vst v63  }
0x43: {  	_ =	swait.ge [sflag:s31], $0x1400  }
0x44: {  	[sflag:s31] =	ssyncset.done $0x0  }
0x45: {  	[sflag:s31] =	ssyncadd.s32 $0xFFFFEC00  }
.LBB2_27:
0x46: {  	s5 =	simm.s32 $0x3  }
0x47: {  	_ =	swait.ge [sflag:s5], $0x2000  }
0x48: {  	[sflag:s5] =	ssyncset.done $0x0  }
0x49: {  	s2 =	simm.s32 $0x4;
	[sflag:s5] =	ssyncadd.s32 $0xFFFFE000  }
0x4a: {  	s28 =	stileid.u32;
	s3 =	rddreg [dreg:$0x18];
	_ =	swait.ge [sflag:s2], $0x2000  }
0x4b: {  	s31 =	simm.s32 $0x5;
	s0 =	smul.u32 $0x140000, s3;
	[sflag:s2] =	ssyncset.done $0x0  }
0x4c: {  	s3 =	sadd.s32 $0x1, s3;
	s1 =	rddreg [dreg:$0xb];
	[sflag:s2] =	ssyncadd.s32 $0xFFFFE000  }
0x4d: {  	p0 =	sne.s32 s3, $0x5;
	s0 =	sadd.s32 s0, s1;
	[bflag:$0x0] =	sbarrier.arrive $0xFFFF  }
0x4e: {  	s1 =	sshll.u32 s28, $0x6;
	s0 =	sshrl.u32 s0, $0x3;
	s29 =	rddreg [dreg:$0x6]  }
0x4f: {  	s1 =	sor.u32 $0x1C05, s1;
	s30 =	rddreg [dreg:$0x16];
	s0 =	sadd.s32 s29, s0  }
0x50: {  	[hbm:s0], [sflag:s1] =	dma.local [spmem:s30], $0x2800  }
.Ltmp4:
0x51: {  	_ =	swait.ge [sflag:s31], $0x2800;
	(pc) =	sbr.rel @!p0 .LBB2_28-.Ltmp4, $3  }
0x52: {  	[sflag:s31] =	ssyncset.done $0x0  }
0x53: {  	[dreg:$0x18] =	wrdreg s3;
	[sflag:s31] =	ssyncadd.s32 $0xFFFFD800  }
0x54: {  	[bflag:$0x0] =	sbarrier.arrive $0xFFFF;
	_ =	sdelay $0x1  }
.LBB2_4:
0x55: {  	s1 =	simm.s32 $0x5100  }
0x56: {  	[tilespmem:s1+$0xFFFFFF00] =	vst v0  }
0x57: {  	[tilespmem:s1+$0xF0] =	vst v0  }
0x58: {  	[tilespmem:s1+$0xE0] =	vst v0  }
0x59: {  	[tilespmem:s1+$0xD0] =	vst v0  }
0x5a: {  	[tilespmem:s1+$0xC0] =	vst v0  }
0x5b: {  	[tilespmem:s1+$0xB0] =	vst v0  }
0x5c: {  	[tilespmem:s1+$0xA0] =	vst v0  }
0x5d: {  	[tilespmem:s1+$0x90] =	vst v0  }
0x5e: {  	[tilespmem:s1+$0x80] =	vst v0  }
0x5f: {  	[tilespmem:s1+$0x70] =	vst v0  }
0x60: {  	[tilespmem:s1+$0x60] =	vst v0  }
0x61: {  	[tilespmem:s1+$0x50] =	vst v0  }
0x62: {  	[tilespmem:s1+$0x40] =	vst v0  }
0x63: {  	[tilespmem:s1+$0x30] =	vst v0  }
0x64: {  	[tilespmem:s1+$0x20] =	vst v0  }
0x65: {  	[tilespmem:s1+$0x10] =	vst v0  }
0x66: {  	[tilespmem:s1+$0x0] =	vst v0  }
0x67: {  	[tilespmem:s1+$0xFFFFFFF0] =	vst v0  }
0x68: {  	[tilespmem:s1+$0xFFFFFFE0] =	vst v0  }
0x69: {  	[tilespmem:s1+$0xFFFFFFD0] =	vst v0  }
0x6a: {  	[tilespmem:s1+$0xFFFFFFC0] =	vst v0  }
0x6b: {  	[tilespmem:s1+$0xFFFFFFB0] =	vst v0  }
0x6c: {  	[tilespmem:s1+$0xFFFFFFA0] =	vst v0  }
0x6d: {  	[tilespmem:s1+$0xFFFFFF90] =	vst v0  }
0x6e: {  	[tilespmem:s1+$0xFFFFFF80] =	vst v0  }
0x6f: {  	[tilespmem:s1+$0xFFFFFF70] =	vst v0  }
0x70: {  	[tilespmem:s1+$0xFFFFFF60] =	vst v0  }
0x71: {  	[tilespmem:s1+$0xFFFFFF50] =	vst v0  }
0x72: {  	[tilespmem:s1+$0xFFFFFF40] =	vst v0  }
0x73: {  	[tilespmem:s1+$0xFFFFFF30] =	vst v0  }
0x74: {  	s0 =	simm.s32 $0x0;
	[tilespmem:s1+$0xFFFFFF20] =	vst v0  }
.LBB2_5:
0x75: {  	s0 =	sadd.s32 $0x4, s0;
	[tilespmem:s1+$0xFFFFFF10] =	vst v0;
	s1 =	sadd.s32 $0x200, s1  }
0x76: {  	[tilespmem:s1+$0xFFFFFF00] =	vst v0;
	p0 =	slt.u32 s0, $0x3C  }
0x77: {  	[tilespmem:s1+$0xF0] =	vst v0  }
0x78: {  	[tilespmem:s1+$0xE0] =	vst v0  }
0x79: {  	[tilespmem:s1+$0xD0] =	vst v0  }
0x7a: {  	[tilespmem:s1+$0xC0] =	vst v0  }
0x7b: {  	[tilespmem:s1+$0xB0] =	vst v0  }
0x7c: {  	[tilespmem:s1+$0xA0] =	vst v0  }
0x7d: {  	[tilespmem:s1+$0x90] =	vst v0  }
0x7e: {  	[tilespmem:s1+$0x80] =	vst v0  }
0x7f: {  	[tilespmem:s1+$0x70] =	vst v0  }
0x80: {  	[tilespmem:s1+$0x60] =	vst v0  }
0x81: {  	[tilespmem:s1+$0x50] =	vst v0  }
0x82: {  	[tilespmem:s1+$0x40] =	vst v0  }
0x83: {  	[tilespmem:s1+$0x30] =	vst v0  }
0x84: {  	[tilespmem:s1+$0x20] =	vst v0  }
0x85: {  	[tilespmem:s1+$0x10] =	vst v0  }
0x86: {  	[tilespmem:s1+$0x0] =	vst v0  }
0x87: {  	[tilespmem:s1+$0xFFFFFFF0] =	vst v0  }
0x88: {  	[tilespmem:s1+$0xFFFFFFE0] =	vst v0  }
0x89: {  	[tilespmem:s1+$0xFFFFFFD0] =	vst v0  }
0x8a: {  	[tilespmem:s1+$0xFFFFFFC0] =	vst v0  }
0x8b: {  	[tilespmem:s1+$0xFFFFFFB0] =	vst v0  }
0x8c: {  	[tilespmem:s1+$0xFFFFFFA0] =	vst v0  }
0x8d: {  	[tilespmem:s1+$0xFFFFFF90] =	vst v0  }
0x8e: {  	[tilespmem:s1+$0xFFFFFF80] =	vst v0  }
0x8f: {  	[tilespmem:s1+$0xFFFFFF70] =	vst v0  }
.Ltmp5:
0x90: {  	[tilespmem:s1+$0xFFFFFF60] =	vst v0;
	(pc) =	sbr.rel @p0 .LBB2_5-.Ltmp5, $4  }
0x91: {  	[tilespmem:s1+$0xFFFFFF50] =	vst v0  }
0x92: {  	[tilespmem:s1+$0xFFFFFF40] =	vst v0  }
0x93: {  	[tilespmem:s1+$0xFFFFFF30] =	vst v0  }
0x94: {  	[tilespmem:s1+$0xFFFFFF20] =	vst v0  }
0x95: {  	[tilespmem:s1+$0xFFFFFF10] =	vst v0  }
0x96: {  	s21 =	simm.s32 $0x5000;
	s0 =	rddreg [dreg:$0xa]  }
0x97: {  	[spmem:s0] =	stream.linear.scatter [tilespmem:s21], [sflag:$0x3], $0x2000, $0x38;
	[tilespmem:$0x1F9C0] =	vst v63  }
0x98: {  	s22 =	rddreg [dreg:$0xd]  }
0x99: {  	[spmem:s22] =	stream.linear.scatter [tilespmem:s21], [sflag:$0x3], $0x2000, $0x38;
	[tilespmem:$0x1F9C0] =	vst v63  }
0x9a: {  	s23 =	rddreg [dreg:$0xe]  }
0x9b: {  	[spmem:s23] =	stream.linear.scatter [tilespmem:s21], [sflag:$0x3], $0x2000, $0x38;
	[tilespmem:$0x1F9C0] =	vst v63  }
0x9c: {  	s24 =	rddreg [dreg:$0xf]  }
0x9d: {  	[spmem:s24] =	stream.linear.scatter [tilespmem:s21], [sflag:$0x3], $0x2000, $0x38;
	[tilespmem:$0x1F9C0] =	vst v63  }
0x9e: {  	s25 =	rddreg [dreg:$0x10]  }
0x9f: {  	[spmem:s25] =	stream.linear.scatter [tilespmem:s21], [sflag:$0x3], $0x2000, $0x38;
	[tilespmem:$0x1F9C0] =	vst v63  }
0xa0: {  	s26 =	rddreg [dreg:$0x11]  }
0xa1: {  	[spmem:s26] =	stream.linear.scatter [tilespmem:s21], [sflag:$0x3], $0x2000, $0x38;
	[tilespmem:$0x1F9C0] =	vst v63  }
0xa2: {  	s28 =	rddreg [dreg:$0x12]  }
0xa3: {  	[spmem:s28] =	stream.linear.scatter [tilespmem:s21], [sflag:$0x3], $0x2000, $0x38;
	[tilespmem:$0x1F9C0] =	vst v63  }
0xa4: {  	s29 =	rddreg [dreg:$0x13]  }
0xa5: {  	[spmem:s29] =	stream.linear.scatter [tilespmem:s21], [sflag:$0x3], $0x2000, $0x38;
	[tilespmem:$0x1F9C0] =	vst v63  }
0xa6: {  	s30 =	rddreg [dreg:$0x14]  }
0xa7: {  	[spmem:s30] =	stream.linear.scatter [tilespmem:s21], [sflag:$0x3], $0x2000, $0x38;
	[tilespmem:$0x1F9C0] =	vst v63  }
0xa8: {  	s31 =	rddreg [dreg:$0x15]  }
0xa9: {  	[spmem:s31] =	stream.linear.scatter [tilespmem:s21], [sflag:$0x3], $0x2000, $0x38;
	[tilespmem:$0x1F9C0] =	vst v63  }
0xaa: {  	_ =	swait.ge [sflag:s5], $0x2000  }
0xab: {  	[sflag:s5] =	ssyncset.done $0x0  }
0xac: {  	[sflag:s5] =	ssyncadd.s32 $0xFFFFE000  }
0xad: {  	_ =	swait.ge [sflag:s5], $0x2000  }
0xae: {  	[sflag:s5] =	ssyncset.done $0x0  }
0xaf: {  	[sflag:s5] =	ssyncadd.s32 $0xFFFFE000  }
0xb0: {  	_ =	swait.ge [sflag:s5], $0x2000  }
0xb1: {  	[sflag:s5] =	ssyncset.done $0x0  }
0xb2: {  	[sflag:s5] =	ssyncadd.s32 $0xFFFFE000  }
0xb3: {  	_ =	swait.ge [sflag:s5], $0x2000  }
0xb4: {  	[sflag:s5] =	ssyncset.done $0x0  }
0xb5: {  	[sflag:s5] =	ssyncadd.s32 $0xFFFFE000  }
0xb6: {  	_ =	swait.ge [sflag:s5], $0x2000  }
0xb7: {  	[sflag:s5] =	ssyncset.done $0x0  }
0xb8: {  	[sflag:s5] =	ssyncadd.s32 $0xFFFFE000  }
0xb9: {  	_ =	swait.ge [sflag:s5], $0x2000  }
0xba: {  	[sflag:s5] =	ssyncset.done $0x0  }
0xbb: {  	[sflag:s5] =	ssyncadd.s32 $0xFFFFE000  }
0xbc: {  	_ =	swait.ge [sflag:s5], $0x2000  }
0xbd: {  	[sflag:s5] =	ssyncset.done $0x0  }
0xbe: {  	[sflag:s5] =	ssyncadd.s32 $0xFFFFE000  }
0xbf: {  	_ =	swait.ge [sflag:s5], $0x2000  }
0xc0: {  	[sflag:s5] =	ssyncset.done $0x0  }
0xc1: {  	[sflag:s5] =	ssyncadd.s32 $0xFFFFE000  }
0xc2: {  	_ =	swait.ge [sflag:s5], $0x2000  }
0xc3: {  	[sflag:s5] =	ssyncset.done $0x0  }
0xc4: {  	[sflag:s5] =	ssyncadd.s32 $0xFFFFE000  }
0xc5: {  	_ =	swait.ge [sflag:s5], $0x2000  }
0xc6: {  	[sflag:s5] =	ssyncset.done $0x0  }
0xc7: {  	[sflag:s5] =	ssyncadd.s32 $0xFFFFE000  }
0xc8: {  	p0 =	por $0x1, $0x1;
	vm12 =	vcmask $0x1714;
	vm11 =	vcmask $0x3734;
	s0 =	simm.s32 $0x0;
	[bflag:$0x0] =	sbarrier.arrive $0xFFFF  }
.LBB2_7:
0xc9: {  	v5 =	vld [tilespmem:s0+$0x0];
	_ =	sdelay $0x4  }
0xca: {  	(v2sf) =	vpush v5, $0xD;
	_ =	sdelay $0x1  }
0xcb: {  	(v2sf) =	vpush v5, $0xC;
	_ =	sdelay $0x1  }
0xcc: {  	(v2sf) =	vpush v5, $0xE;
	_ =	sdelay $0x1  }
0xcd: {  	(v2sf) =	vpush v5, $0xF;
	_ =	sdelay $0x1  }
0xce: {  	(v2sf) =	vpush v5, $0x9;
	_ =	sdelay $0x1  }
0xcf: {  	(v2sf) =	vpush v5, $0x8;
	_ =	sdelay $0x1  }
0xd0: {  	(v2sf) =	vpush v5, $0xA;
	_ =	sdelay $0x1  }
0xd1: {  	(v2sf) =	vpush v5, $0xB  }
0xd2: {  	s1 =	smov.u32 s0;
	s16 =	spop (v2sf)  }
0xd3: {  	[smem:$0x7FD] =	sst s0;
	(v2sf) =	vpush v5, $0x0;
	s6 =	smulhi.u32 $0x66666667, s16;
	s0 =	sshra.s32 s16, $0x1F  }
0xd4: {  	s17 =	spop (v2sf);
	s15 =	smul.u32 $0x66666667, s0  }
0xd5: {  	(v2sf) =	vpush v5, $0x1;
	s7 =	smulhi.u32 $0x66666667, s17;
	s0 =	sshra.s32 s17, $0x1F  }
0xd6: {  	s18 =	spop (v2sf);
	s22 =	smul.u32 $0x66666667, s0  }
0xd7: {  	(v2sf) =	vpush v5, $0x2;
	s9 =	smulhi.u32 $0x66666667, s18;
	s0 =	sshra.s32 s18, $0x1F  }
0xd8: {  	s19 =	spop (v2sf);
	s23 =	smul.u32 $0x66666667, s0  }
0xd9: {  	(v2sf) =	vpush v5, $0x3;
	s11 =	smulhi.u32 $0x66666667, s19;
	s0 =	sshra.s32 s19, $0x1F  }
0xda: {  	s20 =	spop (v2sf);
	s24 =	smul.u32 $0x66666667, s0  }
0xdb: {  	(v2sf) =	vpush v5, $0x4;
	s13 =	smulhi.u32 $0x66666667, s20;
	s0 =	sshra.s32 s20, $0x1F  }
0xdc: {  	s21 =	spop (v2sf);
	s28 =	smul.u32 $0x66666667, s0  }
0xdd: {  	(v2sf) =	vpush v5, $0x5;
	s14 =	smulhi.u32 $0x66666667, s21;
	s0 =	sshra.s32 s21, $0x1F  }
0xde: {  	s25 =	spop (v2sf);
	s16 =	smul.u32 $0x66666667, s0  }
0xdf: {  	(v2sf) =	vpush v5, $0x6;
	s17 =	smulhi.u32 $0x66666667, s25;
	s0 =	sshra.s32 s25, $0x1F  }
0xe0: {  	s1 =	sor.u32 $0x10, s1;
	s26 =	spop (v2sf);
	s29 =	smul.u32 $0x66666667, s0  }
0xe1: {  	v6 =	vld [tilespmem:s1+$0x0];
	s18 =	smulhi.u32 $0x66666667, s26;
	s0 =	sshra.s32 s26, $0x1F  }
0xe2: {  	(v2sf) =	vpush v5, $0x7;
	s26 =	smul.u32 $0x66666667, s0;
	s30 =	spop (v2sf)  }
0xe3: {  	s21 =	smulhi.u32 $0x66666667, s30;
	s0 =	sshra.s32 s30, $0x1F  }
0xe4: {  	s31 =	spop (v2sf);
	s10 =	smul.u32 $0x66666667, s0  }
0xe5: {  	s2 =	smulhi.u32 $0x66666667, s31;
	s0 =	sshra.s32 s31, $0x1F  }
0xe6: {  	(v2sf) =	vpush v6, $0xD;
	s3 =	spop (v2sf);
	s8 =	smul.u32 $0x66666667, s0  }
0xe7: {  	s4 =	smulhi.u32 $0x66666667, s3;
	s0 =	sshra.s32 s3, $0x1F;
	[smem:$0x7E7] =	sst s2  }
0xe8: {  	(v2sf) =	vpush v6, $0xC;
	s0 =	smul.u32 $0x66666667, s0;
	s2 =	spop (v2sf)  }
0xe9: {  	s24 =	sadd.s32 s24, s11;
	(v2sf) =	vpush v6, $0xE;
	[smem:$0x7E8] =	sst s4;
	s5 =	smulhi.u32 $0x66666667, s2  }
0xea: {  	s2 =	sshra.s32 s2, $0x1F;
	s25 =	spop (v2sf);
	s11 =	sld [smem:$0x7E7]  }
0xeb: {  	[smem:$0x7E9] =	sst s0;
	s3 =	smul.u32 $0x66666667, s2  }
0xec: {  	(v2sf) =	vpush v6, $0xF;
	s19 =	smulhi.u32 $0x66666667, s25;
	s25 =	sshra.s32 s25, $0x1F;
	s20 =	spop (v2sf)  }
0xed: {  	[smem:$0x7EA] =	sst s5;
	s5 =	smul.u32 $0x66666667, s25  }
0xee: {  	(v2sf) =	vpush v6, $0x9;
	s30 =	smulhi.u32 $0x66666667, s20;
	s25 =	sshra.s32 s20, $0x1F;
	s31 =	spop (v2sf)  }
0xef: {  	s26 =	sadd.s32 s26, s18;
	s18 =	sld [smem:$0x7E9];
	s4 =	smul.u32 $0x66666667, s25  }
0xf0: {  	s10 =	sadd.s32 s10, s21;
	[smem:$0x7EB] =	sst s19;
	s1 =	smulhi.u32 $0x66666667, s31  }
0xf1: {  	(v2sf) =	vpush v6, $0x8;
	s25 =	sshra.s32 s31, $0x1F;
	s19 =	spop (v2sf);
	s21 =	sld [smem:$0x7EA]  }
0xf2: {  	s22 =	sadd.s32 s22, s7;
	[smem:$0x7EC] =	sst s30;
	s2 =	smul.u32 $0x66666667, s25  }
0xf3: {  	(v2sf) =	vpush v6, $0xA;
	s20 =	smulhi.u32 $0x66666667, s19;
	s25 =	sshra.s32 s19, $0x1F;
	[smem:$0x7ED] =	sst s1  }
0xf4: {  	s23 =	sadd.s32 s23, s9;
	(v2sf) =	vpush v6, $0xB;
	s25 =	smul.u32 $0x66666667, s25;
	[smem:$0x7EE] =	sst s2  }
0xf5: {  	s8 =	sadd.s32 s8, s11;
	[smem:$0x7EF] =	sst s20;
	s30 =	spop (v2sf)  }
0xf6: {  	[smem:$0x7F0] =	sst s25;
	s31 =	smulhi.u32 $0x66666667, s30;
	s25 =	sshra.s32 s30, $0x1F  }
0xf7: {  	s19 =	sadd.s32 s15, s6;
	s1 =	spop (v2sf);
	s2 =	smul.u32 $0x66666667, s25  }
0xf8: {  	s6 =	smulhi.u32 $0x66666667, s1;
	s25 =	sshra.s32 s1, $0x1F;
	s7 =	spop (v2sf)  }
0xf9: {  	s11 =	sadd.s32 s3, s21;
	[smem:$0x7F1] =	sst s31;
	s31 =	smul.u32 $0x66666667, s25  }
0xfa: {  	s21 =	sld [smem:$0x7EC];
	s15 =	smulhi.u32 $0x66666667, s7;
	s25 =	sshra.s32 s7, $0x1F  }
0xfb: {  	s28 =	sadd.s32 s28, s13;
	s1 =	smul.u32 $0x66666667, s25;
	s20 =	spop (v2sf)  }
0xfc: {  	s25 =	sadd.s32 s16, s14;
	s14 =	sld [smem:$0x7E8];
	s30 =	smulhi.u32 $0x66666667, s20  }
0xfd: {  	[smem:$0x7F2] =	sst s6;
	s6 =	sshra.s32 s20, $0x1F;
	s7 =	spop (v2sf)  }
0xfe: {  	s20 =	smul.u32 $0x66666667, s6;
	s0 =	sshra.s32 s7, $0x1F;
	[smem:$0x7F4] =	sst s30  }
0xff: {  	s30 =	smulhi.u32 $0x66666667, s7;
	s7 =	sadd.s32 s18, s14;
	s18 =	sld [smem:$0x7EB]  }
0x100: {  	s29 =	sadd.s32 s29, s17;
	s9 =	spop (v2sf);
	s17 =	smul.u32 $0x66666667, s0  }
0x101: {  	s21 =	sadd.s32 s4, s21;
	s4 =	sld [smem:$0x7ED];
	(v2sf) =	vpush v6, $0x0;
	s16 =	smulhi.u32 $0x66666667, s9  }
0x102: {  	s13 =	spop (v2sf);
	s18 =	sadd.s32 s5, s18;
	s5 =	sld [smem:$0x7EE]  }
0x103: {  	s0 =	sshra.s32 s9, $0x1F;
	s14 =	smulhi.u32 $0x66666667, s13;
	s6 =	spop (v2sf)  }
0x104: {  	(v2sf) =	vpush v6, $0x1;
	s9 =	sshra.s32 s13, $0x1F;
	s13 =	smulhi.u32 $0x66666667, s6;
	s3 =	sshra.s32 s6, $0x1F  }
0x105: {  	s6 =	smul.u32 $0x66666667, s3;
	s3 =	sadd.s32 s5, s4;
	s4 =	sld [smem:$0x7F0]  }
0x106: {  	[smem:$0x7F6] =	sst s3  }
0x107: {  	(v2sf) =	vpush v6, $0x2;
	s3 =	sld [smem:$0x7EF];
	_ =	sdelay $0x2  }
0x108: {  	s3 =	sadd.s32 s4, s3  }
0x109: {  	s9 =	smul.u32 $0x66666667, s9;
	[smem:$0x7F5] =	sst s3  }
0x10a: {  	s3 =	sld [smem:$0x7F1]  }
0x10b: {  	[smem:$0x7F3] =	sst s15;
	s9 =	sadd.s32 s9, s14  }
0x10c: {  	s15 =	smul.u32 $0x66666667, s0;
	[smem:$0x7FA] =	sst s9  }
0x10d: {  	s14 =	sshrl.u32 s28, $0x1F;
	s3 =	sadd.s32 s2, s3;
	s2 =	sld [smem:$0x7F2]  }
0x10e: {  	s6 =	sadd.s32 s6, s13;
	s13 =	sshra.s32 s19, $0x3;
	s0 =	spop (v2sf)  }
0x10f: {  	[smem:$0x7FC] =	sst s6;
	s5 =	smulhi.u32 $0x66666667, s0;
	s0 =	sshra.s32 s0, $0x1F  }
0x110: {  	s4 =	smul.u32 $0x66666667, s0;
	s2 =	sadd.s32 s31, s2;
	s31 =	sld [smem:$0x7F3]  }
0x111: {  	s9 =	sshra.s32 s22, $0x3;
	s0 =	spop (v2sf);
	[smem:$0x7F7] =	sst s3  }
0x112: {  	s6 =	sshrl.u32 s24, $0x1F;
	(v2sf) =	vpush v6, $0x3;
	s3 =	smulhi.u32 $0x66666667, s0;
	[smem:$0x7F8] =	sst s2  }
0x113: {  	s0 =	sshra.s32 s0, $0x1F;
	s1 =	sadd.s32 s1, s31;
	s31 =	sld [smem:$0x7F4]  }
0x114: {  	s24 =	sshra.s32 s24, $0x3;
	(v2sf) =	vpush v6, $0x4;
	s2 =	smul.u32 $0x66666667, s0;
	s0 =	spop (v2sf)  }
0x115: {  	(v2sf) =	vpush v6, $0x5;
	[smem:$0x7F9] =	sst s1;
	s1 =	smulhi.u32 $0x66666667, s0;
	s0 =	sshra.s32 s0, $0x1F  }
0x116: {  	(v2sf) =	vpush v6, $0x6;
	s0 =	smul.u32 $0x66666667, s0;
	s20 =	sadd.s32 s20, s31;
	s31 =	sadd.s32 s17, s30  }
0x117: {  	(v2sf) =	vpush v6, $0x7;
	s30 =	sadd.s32 s15, s16;
	s16 =	sadd.s32 s2, s3;
	s15 =	sshra.s32 s28, $0x3  }
0x118: {  	s28 =	sshrl.u32 s10, $0x1F;
	s2 =	sshrl.u32 s26, $0x1F;
	s26 =	sshra.s32 s26, $0x3  }
0x119: {  	s3 =	sshrl.u32 s8, $0x1F;
	[smem:$0x7FB] =	sst s20;
	s20 =	sadd.s32 s4, s5  }
0x11a: {  	s17 =	sadd.s32 s0, s1;
	s4 =	sshrl.u32 s19, $0x1F;
	s5 =	sshrl.u32 s22, $0x1F;
	v7 =	vmov s28  }
0x11b: {  	s19 =	sshrl.u32 s23, $0x1F;
	s23 =	sshra.s32 s23, $0x3;
	s1 =	sshrl.u32 s25, $0x1F;
	v8 =	vmov s5;
	v7 =	vnsel vm3, $0x0, v7  }
0x11c: {  	s25 =	sshra.s32 s25, $0x3;
	s28 =	sshrl.u32 s29, $0x1F;
	v8 =	vsel vm0, s4, v8;
	v7 =	vsel vm0, s3, v7;
	s4 =	sshrl.u32 s7, $0x1F  }
0x11d: {  	v11 =	vmov s9;
	s29 =	sshra.s32 s29, $0x3;
	s0 =	sshra.s32 s10, $0x3;
	v8 =	vsel vm1, s19, v8;
	v7 =	vsel vm1, s4, v7;
	s19 =	sshrl.u32 s11, $0x1F  }
0x11e: {  	v11 =	vsel vm0, s13, v11;
	s10 =	sshra.s32 s10, $0x1F;
	s22 =	sshrl.u32 s18, $0x1F;
	v9 =	vmov s1;
	v7 =	vsel vm2, s19, v7;
	s19 =	sld [smem:$0x7F5]  }
0x11f: {  	s9 =	sshrl.u32 s31, $0x1F;
	s5 =	sshra.s32 s8, $0x3;
	s8 =	sshra.s32 s8, $0x1F;
	v12 =	vmov s25;
	v11 =	vsel vm1, s23, v11;
	v9 =	vsel vm0, s14, v9  }
0x120: {  	s23 =	sshra.s32 s21, $0x3;
	s3 =	sshra.s32 s7, $0x3;
	v12 =	vsel vm0, s15, v12;
	v11 =	vsel vm2, s24, v11;
	s24 =	sld [smem:$0x7F7];
	v9 =	vsel vm1, s28, v9  }
0x121: {  	v12 =	vsel vm1, s29, v12;
	v8 =	vsel vm2, s6, v8;
	s6 =	sshra.s32 s7, $0x1F;
	s7 =	spop (v2sf);
	v9 =	vsel vm2, s2, v9;
	s4 =	sshra.s32 s19, $0x1F  }
0x122: {  	v12 =	vsel vm2, s26, v12;
	s26 =	sshrl.u32 s30, $0x1F;
	v7 =	vsel vm4, s22, v7;
	s22 =	sshrl.u32 s21, $0x1F;
	v10 =	vmov s4;
	s4 =	sld [smem:$0x7F6]  }
0x123: {  	s14 =	sshra.s32 s11, $0x3;
	s2 =	smulhi.u32 $0x66666667, s7;
	v14 =	vmov s26;
	v7 =	vsel vm5, s22, v7;
	s22 =	spop (v2sf);
	v10 =	vsel vm3, s0, v10  }
0x124: {  	v14 =	vsel vm0, s9, v14;
	s9 =	sld [smem:$0x7FB];
	s0 =	spop (v2sf);
	v10 =	vsel vm9, s10, v10;
	s10 =	sshra.s32 s11, $0x1F  }
0x125: {  	s11 =	sshra.s32 s7, $0x1F;
	s7 =	spop (v2sf);
	s1 =	sshrl.u32 s4, $0x1F;
	v10 =	vsel vm0, s5, v10  }
0x126: {  	s5 =	smul.u32 $0x66666667, s11;
	s11 =	sshra.s32 s18, $0x3;
	s28 =	spop (v2sf);
	v10 =	vsel vm10, s8, v10  }
0x127: {  	s18 =	sshra.s32 s18, $0x1F;
	v7 =	vsel vm6, s1, v7;
	s1 =	sshrl.u32 s19, $0x1F;
	s8 =	sshra.s32 s28, $0x1F;
	v10 =	vsel vm1, s3, v10  }
0x128: {  	v7 =	vsel vm7, s1, v7;
	s1 =	smulhi.u32 $0x66666667, s28;
	v10 =	vsel vm12, s6, v10;
	s6 =	sshra.s32 s21, $0x1F;
	s21 =	sld [smem:$0x7F8]  }
0x129: {  	s13 =	smul.u32 $0x66666667, s8;
	s3 =	sshrl.u32 s24, $0x1F;
	s28 =	sld [smem:$0x7F9]  }
0x12a: {  	v8 =	vcombine.low v9, v8;
	s8 =	sadd.s32 s5, s2;
	s24 =	sshra.s32 s24, $0x3;
	s2 =	sshrl.u32 s20, $0x1F  }
0x12b: {  	v10 =	vsel vm2, s14, v10;
	s5 =	sadd.s32 s13, s1;
	s14 =	sld [smem:$0x7FA];
	s25 =	sshrl.u32 s21, $0x1F  }
0x12c: {  	v11 =	vcombine.low v12, v11;
	v8 =	vperm.xlane v8, v1;
	s13 =	sshrl.u32 s9, $0x1F;
	s1 =	sshra.s32 s4, $0x3;
	s29 =	sshrl.u32 s28, $0x1F;
	v13 =	vmov s25  }
0x12d: {  	v7 =	vperm.xlane v7, v2;
	v10 =	vsel vm13, s10, v10;
	s26 =	sshra.s32 s5, $0x1F;
	s28 =	sshra.s32 s28, $0x3;
	v13 =	vsel vm0, s3, v13;
	s3 =	sld [smem:$0x7FC]  }
0x12e: {  	v11 =	vperm.xlane v11, v1;
	v10 =	vsel vm4, s11, v10;
	s11 =	sshra.s32 s21, $0x3;
	v51 =	vmov s26;
	s26 =	sshra.s32 s22, $0x1F;
	s10 =	sshrl.u32 s14, $0x1F  }
0x12f: {  	v54 =	vmov s2;
	v7 =	vsel vm8, v7, v8;
	v15 =	vmov s11;
	s25 =	sshra.s32 s30, $0x3;
	s30 =	sshra.s32 s20, $0x3;
	s14 =	sshra.s32 s14, $0x3  }
0x130: {  	v14 =	vsel vm1, s10, v14;
	v9 =	vsel vm3, s30, v51;
	v13 =	vsel vm1, s29, v13;
	s29 =	sshra.s32 s31, $0x3;
	s31 =	sshra.s32 s20, $0x1F;
	s15 =	sshrl.u32 s3, $0x1F  }
0x131: {  	v10 =	vsel vm14, s18, v10;
	v9 =	vsel vm9, s31, v9;
	v14 =	vsel vm2, s15, v14;
	s15 =	smov.u32 s4;
	s4 =	sshra.s32 s9, $0x3;
	s9 =	sshra.s32 s16, $0x3  }
0x132: {  	v15 =	vsel vm0, s24, v15;
	v16 =	vmov s25;
	s10 =	sshrl.u32 s16, $0x1F;
	s24 =	sshra.s32 s16, $0x1F;
	s25 =	smulhi.u32 $0x66666667, s22;
	v9 =	vsel vm0, s9, v9  }
0x133: {  	s30 =	sshra.s32 s17, $0x1F;
	v15 =	vsel vm1, s28, v15;
	s28 =	sshra.s32 s17, $0x3;
	v16 =	vsel vm0, s29, v16;
	s31 =	smulhi.u32 $0x66666667, s0;
	v9 =	vsel vm10, s24, v9  }
0x134: {  	v10 =	vsel vm5, s23, v10;
	s20 =	sshrl.u32 s17, $0x1F;
	s29 =	sshrl.u32 s8, $0x1F;
	v16 =	vsel vm1, s14, v16;
	s14 =	smul.u32 $0x66666667, s26;
	v9 =	vsel vm1, s28, v9  }
0x135: {  	v10 =	vsel vm15, s6, v10;
	s0 =	sshra.s32 s0, $0x1F;
	s21 =	sshra.s32 s3, $0x3;
	v15 =	vsel vm2, s4, v15;
	s4 =	sshra.s32 s8, $0x3;
	v9 =	vsel vm12, s30, v9  }
0x136: {  	v13 =	vsel vm2, s13, v13;
	v10 =	vsel vm6, s1, v10;
	s0 =	smul.u32 $0x66666667, s0;
	s13 =	sadd.s32 s14, s25;
	s8 =	sshra.s32 s8, $0x1F;
	v9 =	vsel vm2, s4, v9  }
0x137: {  	v53 =	vcombine.low v14, v13;
	v13 =	vnsel vm3, $0x0, v54;
	s14 =	smulhi.u32 $0x66666667, s7;
	s7 =	sshra.s32 s7, $0x1F;
	s16 =	sshra.s32 s13, $0x3;
	v9 =	vsel vm13, s8, v9  }
0x138: {  	v52 =	vsel vm2, s21, v16;
	s0 =	sadd.s32 s0, s31;
	v13 =	vsel vm0, s10, v13;
	s17 =	smul.u32 $0x66666667, s7;
	s18 =	sshra.s32 s13, $0x1F;
	v9 =	vsel vm4, s16, v9  }
0x139: {  	v8 =	vcombine.low v52, v15;
	s21 =	sshrl.u32 s13, $0x1F;
	s22 =	sshra.s32 s0, $0x3;
	s23 =	sshrl.u32 s0, $0x1F;
	v13 =	vsel vm1, s20, v13;
	v9 =	vsel vm14, s18, v9  }
0x13a: {  	s0 =	sshra.s32 s0, $0x1F;
	s20 =	sshra.s32 s15, $0x1F;
	v12 =	vperm.xlane v53, v1;
	v13 =	vsel vm2, s29, v13;
	s2 =	sadd.s32 s17, s14;
	v9 =	vsel vm5, s22, v9  }
0x13b: {  	s24 =	sshra.s32 s19, $0x3;
	v10 =	vsel vm11, s20, v10;
	v13 =	vsel vm4, s21, v13;
	s26 =	sshra.s32 s2, $0x3;
	v9 =	vsel vm15, s0, v9  }
0x13c: {  	s25 =	sshrl.u32 s2, $0x1F;
	v10 =	vsel vm7, s24, v10;
	s29 =	sshra.s32 s2, $0x1F;
	v13 =	vsel vm5, s23, v13;
	v9 =	vsel vm6, s26, v9  }
0x13d: {  	s28 =	sshrl.u32 s5, $0x1F;
	s30 =	sshra.s32 s5, $0x3;
	v10 =	vperm.xlane v10, v2;
	v13 =	vsel vm6, s25, v13;
	v9 =	vsel vm11, s29, v9  }
0x13e: {  	s31 =	sld [smem:$0x7FD];
	v8 =	vperm.xlane v8, v1;
	v13 =	vsel vm7, s28, v13;
	v9 =	vsel vm7, s30, v9  }
0x13f: {  	v10 =	vsel vm8, v10, v11;
	v13 =	vperm.xlane v13, v2;
	v9 =	vperm.xlane v9, v2  }
0x140: {  	v7 =	vadd.s32 v7, v10  }
0x141: {  	v55 =	vld [tilespmem:s31+$0x1400];
	v57 =	vmul.u32 $0xFFFFFFEC, v7;
	v56 =	vsel vm8, v13, v12;
	v8 =	vsel vm8, v9, v8  }
0x142: {  	v58 =	vsub.s32 $0x0, v5;
	v8 =	vadd.s32 v56, v8  }
0x143: {  	vm9 =	vlt.s32 v5, $0x1;
	v59 =	vld [tilespmem:s31+$0x1410];
	vm10 =	vne.s32 v57, v58;
	v11 =	vmul.u32 $0xFFFFFFEC, v8  }
0x144: {  	v60 =	vsub.s32 $0x0, v6;
	vm9 =	vmand vm9, vm10  }
0x145: {  	v61 =	vsel vm9, $0xFFFFFFFF, v3;
	vm9 =	vlt.s32 v6, $0x1;
	vm10 =	vne.s32 v11, v60  }
0x146: {  	v10 =	vmul.u32 $0x14, v55;
	v7 =	vadd.s32 v61, v7;
	vm9 =	vmand vm9, vm10  }
0x147: {  	p1 =	por p0, p0;
	v63 =	vmul.u32 $0xFFFFFFEC, v7;
	v62 =	vsel vm9, $0xFFFFFFFF, v3  }
.Ltmp6:
0x148: {  	v5 =	vadd.s32 v5, v10;
	v9 =	vmul.u32 $0x14, v59;
	v8 =	vadd.s32 v62, v8;
	(pc) =	sbr.rel @p1 .LBB2_7-.Ltmp6, $4  }
0x149: {  	[tilespmem:s31+$0x7000] =	vst v7;
	v5 =	vadd.s32 v63, v5;
	v7 =	vmul.u32 $0xFFFFFFEC, v8  }
0x14a: {  	[tilespmem:s31+$0x7040] =	vst v5;
	v5 =	vadd.s32 v6, v9  }
0x14b: {  	[tilespmem:s31+$0x7010] =	vst v8;
	v5 =	vadd.s32 v7, v5  }
0x14c: {  	p0 =	por $0x0, $0x0;
	s0 =	simm.s32 $0x20;
	vm10 =	vcmask $0xF0C;
	vm9 =	vcmask $0x704;
	[tilespmem:s31+$0x7050] =	vst v5  }
0x14d: {  	s4 =	simm.s32 $0x0;
	s0 =	rddreg [dreg:$0x5]  }
0x14e: {  	s1 =	simm.s32 $0x40;
	s2 =	simm.s32 $0x2800;
	s26 =	rddreg [dreg:$0x1]  }
0x14f: {  	[tilespmem:s2], [sflag:$0x1] =	stream.indirect.gather [hbm4b:s0+s1], $0x10, s4, s1, $0xb8;
	[tilespmem:$0x1F9C0] =	vst v63  }
0x150: {  	s28 =	simm.s32 $0x7040;
	s3 =	simm.s32 $0x2C00;
	s29 =	rddreg [dreg:$0x4]  }
0x151: {  	[tilespmem:s3], [sflag:$0x1] =	stream.indirect.gather [hbm4b:s26+s1], $0x10, s28, s1, $0xb8;
	[tilespmem:$0x1F9C0] =	vst v63  }
0x152: {  	s30 =	simm.s32 $0x7000;
	s31 =	simm.s32 $0x3000;
	p0 =	por $0x1, $0x1  }
0x153: {  	[tilespmem:s31], [sflag:$0x1] =	stream.indirect.gather [hbm4b:s29+s1], $0x80, s30, s1, $0xb8;
	[tilespmem:$0x1F9C0] =	vst v63  }
.LBB2_9:
0x154: {  	s0 =	sor.u32 $0x40, s4  }
0x155: {  	v5 =	vld [tilespmem:s0+$0x0];
	_ =	sdelay $0x4  }
0x156: {  	(v2sf) =	vpush v5, $0xD;
	_ =	sdelay $0x1  }
0x157: {  	(v2sf) =	vpush v5, $0xC;
	_ =	sdelay $0x1  }
0x158: {  	(v2sf) =	vpush v5, $0xE;
	_ =	sdelay $0x1  }
0x159: {  	(v2sf) =	vpush v5, $0xF;
	_ =	sdelay $0x1  }
0x15a: {  	(v2sf) =	vpush v5, $0x9;
	_ =	sdelay $0x1  }
0x15b: {  	(v2sf) =	vpush v5, $0x8;
	_ =	sdelay $0x1  }
0x15c: {  	(v2sf) =	vpush v5, $0xA;
	_ =	sdelay $0x1  }
0x15d: {  	(v2sf) =	vpush v5, $0xB  }
0x15e: {  	s10 =	spop (v2sf)  }
0x15f: {  	(v2sf) =	vpush v5, $0x0;
	s3 =	smulhi.u32 $0x66666667, s10;
	s0 =	sshra.s32 s10, $0x1F  }
0x160: {  	s11 =	spop (v2sf);
	s15 =	smul.u32 $0x66666667, s0  }
0x161: {  	(v2sf) =	vpush v5, $0x1;
	s5 =	smulhi.u32 $0x66666667, s11;
	s0 =	sshra.s32 s11, $0x1F  }
0x162: {  	s13 =	spop (v2sf);
	s22 =	smul.u32 $0x66666667, s0  }
0x163: {  	(v2sf) =	vpush v5, $0x2;
	s6 =	smulhi.u32 $0x66666667, s13;
	s0 =	sshra.s32 s13, $0x1F  }
0x164: {  	s14 =	spop (v2sf);
	s23 =	smul.u32 $0x66666667, s0  }
0x165: {  	(v2sf) =	vpush v5, $0x3;
	s9 =	smulhi.u32 $0x66666667, s14;
	s0 =	sshra.s32 s14, $0x1F  }
0x166: {  	s16 =	spop (v2sf);
	(v2sf) =	vpush v5, $0x4;
	s24 =	smul.u32 $0x66666667, s0  }
0x167: {  	s11 =	smulhi.u32 $0x66666667, s16;
	s0 =	sshra.s32 s16, $0x1F  }
0x168: {  	s17 =	spop (v2sf);
	s28 =	smul.u32 $0x66666667, s0  }
0x169: {  	[smem:$0x7E6] =	sst s4;
	(v2sf) =	vpush v5, $0x5;
	s13 =	smulhi.u32 $0x66666667, s17;
	s0 =	sshra.s32 s17, $0x1F  }
0x16a: {  	s1 =	sor.u32 $0x50, s4;
	s18 =	spop (v2sf);
	(v2sf) =	vpush v5, $0x6;
	s4 =	smul.u32 $0x66666667, s0  }
0x16b: {  	s14 =	smulhi.u32 $0x66666667, s18;
	s0 =	sshra.s32 s18, $0x1F  }
0x16c: {  	s19 =	spop (v2sf);
	s29 =	smul.u32 $0x66666667, s0  }
0x16d: {  	v6 =	vld [tilespmem:s1+$0x0];
	(v2sf) =	vpush v5, $0x7;
	s16 =	smulhi.u32 $0x66666667, s19;
	s0 =	sshra.s32 s19, $0x1F  }
0x16e: {  	s26 =	smul.u32 $0x66666667, s0;
	s20 =	spop (v2sf)  }
0x16f: {  	s17 =	smulhi.u32 $0x66666667, s20;
	s0 =	sshra.s32 s20, $0x1F  }
0x170: {  	s21 =	spop (v2sf);
	s10 =	smul.u32 $0x66666667, s0  }
0x171: {  	s19 =	smulhi.u32 $0x66666667, s21;
	s0 =	sshra.s32 s21, $0x1F  }
0x172: {  	(v2sf) =	vpush v6, $0xD;
	s25 =	spop (v2sf);
	s8 =	smul.u32 $0x66666667, s0  }
0x173: {  	s30 =	smulhi.u32 $0x66666667, s25;
	s0 =	sshra.s32 s25, $0x1F  }
0x174: {  	(v2sf) =	vpush v6, $0xC;
	s2 =	spop (v2sf);
	s0 =	smul.u32 $0x66666667, s0  }
0x175: {  	s31 =	smulhi.u32 $0x66666667, s2;
	s2 =	sshra.s32 s2, $0x1F;
	s25 =	spop (v2sf)  }
0x176: {  	(v2sf) =	vpush v6, $0xE;
	[smem:$0x7CF] =	sst s30;
	s7 =	smul.u32 $0x66666667, s2  }
0x177: {  	s1 =	smulhi.u32 $0x66666667, s25;
	[smem:$0x7D0] =	sst s0  }
0x178: {  	(v2sf) =	vpush v6, $0xF;
	s2 =	spop (v2sf);
	[smem:$0x7D1] =	sst s31  }
0x179: {  	s25 =	sshra.s32 s25, $0x1F;
	s18 =	smulhi.u32 $0x66666667, s2;
	s21 =	spop (v2sf)  }
0x17a: {  	s28 =	sadd.s32 s28, s11;
	(v2sf) =	vpush v6, $0x9;
	[smem:$0x7D2] =	sst s1;
	s1 =	smul.u32 $0x66666667, s25  }
0x17b: {  	s10 =	sadd.s32 s10, s17;
	s11 =	sld [smem:$0x7CF];
	s30 =	smulhi.u32 $0x66666667, s21  }
0x17c: {  	s25 =	sshra.s32 s2, $0x1F;
	s2 =	spop (v2sf);
	s17 =	sld [smem:$0x7D1]  }
0x17d: {  	(v2sf) =	vpush v6, $0x8;
	[smem:$0x7D3] =	sst s18;
	s20 =	smul.u32 $0x66666667, s25  }
0x17e: {  	s18 =	smulhi.u32 $0x66666667, s2;
	[smem:$0x7D5] =	sst s30  }
0x17f: {  	(v2sf) =	vpush v6, $0xA;
	s25 =	sshra.s32 s21, $0x1F;
	[smem:$0x7D4] =	sst s20  }
0x180: {  	(v2sf) =	vpush v6, $0xB;
	s31 =	smul.u32 $0x66666667, s25;
	s25 =	sshra.s32 s2, $0x1F;
	[smem:$0x7D7] =	sst s18  }
0x181: {  	s20 =	smul.u32 $0x66666667, s25;
	s21 =	spop (v2sf)  }
0x182: {  	[smem:$0x7D6] =	sst s31;
	s30 =	smulhi.u32 $0x66666667, s21;
	s25 =	sshra.s32 s21, $0x1F  }
0x183: {  	s18 =	sadd.s32 s15, s3;
	s2 =	spop (v2sf);
	s31 =	smul.u32 $0x66666667, s25  }
0x184: {  	[smem:$0x7D8] =	sst s20;
	s3 =	smulhi.u32 $0x66666667, s2;
	s25 =	sshra.s32 s2, $0x1F  }
0x185: {  	s22 =	sadd.s32 s22, s5;
	s15 =	spop (v2sf);
	s20 =	smul.u32 $0x66666667, s25  }
0x186: {  	s23 =	sadd.s32 s23, s6;
	[smem:$0x7D9] =	sst s30;
	s21 =	smulhi.u32 $0x66666667, s15  }
0x187: {  	s25 =	sshra.s32 s15, $0x1F;
	s30 =	spop (v2sf);
	[smem:$0x7DA] =	sst s31  }
0x188: {  	s24 =	sadd.s32 s24, s9;
	[smem:$0x7DB] =	sst s3;
	s31 =	smul.u32 $0x66666667, s25  }
0x189: {  	s2 =	smulhi.u32 $0x66666667, s30;
	s3 =	sshra.s32 s30, $0x1F;
	s5 =	spop (v2sf)  }
0x18a: {  	s25 =	sadd.s32 s4, s13;
	s13 =	sld [smem:$0x7D0];
	s30 =	smul.u32 $0x66666667, s3  }
0x18b: {  	s26 =	sadd.s32 s26, s16;
	[smem:$0x7DC] =	sst s21;
	s21 =	smulhi.u32 $0x66666667, s5  }
0x18c: {  	s0 =	sshra.s32 s5, $0x1F;
	s6 =	spop (v2sf);
	s5 =	sld [smem:$0x7D3]  }
0x18d: {  	s8 =	sadd.s32 s8, s19;
	[smem:$0x7DD] =	sst s2;
	s16 =	smul.u32 $0x66666667, s0  }
0x18e: {  	s15 =	smulhi.u32 $0x66666667, s6;
	s0 =	sshra.s32 s6, $0x1F;
	s9 =	spop (v2sf)  }
0x18f: {  	s6 =	sadd.s32 s13, s11;
	s11 =	sadd.s32 s7, s17;
	s19 =	spop (v2sf)  }
0x190: {  	s7 =	smulhi.u32 $0x66666667, s19;
	s4 =	sshra.s32 s19, $0x1F;
	s19 =	sld [smem:$0x7D4]  }
0x191: {  	s2 =	sld [smem:$0x7D2];
	s13 =	smulhi.u32 $0x66666667, s9;
	s3 =	sshra.s32 s9, $0x1F  }
0x192: {  	(v2sf) =	vpush v6, $0x0;
	s9 =	smul.u32 $0x66666667, s3;
	s3 =	sld [smem:$0x7D5]  }
0x193: {  	s19 =	sadd.s32 s19, s5;
	s5 =	smul.u32 $0x66666667, s4;
	s4 =	sld [smem:$0x7D6]  }
0x194: {  	(v2sf) =	vpush v6, $0x1  }
0x195: {  	s17 =	sadd.s32 s1, s2;
	s2 =	sld [smem:$0x7D7]  }
0x196: {  	s1 =	sadd.s32 s4, s3;
	s3 =	sld [smem:$0x7D8];
	_ =	sdelay $0x1  }
0x197: {  	[smem:$0x7DF] =	sst s1  }
0x198: {  	(v2sf) =	vpush v6, $0x2;
	s1 =	sadd.s32 s3, s2;
	s2 =	sld [smem:$0x7DA]  }
0x199: {  	[smem:$0x7DE] =	sst s1  }
0x19a: {  	s1 =	sld [smem:$0x7D9];
	_ =	sdelay $0x2  }
0x19b: {  	s1 =	sadd.s32 s2, s1  }
0x19c: {  	[smem:$0x7E0] =	sst s1  }
0x19d: {  	s29 =	sadd.s32 s29, s14;
	s1 =	sld [smem:$0x7DB]  }
0x19e: {  	s14 =	smul.u32 $0x66666667, s0;
	s16 =	sadd.s32 s16, s21;
	s0 =	spop (v2sf)  }
0x19f: {  	[smem:$0x7E3] =	sst s16;
	s4 =	smulhi.u32 $0x66666667, s0;
	s0 =	sshra.s32 s0, $0x1F  }
0x1a0: {  	s3 =	smul.u32 $0x66666667, s0;
	s0 =	spop (v2sf);
	s1 =	sadd.s32 s20, s1  }
0x1a1: {  	s2 =	smulhi.u32 $0x66666667, s0;
	s0 =	sshra.s32 s0, $0x1F;
	[smem:$0x7E1] =	sst s1  }
0x1a2: {  	s16 =	sshra.s32 s28, $0x3;
	s1 =	smul.u32 $0x66666667, s0;
	s0 =	sld [smem:$0x7DC]  }
0x1a3: {  	s13 =	sadd.s32 s9, s13;
	s9 =	sshra.s32 s18, $0x3;
	s5 =	sadd.s32 s5, s7  }
0x1a4: {  	s7 =	sshrl.u32 s24, $0x1F;
	s24 =	sshra.s32 s24, $0x3;
	[smem:$0x7E5] =	sst s5;
	(v2sf) =	vpush v6, $0x3  }
0x1a5: {  	(v2sf) =	vpush v6, $0x4;
	s20 =	spop (v2sf);
	s0 =	sadd.s32 s31, s0;
	s31 =	sld [smem:$0x7DD]  }
0x1a6: {  	[smem:$0x7E2] =	sst s0;
	s0 =	smulhi.u32 $0x66666667, s20;
	s20 =	sshra.s32 s20, $0x1F  }
0x1a7: {  	s5 =	sshra.s32 s22, $0x3;
	(v2sf) =	vpush v6, $0x5;
	s21 =	smul.u32 $0x66666667, s20;
	s20 =	sshrl.u32 s22, $0x1F  }
0x1a8: {  	s22 =	sshrl.u32 s11, $0x1F;
	s30 =	sadd.s32 s30, s31;
	s31 =	sadd.s32 s1, s2  }
0x1a9: {  	s1 =	sshrl.u32 s25, $0x1F;
	s25 =	sshra.s32 s25, $0x3;
	v8 =	vmov s20;
	s20 =	sshrl.u32 s6, $0x1F  }
0x1aa: {  	(v2sf) =	vpush v6, $0x6;
	s2 =	sshra.s32 s8, $0x3;
	[smem:$0x7E4] =	sst s30;
	s30 =	sadd.s32 s14, s15  }
0x1ab: {  	(v2sf) =	vpush v6, $0x7;
	s14 =	sadd.s32 s3, s4;
	s21 =	sadd.s32 s21, s0;
	s0 =	sshrl.u32 s18, $0x1F  }
0x1ac: {  	s4 =	sshrl.u32 s23, $0x1F;
	s23 =	sshra.s32 s23, $0x3;
	s3 =	sshrl.u32 s10, $0x1F  }
0x1ad: {  	v11 =	vmov s5;
	s15 =	sshrl.u32 s28, $0x1F;
	s28 =	sshrl.u32 s29, $0x1F;
	s29 =	sshra.s32 s29, $0x3;
	v9 =	vmov s1;
	v7 =	vmov s3  }
0x1ae: {  	v11 =	vsel vm0, s9, v11;
	s18 =	sshrl.u32 s8, $0x1F;
	s8 =	sshra.s32 s8, $0x1F;
	s3 =	sshrl.u32 s26, $0x1F;
	v9 =	vsel vm0, s15, v9;
	v7 =	vnsel vm3, $0x0, v7  }
0x1af: {  	s26 =	sshra.s32 s26, $0x3;
	v8 =	vsel vm0, s0, v8;
	s0 =	sshra.s32 s10, $0x3;
	v9 =	vsel vm1, s28, v9;
	v7 =	vsel vm0, s18, v7;
	s18 =	sld [smem:$0x7DE]  }
0x1b0: {  	v12 =	vmov s25;
	s10 =	sshra.s32 s10, $0x1F;
	s15 =	sshra.s32 s11, $0x3;
	v8 =	vsel vm1, s4, v8;
	v9 =	vsel vm2, s3, v9;
	s3 =	sld [smem:$0x7E1]  }
0x1b1: {  	v11 =	vsel vm1, s23, v11;
	s23 =	sshra.s32 s19, $0x3;
	s25 =	sshrl.u32 s30, $0x1F;
	v8 =	vsel vm2, s7, v8;
	s7 =	sshrl.u32 s17, $0x1F;
	v7 =	vsel vm1, s20, v7  }
0x1b2: {  	v7 =	vsel vm2, s22, v7;
	s22 =	sshra.s32 s6, $0x3;
	s6 =	sshra.s32 s6, $0x1F;
	s20 =	sshra.s32 s18, $0x1F  }
0x1b3: {  	v11 =	vsel vm2, s24, v11;
	v7 =	vsel vm4, s7, v7;
	s7 =	spop (v2sf);
	s24 =	sshrl.u32 s3, $0x1F;
	v10 =	vmov s20;
	s20 =	sshrl.u32 s19, $0x1F  }
0x1b4: {  	v13 =	vmov s24;
	s24 =	sshra.s32 s30, $0x3;
	v7 =	vsel vm5, s20, v7;
	v10 =	vsel vm3, s0, v10;
	s20 =	spop (v2sf);
	s0 =	sld [smem:$0x7DF]  }
0x1b5: {  	v16 =	vmov s24;
	v10 =	vsel vm9, s10, v10;
	s10 =	sshra.s32 s11, $0x1F;
	s11 =	sshra.s32 s7, $0x1F;
	s24 =	smulhi.u32 $0x66666667, s20  }
0x1b6: {  	s30 =	sshrl.u32 s14, $0x1F;
	s4 =	spop (v2sf);
	s5 =	smul.u32 $0x66666667, s11  }
0x1b7: {  	v10 =	vsel vm0, s2, v10;
	s11 =	sshra.s32 s17, $0x3;
	s2 =	sshra.s32 s17, $0x1F;
	s1 =	sshrl.u32 s0, $0x1F  }
0x1b8: {  	v54 =	vmov s30;
	s17 =	sld [smem:$0x7E2];
	s30 =	smulhi.u32 $0x66666667, s4;
	v10 =	vsel vm10, s8, v10;
	v7 =	vsel vm6, s1, v7;
	s1 =	sshrl.u32 s18, $0x1F  }
0x1b9: {  	v12 =	vsel vm0, s16, v12;
	s3 =	sshra.s32 s3, $0x3;
	v10 =	vsel vm1, s22, v10;
	v7 =	vsel vm7, s1, v7;
	s1 =	smulhi.u32 $0x66666667, s7;
	s7 =	spop (v2sf)  }
0x1ba: {  	v12 =	vsel vm1, s29, v12;
	s22 =	sld [smem:$0x7E3];
	v10 =	vsel vm12, s6, v10;
	s6 =	sshra.s32 s19, $0x1F;
	s28 =	spop (v2sf)  }
0x1bb: {  	v12 =	vsel vm2, s26, v12;
	s19 =	sld [smem:$0x7E0];
	s9 =	smulhi.u32 $0x66666667, s28;
	s8 =	sshra.s32 s28, $0x1F  }
0x1bc: {  	v8 =	vcombine.low v9, v8;
	v11 =	vcombine.low v12, v11;
	v15 =	vmov s3;
	s3 =	sld [smem:$0x7E5];
	s4 =	sshra.s32 s4, $0x1F;
	s16 =	smul.u32 $0x66666667, s8  }
0x1bd: {  	v14 =	vmov s25;
	s4 =	smul.u32 $0x66666667, s4;
	s26 =	sshrl.u32 s17, $0x1F;
	s28 =	sshrl.u32 s22, $0x1F  }
0x1be: {  	v8 =	vperm.xlane v8, v1;
	v11 =	vperm.xlane v11, v1;
	v10 =	vsel vm2, s15, v10;
	s29 =	sshrl.u32 s19, $0x1F;
	s8 =	sadd.s32 s5, s1;
	s5 =	sadd.s32 s16, s9  }
0x1bf: {  	s4 =	sadd.s32 s4, s30;
	v7 =	vperm.xlane v7, v2;
	v14 =	vsel vm0, s28, v14;
	v13 =	vsel vm0, s29, v13;
	s29 =	sshrl.u32 s13, $0x1F;
	s25 =	sshra.s32 s5, $0x1F  }
0x1c0: {  	s15 =	sshrl.u32 s3, $0x1F;
	v10 =	vsel vm13, s10, v10;
	s10 =	sshrl.u32 s31, $0x1F;
	v14 =	vsel vm1, s29, v14;
	s29 =	sshra.s32 s14, $0x3;
	v51 =	vmov s25  }
0x1c1: {  	v10 =	vsel vm4, s11, v10;
	s19 =	sshra.s32 s19, $0x3;
	s1 =	sshra.s32 s0, $0x3;
	v7 =	vsel vm8, v7, v8;
	s14 =	sshra.s32 s14, $0x1F;
	v9 =	vsel vm3, s29, v51  }
0x1c2: {  	s28 =	sshra.s32 s22, $0x3;
	v15 =	vsel vm0, s19, v15;
	v13 =	vsel vm1, s26, v13;
	s26 =	sshra.s32 s17, $0x3;
	s17 =	sshra.s32 s31, $0x3;
	v9 =	vsel vm9, s14, v9  }
0x1c3: {  	s22 =	sshra.s32 s31, $0x1F;
	v16 =	vsel vm0, s28, v16;
	s13 =	sshra.s32 s13, $0x3;
	v10 =	vsel vm14, s2, v10;
	s16 =	sld [smem:$0x7E4];
	v9 =	vsel vm0, s17, v9  }
0x1c4: {  	s19 =	sshra.s32 s3, $0x3;
	v16 =	vsel vm1, s13, v16;
	v15 =	vsel vm1, s26, v15;
	s26 =	sshra.s32 s21, $0x3;
	s25 =	sshra.s32 s20, $0x1F;
	v9 =	vsel vm10, s22, v9  }
0x1c5: {  	v10 =	vsel vm5, s23, v10;
	v14 =	vsel vm2, s15, v14;
	s15 =	smov.u32 s0;
	s0 =	smul.u32 $0x66666667, s25;
	s29 =	sshra.s32 s21, $0x1F;
	v9 =	vsel vm1, s26, v9  }
0x1c6: {  	s31 =	sshra.s32 s8, $0x3;
	v52 =	vsel vm2, s19, v16;
	v10 =	vsel vm15, s6, v10;
	s11 =	sshrl.u32 s16, $0x1F;
	s16 =	sshra.s32 s16, $0x3;
	v9 =	vsel vm12, s29, v9  }
0x1c7: {  	s13 =	sshra.s32 s8, $0x1F;
	s20 =	sshra.s32 s15, $0x1F;
	v13 =	vsel vm2, s11, v13;
	v15 =	vsel vm2, s16, v15;
	s0 =	sadd.s32 s0, s24;
	v9 =	vsel vm2, s31, v9  }
0x1c8: {  	s16 =	smulhi.u32 $0x66666667, s7;
	s7 =	sshra.s32 s7, $0x1F;
	v53 =	vcombine.low v14, v13;
	v13 =	vnsel vm3, $0x0, v54;
	s17 =	sshra.s32 s0, $0x3;
	v9 =	vsel vm13, s13, v9  }
0x1c9: {  	v10 =	vsel vm6, s1, v10;
	s11 =	sshrl.u32 s21, $0x1F;
	s7 =	smul.u32 $0x66666667, s7;
	v13 =	vsel vm0, s10, v13;
	s19 =	sshra.s32 s0, $0x1F;
	v9 =	vsel vm4, s17, v9  }
0x1ca: {  	s28 =	sshrl.u32 s8, $0x1F;
	v10 =	vsel vm11, s20, v10;
	s25 =	sshra.s32 s18, $0x3;
	s21 =	sshra.s32 s4, $0x3;
	v13 =	vsel vm1, s11, v13;
	v9 =	vsel vm14, s19, v9  }
0x1cb: {  	v10 =	vsel vm7, s25, v10;
	s24 =	sshra.s32 s4, $0x1F;
	s0 =	sshrl.u32 s0, $0x1F;
	s23 =	sadd.s32 s7, s16;
	v13 =	vsel vm2, s28, v13;
	v9 =	vsel vm5, s21, v9  }
0x1cc: {  	v8 =	vcombine.low v52, v15;
	s22 =	sshrl.u32 s4, $0x1F;
	s28 =	sshra.s32 s23, $0x3;
	v13 =	vsel vm4, s0, v13;
	v9 =	vsel vm15, s24, v9  }
0x1cd: {  	v10 =	vperm.xlane v10, v2;
	s26 =	sshrl.u32 s23, $0x1F;
	s1 =	sshra.s32 s23, $0x1F;
	v13 =	vsel vm5, s22, v13;
	v9 =	vsel vm6, s28, v9  }
0x1ce: {  	s30 =	sshra.s32 s5, $0x3;
	v12 =	vperm.xlane v53, v1;
	s29 =	sshrl.u32 s5, $0x1F;
	v13 =	vsel vm6, s26, v13;
	v9 =	vsel vm11, s1, v9  }
0x1cf: {  	v8 =	vperm.xlane v8, v1;
	s31 =	sld [smem:$0x7E6];
	v13 =	vsel vm7, s29, v13;
	v9 =	vsel vm7, s30, v9  }
0x1d0: {  	v10 =	vsel vm8, v10, v11;
	v13 =	vperm.xlane v13, v2;
	v9 =	vperm.xlane v9, v2  }
0x1d1: {  	v7 =	vadd.s32 v7, v10  }
0x1d2: {  	v57 =	vmul.u32 $0xFFFFFFEC, v7;
	v55 =	vld [tilespmem:s31+$0x1440];
	v56 =	vsel vm8, v13, v12;
	v8 =	vsel vm8, v9, v8  }
0x1d3: {  	v58 =	vsub.s32 $0x0, v5;
	v8 =	vadd.s32 v56, v8  }
0x1d4: {  	vm9 =	vlt.s32 v5, $0x1;
	vm10 =	vne.s32 v57, v58;
	v59 =	vld [tilespmem:s31+$0x1450];
	v11 =	vmul.u32 $0xFFFFFFEC, v8  }
0x1d5: {  	v60 =	vsub.s32 $0x0, v6;
	vm9 =	vmand vm9, vm10  }
0x1d6: {  	v61 =	vsel vm9, $0xFFFFFFFF, v3;
	vm9 =	vlt.s32 v6, $0x1;
	vm10 =	vne.s32 v11, v60  }
0x1d7: {  	v7 =	vadd.s32 v61, v7;
	v10 =	vmul.u32 $0x14, v55;
	vm9 =	vmand vm9, vm10  }
0x1d8: {  	p1 =	por p0, p0;
	v63 =	vmul.u32 $0xFFFFFFEC, v7;
	v62 =	vsel vm9, $0xFFFFFFFF, v3  }
.Ltmp7:
0x1d9: {  	v5 =	vadd.s32 v5, v10;
	v9 =	vmul.u32 $0x14, v59;
	v8 =	vadd.s32 v62, v8;
	(pc) =	sbr.rel @p1 .LBB2_9-.Ltmp7, $4  }
0x1da: {  	[tilespmem:s31+$0xB8C0] =	vst v7;
	v5 =	vadd.s32 v63, v5;
	v7 =	vmul.u32 $0xFFFFFFEC, v8  }
0x1db: {  	[tilespmem:s31+$0xB900] =	vst v5;
	v5 =	vadd.s32 v6, v9  }
0x1dc: {  	[tilespmem:s31+$0xB8D0] =	vst v8;
	v5 =	vadd.s32 v7, v5  }
0x1dd: {  	p0 =	por $0x0, $0x0;
	s4 =	simm.s32 $0x20;
	vm10 =	vcmask $0xF0C;
	vm9 =	vcmask $0x704;
	[tilespmem:s31+$0xB910] =	vst v5  }
0x1de: {  	s0 =	rddreg [dreg:$0x5]  }
0x1df: {  	s28 =	rddreg [dreg:$0x1]  }
0x1e0: {  	s3 =	simm.s32 $0x40;
	s5 =	simm.s32 $0x70C0;
	s29 =	rddreg [dreg:$0x4]  }
0x1e1: {  	[tilespmem:s5], [sflag:$0x2] =	stream.indirect.gather [hbm4b:s0+s3], $0x10, s3, s3, $0xb8;
	[tilespmem:$0x1F9C0] =	vst v63  }
0x1e2: {  	s1 =	simm.s32 $0xB900;
	s6 =	simm.s32 $0x74C0;
	s31 =	rddreg [dreg:$0x18]  }
0x1e3: {  	v5 =	vmov s31;
	[tilespmem:s6], [sflag:$0x2] =	stream.indirect.gather [hbm4b:s28+s3], $0x10, s1, s3, $0xb8;
	[tilespmem:$0x1F9C0] =	vst v63  }
0x1e4: {  	s30 =	simm.s32 $0xB8C0;
	s2 =	simm.s32 $0x78C0;
	s7 =	simm.s32 $0x0;
	v5 =	vand.u32 $0x7, v5  }
0x1e5: {  	v5 =	vbroadcast v5, $0x0;
	[tilespmem:s2], [sflag:$0x2] =	stream.indirect.gather [hbm4b:s29+s3], $0x80, s30, s3, $0xb8;
	[tilespmem:$0x1F9C0] =	vst v63  }
.LBB2_11:
0x1e6: {  	s0 =	simm.s32 $0x1  }
0x1e7: {  	_ =	swait.ge [sflag:s0], $0x400  }
0x1e8: {  	[sflag:s0] =	ssyncset.done $0x0  }
0x1e9: {  	[sflag:s0] =	ssyncadd.s32 $0xFFFFFC00  }
0x1ea: {  	_ =	swait.ge [sflag:s0], $0x400  }
0x1eb: {  	[sflag:s0] =	ssyncset.done $0x0  }
0x1ec: {  	[sflag:s0] =	ssyncadd.s32 $0xFFFFFC00  }
0x1ed: {  	s1 =	sshll.u32 s7, $0x7;
	_ =	swait.ge [sflag:s0], $0x2000  }
0x1ee: {  	p0 =	seq.s32 s7, $0x0;
	s9 =	sand.u32 $0x3FFFFF80, s1;
	[sflag:s0] =	ssyncset.done $0x0  }
0x1ef: {  	s31 =	sadd.s32 $0x1400, s9;
	[sflag:s0] =	ssyncadd.s32 $0xFFFFE000;
	s0 =	simm.s32 @!p0 $0x3  }
0x1f0: {  	s8 =	sshll.u32 s7, $0x1;
	v6 =	vmov s31;
	_ =	swait.ge @!p0 [sflag:s0], $0x2000  }
0x1f1: {  	p1 =	por $0x1, $0x1;
	s2 =	simm.s32 $0x2800;
	[sflag:s0] =	ssyncset.done @!p0 $0x0  }
0x1f2: {  	s4 =	simm.s32 $0x2C00;
	[sflag:s0] =	ssyncadd.s32 @!p0 $0xFFFFE000;
	s0 =	simm.s32 $0x0  }
.LBB2_12:
0x1f3: {  	v7 =	vmov s0  }
0x1f4: {  	s1 =	sor.u32 $0x10, s0;
	v7 =	vshll.u32 v7, $0x4  }
0x1f5: {  	v8 =	vld.idx.msk [tilespmem:v6+s0+$0x0 ss:$0x1], $0xffff;
	v9 =	vmov s1;
	v7 =	vor.u32 v4, v7  }
0x1f6: {  	v9 =	vshll.u32 v9, $0x4;
	v7 =	vor.u32 v5, v7  }
0x1f7: {  	v10 =	vld.idx.msk [tilespmem:v6+s1+$0x0 ss:$0x1], $0xffff;
	v9 =	vor.u32 v4, v9  }
0x1f8: {  	v9 =	vor.u32 v5, v9;
	_ =	sdelay $0x1  }
0x1f9: {  	[tilespmem:s0+$0x7080] =	vst v8  }
0x1fa: {  	v8 =	vld.idx.msk [tilespmem:v7+s2+$0x0], $0xffff  }
0x1fb: {  	[tilespmem:s0+$0x7090] =	vst v10;
	v7 =	vld.idx.msk [tilespmem:v7+s4+$0x0], $0xffff  }
0x1fc: {  	v10 =	vld.idx.msk [tilespmem:v9+s2+$0x0], $0xffff  }
0x1fd: {  	v9 =	vld.idx.msk [tilespmem:v9+s4+$0x0], $0xffff;
	_ =	sdelay $0x3  }
0x1fe: {  	v7 =	vadd.f32 v7, v8  }
0x1ff: {  	v8 =	vadd.f32 v9, v10  }
0x200: {  	v63 =	vmin.f32 v7, $0.0e+00  }
0x201: {  	p2 =	por p1, p1;
	v9 =	vmul.f32 $9.999999770e-03, v63;
	v10 =	vmin.f32 v8, $0.0e+00  }
.Ltmp8:
0x202: {  	v7 =	vmax.f32 v7, $0.0e+00;
	v10 =	vmul.f32 $9.999999770e-03, v10;
	(pc) =	sbr.rel @p2 .LBB2_12-.Ltmp8, $4  }
0x203: {  	v8 =	vmax.f32 v8, $0.0e+00;
	v7 =	vadd.f32 v9, v7  }
0x204: {  	v8 =	vadd.f32 v10, v8  }
0x205: {  	s25 =	simm.s32 $0x5100;
	s23 =	simm.s32 $0x3100;
	[tilespmem:s0+$0xB980] =	vst v7  }
0x206: {  	p1 =	por $0x0, $0x0;
	s1 =	simm.s32 $0x0;
	[tilespmem:s0+$0xB990] =	vst v8;
	s0 =	simm.s32 $0x20  }
0x207: {  	v6 =	vmov s1;
	s0 =	simm.s32 $0x1  }
0x208: {  	s20 =	simm.s32 $0x2;
	v6 =	vand.u32 $0xFFFFFFFC, v6;
	v7 =	vmov s0  }
0x209: {  	v8 =	vmov s20;
	v6 =	vbroadcast v6, $0x0;
	v7 =	vand.u32 $0xFFFFFFFD, v7  }
0x20a: {  	v8 =	vand.u32 $0xFFFFFFFE, v8;
	v7 =	vbroadcast v7, $0x0  }
0x20b: {  	v8 =	vbroadcast v8, $0x0;
	_ =	sdelay $0x3  }
0x20c: {  	v11 =	vld.idx.msk [tilespmem:v6+s12+$0x0], $0xffff  }
0x20d: {  	s21 =	simm.s32 $0x3;
	v12 =	vld.idx.msk [tilespmem:v7+s12+$0x0], $0xffff  }
0x20e: {  	v6 =	vmov s21;
	v13 =	vld.idx.msk [tilespmem:v8+s12+$0x0], $0xffff  }
0x20f: {  	v7 =	vld [tilespmem:s23+$0x0]  }
0x210: {  	v8 =	vld [tilespmem:s23+$0xFFFFFF00]  }
0x211: {  	v9 =	vld [tilespmem:s23+$0xFFFFFF80];
	_ =	sdelay $0x1  }
0x212: {  	v10 =	vld.idx.msk [tilespmem:v6+s12+$0x0], $0xffff  }
0x213: {  	v6 =	vld [tilespmem:s23+$0x80];
	v7 =	vmul.f32 v7, v13  }
0x214: {  	v8 =	vmul.f32 v8, v11  }
0x215: {  	v9 =	vmul.f32 v9, v12;
	[tilespmem:s25+$0x0] =	vst v7  }
0x216: {  	[tilespmem:s25+$0xFFFFFF00] =	vst v8;
	v7 =	vld [tilespmem:s23+$0x10]  }
0x217: {  	[tilespmem:s25+$0xFFFFFF80] =	vst v9;
	v8 =	vld [tilespmem:s23+$0xFFFFFF10]  }
0x218: {  	v9 =	vld [tilespmem:s23+$0xFFFFFF90];
	v6 =	vmul.f32 v6, v10;
	_ =	sdelay $0x1  }
0x219: {  	[tilespmem:s25+$0x80] =	vst v6  }
0x21a: {  	v6 =	vld [tilespmem:s23+$0x90];
	v7 =	vmul.f32 v7, v13  }
0x21b: {  	v8 =	vmul.f32 v8, v11  }
0x21c: {  	v9 =	vmul.f32 v9, v12;
	[tilespmem:s25+$0x10] =	vst v7  }
0x21d: {  	[tilespmem:s25+$0xFFFFFF10] =	vst v8;
	v7 =	vld [tilespmem:s23+$0x20]  }
0x21e: {  	[tilespmem:s25+$0xFFFFFF90] =	vst v9;
	v8 =	vld [tilespmem:s23+$0xFFFFFF20]  }
0x21f: {  	v9 =	vld [tilespmem:s23+$0xFFFFFFA0];
	v6 =	vmul.f32 v6, v10;
	_ =	sdelay $0x1  }
0x220: {  	[tilespmem:s25+$0x90] =	vst v6  }
0x221: {  	s22 =	simm.s32 $0x4;
	v6 =	vld [tilespmem:s23+$0xA0];
	v7 =	vmul.f32 v7, v13  }
0x222: {  	s24 =	simm.s32 $0x5;
	v14 =	vmov s22;
	v8 =	vmul.f32 v8, v11  }
0x223: {  	s26 =	simm.s32 $0x7;
	v15 =	vmov s24;
	v14 =	vand.u32 $0xFFFFFFFC, v14;
	v9 =	vmul.f32 v9, v12;
	[tilespmem:s25+$0x20] =	vst v7  }
0x224: {  	v15 =	vand.u32 $0xFFFFFFFD, v15;
	v14 =	vbroadcast v14, $0x0;
	v7 =	vmov s26;
	[tilespmem:s25+$0xFFFFFF20] =	vst v8;
	v8 =	vld [tilespmem:s23+$0x30]  }
0x225: {  	v15 =	vbroadcast v15, $0x0;
	[tilespmem:s25+$0xFFFFFFA0] =	vst v9;
	v16 =	vld [tilespmem:s23+$0xFFFFFF30]  }
0x226: {  	v17 =	vld [tilespmem:s23+$0xFFFFFFB0];
	v6 =	vmul.f32 v6, v10  }
0x227: {  	s28 =	simm.s32 $0x6  }
0x228: {  	[tilespmem:s25+$0xA0] =	vst v6;
	v6 =	vmov s28  }
0x229: {  	v9 =	vand.u32 $0xFFFFFFFE, v6;
	v6 =	vld.idx.msk [tilespmem:v7+s12+$0x0], $0xffff;
	v8 =	vmul.f32 v8, v13  }
0x22a: {  	v7 =	vld.idx.msk [tilespmem:v14+s12+$0x0], $0xffff;
	v14 =	vmul.f32 v16, v11  }
0x22b: {  	v19 =	vbroadcast v9, $0x0;
	v9 =	vld.idx.msk [tilespmem:v15+s12+$0x0], $0xffff;
	v15 =	vmul.f32 v17, v12;
	[tilespmem:s25+$0x30] =	vst v8  }
0x22c: {  	v18 =	vld [tilespmem:s23+$0xB0];
	[tilespmem:s25+$0xFFFFFF30] =	vst v14  }
0x22d: {  	[tilespmem:s25+$0xFFFFFFB0] =	vst v15;
	v14 =	vld [tilespmem:s23+$0x40]  }
0x22e: {  	s18 =	simm.s32 $0x3300;
	v15 =	vld [tilespmem:s23+$0xFFFFFFC0]  }
0x22f: {  	v17 =	vld [tilespmem:s18+$0x0]  }
0x230: {  	v16 =	vld [tilespmem:s23+$0xFFFFFF40]  }
0x231: {  	v18 =	vmul.f32 v18, v10;
	v8 =	vld.idx.msk [tilespmem:v19+s12+$0x0], $0xffff  }
0x232: {  	v19 =	vld [tilespmem:s18+$0xFFFFFF00];
	v14 =	vmul.f32 v14, v13  }
0x233: {  	v20 =	vld [tilespmem:s18+$0xFFFFFF80];
	[tilespmem:s25+$0xB0] =	vst v18;
	v15 =	vmul.f32 v15, v12  }
0x234: {  	v21 =	vld [tilespmem:s18+$0x80];
	[tilespmem:s25+$0x40] =	vst v14  }
0x235: {  	v14 =	vmul.f32 v16, v11;
	[tilespmem:s25+$0xFFFFFFC0] =	vst v15;
	v15 =	vld [tilespmem:s23+$0xC0]  }
0x236: {  	v16 =	vld [tilespmem:s23+$0x50];
	v17 =	vmul.f32 v17, v8  }
0x237: {  	s11 =	simm.s32 $0x5300;
	v18 =	vld [tilespmem:s23+$0xFFFFFFD0];
	[tilespmem:s25+$0xFFFFFF40] =	vst v14;
	v14 =	vmul.f32 v19, v7  }
0x238: {  	v19 =	vmul.f32 v20, v9;
	[tilespmem:s11+$0x0] =	vst v17;
	v17 =	vld [tilespmem:s23+$0xFFFFFF50]  }
0x239: {  	v20 =	vmul.f32 v21, v6;
	[tilespmem:s11+$0xFFFFFF00] =	vst v14;
	v14 =	vld [tilespmem:s18+$0x10]  }
0x23a: {  	[tilespmem:s11+$0xFFFFFF80] =	vst v19;
	v21 =	vld [tilespmem:s18+$0xFFFFFF10];
	v15 =	vmul.f32 v15, v10  }
0x23b: {  	[tilespmem:s11+$0x80] =	vst v20;
	v19 =	vld [tilespmem:s18+$0xFFFFFF90];
	v16 =	vmul.f32 v16, v13  }
0x23c: {  	v20 =	vld [tilespmem:s18+$0x90];
	v18 =	vmul.f32 v18, v12;
	[tilespmem:s25+$0xC0] =	vst v15  }
0x23d: {  	[tilespmem:s25+$0x50] =	vst v16;
	v16 =	vmul.f32 v17, v11;
	v15 =	vld [tilespmem:s23+$0xD0]  }
0x23e: {  	[tilespmem:s25+$0xFFFFFFD0] =	vst v18;
	v17 =	vld [tilespmem:s23+$0x60];
	v14 =	vmul.f32 v14, v8  }
0x23f: {  	v18 =	vmul.f32 v21, v7;
	[tilespmem:s25+$0xFFFFFF50] =	vst v16;
	v16 =	vld [tilespmem:s23+$0xFFFFFFE0]  }
0x240: {  	v19 =	vmul.f32 v19, v9;
	[tilespmem:s11+$0x10] =	vst v14;
	v14 =	vld [tilespmem:s23+$0xFFFFFF60]  }
0x241: {  	v20 =	vmul.f32 v20, v6;
	[tilespmem:s11+$0xFFFFFF10] =	vst v18;
	v18 =	vld [tilespmem:s18+$0x20]  }
0x242: {  	[tilespmem:s11+$0xFFFFFF90] =	vst v19;
	v21 =	vld [tilespmem:s18+$0xFFFFFF20];
	v15 =	vmul.f32 v15, v10  }
0x243: {  	[tilespmem:s11+$0x90] =	vst v20;
	v17 =	vmul.f32 v17, v13  }
0x244: {  	v22 =	vld [tilespmem:s18+$0xFFFFFFA0];
	v16 =	vmul.f32 v16, v12;
	[tilespmem:s25+$0xD0] =	vst v15  }
0x245: {  	v23 =	vld [tilespmem:s18+$0xA0];
	[tilespmem:s25+$0x60] =	vst v17;
	v14 =	vmul.f32 v14, v11  }
0x246: {  	v24 =	vld [tilespmem:s23+$0x70];
	v15 =	vmul.f32 v18, v8;
	[tilespmem:s25+$0xFFFFFFE0] =	vst v16  }
0x247: {  	s29 =	simm.s32 $0x8;
	s30 =	simm.s32 $0x9;
	v25 =	vld [tilespmem:s23+$0xE0];
	v16 =	vmul.f32 v21, v7;
	[tilespmem:s25+$0xFFFFFF60] =	vst v14  }
0x248: {  	s31 =	simm.s32 $0xB;
	v17 =	vmov s30;
	v19 =	vld [tilespmem:s23+$0xFFFFFFF0];
	v14 =	vmov s29;
	[tilespmem:s11+$0x20] =	vst v15  }
0x249: {  	v18 =	vmul.f32 v22, v9;
	v20 =	vld [tilespmem:s23+$0xFFFFFF70];
	v14 =	vand.u32 $0xFFFFFFFC, v14;
	[tilespmem:s11+$0xFFFFFF20] =	vst v16;
	v16 =	vmov s31  }
0x24a: {  	v22 =	vmul.f32 v23, v6;
	v15 =	vand.u32 $0xFFFFFFFD, v17;
	v21 =	vld [tilespmem:s18+$0x30];
	v14 =	vbroadcast v14, $0x0  }
0x24b: {  	v15 =	vbroadcast v15, $0x0;
	[tilespmem:s11+$0xFFFFFFA0] =	vst v18;
	v17 =	vld [tilespmem:s18+$0xFFFFFF30];
	v23 =	vmul.f32 v24, v13  }
0x24c: {  	s0 =	simm.s32 $0xA;
	s24 =	simm.s32 $0xC;
	[tilespmem:s11+$0xA0] =	vst v22;
	v18 =	vld [tilespmem:s18+$0xFFFFFFB0];
	v22 =	vmul.f32 v25, v10  }
.LBB2_14:
0x24d: {  	p1 =	slt.u32 s24, $0x3C;
	v13 =	vmov s0;
	v24 =	vld [tilespmem:s18+$0xB0];
	v19 =	vmul.f32 v19, v12;
	[tilespmem:s25+$0x70] =	vst v23;
	v12 =	vmov v9  }
0x24e: {  	v9 =	vand.u32 $0xFFFFFFFE, v13;
	v13 =	vld.idx.msk [tilespmem:v16+s12+$0x0], $0xffff;
	v16 =	vmul.f32 v20, v11;
	[tilespmem:s25+$0xE0] =	vst v22;
	v11 =	vmov v7  }
0x24f: {  	v20 =	vbroadcast v9, $0x0;
	v21 =	vmul.f32 v21, v8;
	[tilespmem:s25+$0xFFFFFFF0] =	vst v19;
	v19 =	vld [tilespmem:s23+$0xF0];
	s23 =	smov.u32 s18  }
0x250: {  	v7 =	vld.idx.msk [tilespmem:v14+s12+$0x0], $0xffff;
	v14 =	vmul.f32 v17, v11;
	[tilespmem:s25+$0xFFFFFF70] =	vst v16  }
0x251: {  	v9 =	vld.idx.msk [tilespmem:v15+s12+$0x0], $0xffff;
	v15 =	vmul.f32 v18, v12;
	[tilespmem:s11+$0x30] =	vst v21  }
0x252: {  	[tilespmem:s11+$0xFFFFFF30] =	vst v14;
	v14 =	vld [tilespmem:s18+$0x40];
	v16 =	vmul.f32 v24, v6  }
0x253: {  	v17 =	vld [tilespmem:s18+$0xFFFFFF40];
	[tilespmem:s11+$0xFFFFFFB0] =	vst v15  }
0x254: {  	v15 =	vld [tilespmem:s18+$0xFFFFFFC0];
	[tilespmem:s11+$0xB0] =	vst v16;
	v16 =	vmul.f32 v19, v10;
	v10 =	vmov v6;
	v6 =	vmov v13  }
0x255: {  	s18 =	sadd.s32 $0x200, s18;
	v13 =	vld.idx.msk [tilespmem:v20+s12+$0x0], $0xffff  }
0x256: {  	v18 =	vld [tilespmem:s18+$0x0];
	[tilespmem:s25+$0xF0] =	vst v16;
	s25 =	smov.u32 s11  }
0x257: {  	v16 =	vld [tilespmem:s18+$0xFFFFFF00];
	v14 =	vmul.f32 v14, v8  }
0x258: {  	v19 =	vld [tilespmem:s18+$0xFFFFFF80];
	v17 =	vmul.f32 v17, v11  }
0x259: {  	v20 =	vld [tilespmem:s18+$0x80];
	v15 =	vmul.f32 v15, v12;
	[tilespmem:s11+$0x40] =	vst v14  }
0x25a: {  	[tilespmem:s11+$0xFFFFFF40] =	vst v17;
	v14 =	vld [tilespmem:s23+$0x50]  }
0x25b: {  	v17 =	vmul.f32 v18, v13;
	[tilespmem:s11+$0xFFFFFFC0] =	vst v15;
	v15 =	vld [tilespmem:s23+$0xC0]  }
0x25c: {  	s11 =	sadd.s32 $0x200, s11;
	v16 =	vmul.f32 v16, v7;
	v18 =	vld [tilespmem:s23+$0xFFFFFFD0]  }
0x25d: {  	v19 =	vmul.f32 v19, v9;
	[tilespmem:s11+$0x0] =	vst v17;
	v17 =	vld [tilespmem:s23+$0xFFFFFF50]  }
0x25e: {  	[tilespmem:s11+$0xFFFFFF00] =	vst v16;
	v16 =	vld [tilespmem:s18+$0x10];
	v20 =	vmul.f32 v20, v6  }
0x25f: {  	v21 =	vld [tilespmem:s18+$0xFFFFFF10];
	[tilespmem:s11+$0xFFFFFF80] =	vst v19;
	v14 =	vmul.f32 v14, v8  }
0x260: {  	v19 =	vld [tilespmem:s18+$0xFFFFFF90];
	[tilespmem:s11+$0x80] =	vst v20;
	v15 =	vmul.f32 v15, v10  }
0x261: {  	v20 =	vld [tilespmem:s18+$0x90];
	v18 =	vmul.f32 v18, v12;
	[tilespmem:s25+$0x50] =	vst v14  }
0x262: {  	v14 =	vmul.f32 v17, v11;
	v17 =	vld [tilespmem:s23+$0x60];
	[tilespmem:s25+$0xC0] =	vst v15  }
0x263: {  	v15 =	vmul.f32 v16, v13;
	[tilespmem:s25+$0xFFFFFFD0] =	vst v18;
	v16 =	vld [tilespmem:s23+$0xD0]  }
0x264: {  	v18 =	vmul.f32 v21, v7;
	[tilespmem:s25+$0xFFFFFF50] =	vst v14;
	v14 =	vld [tilespmem:s23+$0xFFFFFFE0]  }
0x265: {  	v19 =	vmul.f32 v19, v9;
	[tilespmem:s11+$0x10] =	vst v15;
	v15 =	vld [tilespmem:s23+$0xFFFFFF60]  }
0x266: {  	[tilespmem:s11+$0xFFFFFF10] =	vst v18;
	v18 =	vld [tilespmem:s18+$0x20];
	v20 =	vmul.f32 v20, v6  }
0x267: {  	v21 =	vld [tilespmem:s18+$0xFFFFFF20];
	[tilespmem:s11+$0xFFFFFF90] =	vst v19;
	v17 =	vmul.f32 v17, v8  }
0x268: {  	v22 =	vld [tilespmem:s18+$0xFFFFFFA0];
	[tilespmem:s11+$0x90] =	vst v20;
	v16 =	vmul.f32 v16, v10  }
0x269: {  	v23 =	vld [tilespmem:s18+$0xA0];
	v14 =	vmul.f32 v14, v12;
	[tilespmem:s25+$0x60] =	vst v17  }
0x26a: {  	v15 =	vmul.f32 v15, v11;
	v24 =	vld [tilespmem:s23+$0x70];
	[tilespmem:s25+$0xD0] =	vst v16  }
0x26b: {  	s0 =	sadd.s32 $0x3, s24;
	v17 =	vmul.f32 v18, v13;
	[tilespmem:s25+$0xFFFFFFE0] =	vst v14;
	v25 =	vld [tilespmem:s23+$0xE0]  }
.Ltmp9:
0x26c: {  	s1 =	sadd.s32 $0x1, s24;
	v16 =	vmov s0;
	v14 =	vmov s24;
	v18 =	vmul.f32 v21, v7;
	[tilespmem:s25+$0xFFFFFF60] =	vst v15;
	v19 =	vld [tilespmem:s23+$0xFFFFFFF0];
	(pc) =	sbr.rel @p1 .LBB2_14-.Ltmp9, $4  }
0x26d: {  	v14 =	vand.u32 $0xFFFFFFFC, v14;
	v15 =	vmov s1;
	v22 =	vmul.f32 v22, v9;
	[tilespmem:s11+$0x20] =	vst v17;
	v20 =	vld [tilespmem:s23+$0xFFFFFF70]  }
0x26e: {  	v14 =	vbroadcast v14, $0x0;
	v15 =	vand.u32 $0xFFFFFFFD, v15;
	[tilespmem:s11+$0xFFFFFF20] =	vst v18;
	v21 =	vld [tilespmem:s18+$0x30];
	v26 =	vmul.f32 v23, v6  }
0x26f: {  	v15 =	vbroadcast v15, $0x0;
	v17 =	vld [tilespmem:s18+$0xFFFFFF30];
	[tilespmem:s11+$0xFFFFFFA0] =	vst v22;
	v23 =	vmul.f32 v24, v8;
	v8 =	vmov v13  }
0x270: {  	s0 =	sadd.s32 $0x2, s24;
	s24 =	sadd.s32 $0x4, s24;
	v18 =	vld [tilespmem:s18+$0xFFFFFFB0];
	[tilespmem:s11+$0xA0] =	vst v26;
	v22 =	vmul.f32 v25, v10  }
0x271: {  	_ = 	snop  }
0x272: {  	v13 =	vmov s0  }
0x273: {  	v13 =	vand.u32 $0xFFFFFFFE, v13  }
0x274: {  	v24 =	vbroadcast v13, $0x0  }
0x275: {  	v14 =	vld.idx.msk [tilespmem:v14+s12+$0x0], $0xffff  }
0x276: {  	v15 =	vld.idx.msk [tilespmem:v15+s12+$0x0], $0xffff;
	s19 =	sadd.s32 $0x200, s18  }
0x277: {  	v46 =	vld [tilespmem:s19+$0x0]  }
0x278: {  	v25 =	vld [tilespmem:s19+$0xFFFFFF80]  }
0x279: {  	v13 =	vld.idx.msk [tilespmem:v16+s12+$0x0], $0xffff  }
0x27a: {  	v16 =	vld.idx.msk [tilespmem:v24+s12+$0x0], $0xffff  }
0x27b: {  	v27 =	vld [tilespmem:s19+$0x80]  }
0x27c: {  	v26 =	vld [tilespmem:s19+$0xFFFFFF00];
	_ =	sdelay $0x1  }
0x27d: {  	v25 =	vmul.f32 v25, v15  }
0x27e: {  	s4 =	sadd.s32 $0x200, s11;
	v24 =	vmul.f32 v46, v16  }
0x27f: {  	v27 =	vmul.f32 v27, v13;
	[tilespmem:s4+$0xFFFFFF80] =	vst v25  }
0x280: {  	v26 =	vmul.f32 v26, v14;
	v25 =	vld [tilespmem:s19+$0xFFFFFF90];
	[tilespmem:s4+$0x0] =	vst v24  }
0x281: {  	[tilespmem:s4+$0x80] =	vst v27;
	v24 =	vld [tilespmem:s19+$0x10]  }
0x282: {  	[tilespmem:s4+$0xFFFFFF00] =	vst v26;
	v27 =	vld [tilespmem:s19+$0x90]  }
0x283: {  	v26 =	vld [tilespmem:s19+$0xFFFFFF10];
	_ =	sdelay $0x1  }
0x284: {  	v47 =	vmul.f32 v25, v15  }
0x285: {  	[tilespmem:s25+$0x70] =	vst v23;
	v24 =	vmul.f32 v24, v16  }
0x286: {  	v50 =	vmul.f32 v27, v13;
	[tilespmem:s4+$0xFFFFFF90] =	vst v47  }
0x287: {  	v48 =	vmul.f32 v26, v14;
	v51 =	vld [tilespmem:s19+$0xFFFFFFA0];
	[tilespmem:s4+$0x10] =	vst v24  }
0x288: {  	[tilespmem:s4+$0x90] =	vst v50;
	v49 =	vld [tilespmem:s19+$0x20]  }
0x289: {  	v12 =	vmul.f32 v19, v12;
	[tilespmem:s4+$0xFFFFFF10] =	vst v48;
	v53 =	vld [tilespmem:s19+$0xA0]  }
0x28a: {  	v11 =	vmul.f32 v20, v11;
	[tilespmem:s25+$0xE0] =	vst v22;
	v52 =	vld [tilespmem:s19+$0xFFFFFF20]  }
0x28b: {  	v21 =	vmul.f32 v21, v8;
	[tilespmem:s25+$0xFFFFFFF0] =	vst v12  }
0x28c: {  	v55 =	vld [tilespmem:s18+$0xB0];
	[tilespmem:s25+$0xFFFFFF70] =	vst v11;
	v56 =	vmul.f32 v51, v15  }
0x28d: {  	[tilespmem:s11+$0x30] =	vst v21;
	v54 =	vmul.f32 v49, v16  }
0x28e: {  	v22 =	vld [tilespmem:s23+$0xF0];
	v20 =	vmul.f32 v53, v13;
	[tilespmem:s4+$0xFFFFFFA0] =	vst v56  }
0x28f: {  	v19 =	vmul.f32 v52, v14;
	v57 =	vld [tilespmem:s19+$0xFFFFFFB0];
	[tilespmem:s4+$0x20] =	vst v54  }
0x290: {  	v17 =	vmul.f32 v17, v7;
	[tilespmem:s4+$0xA0] =	vst v20;
	v11 =	vld [tilespmem:s19+$0x30]  }
0x291: {  	v12 =	vmul.f32 v55, v6;
	[tilespmem:s4+$0xFFFFFF20] =	vst v19;
	v59 =	vld [tilespmem:s19+$0xB0]  }
0x292: {  	v18 =	vmul.f32 v18, v9;
	[tilespmem:s11+$0xFFFFFF30] =	vst v17;
	v58 =	vld [tilespmem:s19+$0xFFFFFF30]  }
0x293: {  	v61 =	vld [tilespmem:s18+$0xFFFFFF40];
	v10 =	vmul.f32 v22, v10;
	[tilespmem:s11+$0xB0] =	vst v12  }
0x294: {  	[tilespmem:s11+$0xFFFFFFB0] =	vst v18;
	v63 =	vld [tilespmem:s18+$0xC0];
	v62 =	vmul.f32 v57, v15  }
0x295: {  	v60 =	vld [tilespmem:s18+$0x40];
	[tilespmem:s25+$0xF0] =	vst v10;
	v11 =	vmul.f32 v11, v16  }
0x296: {  	v18 =	vld [tilespmem:s18+$0xFFFFFFC0];
	v17 =	vmul.f32 v59, v13;
	[tilespmem:s4+$0xFFFFFFB0] =	vst v62  }
0x297: {  	v21 =	vmul.f32 v58, v14;
	v25 =	vld [tilespmem:s19+$0xFFFFFFC0];
	[tilespmem:s4+$0x30] =	vst v11  }
0x298: {  	v12 =	vmul.f32 v61, v7;
	[tilespmem:s4+$0xB0] =	vst v17;
	v11 =	vld [tilespmem:s19+$0x40]  }
0x299: {  	v28 =	vmul.f32 v63, v6;
	[tilespmem:s4+$0xFFFFFF30] =	vst v21;
	v26 =	vld [tilespmem:s19+$0xC0]  }
0x29a: {  	[tilespmem:s11+$0xFFFFFF40] =	vst v12;
	v24 =	vmul.f32 v60, v8;
	v21 =	vld [tilespmem:s19+$0xFFFFFF40]  }
0x29b: {  	v18 =	vmul.f32 v18, v9;
	v30 =	vld [tilespmem:s18+$0xFFFFFF50];
	[tilespmem:s11+$0xC0] =	vst v28  }
0x29c: {  	v32 =	vld [tilespmem:s18+$0xD0];
	[tilespmem:s11+$0x40] =	vst v24;
	v31 =	vmul.f32 v25, v15  }
0x29d: {  	[tilespmem:s11+$0xFFFFFFC0] =	vst v18;
	v27 =	vld [tilespmem:s18+$0x50];
	v11 =	vmul.f32 v11, v16  }
0x29e: {  	v29 =	vld [tilespmem:s18+$0xFFFFFFD0];
	v10 =	vmul.f32 v26, v13;
	[tilespmem:s4+$0xFFFFFFC0] =	vst v31  }
0x29f: {  	v21 =	vmul.f32 v21, v14;
	v18 =	vld [tilespmem:s19+$0xFFFFFFD0];
	[tilespmem:s4+$0x40] =	vst v11  }
0x2a0: {  	v33 =	vmul.f32 v30, v7;
	[tilespmem:s4+$0xC0] =	vst v10;
	v11 =	vld [tilespmem:s19+$0x50]  }
0x2a1: {  	v36 =	vmul.f32 v32, v6;
	[tilespmem:s4+$0xFFFFFF40] =	vst v21;
	v34 =	vld [tilespmem:s19+$0xD0]  }
0x2a2: {  	[tilespmem:s11+$0xFFFFFF50] =	vst v33;
	v17 =	vmul.f32 v27, v8;
	v21 =	vld [tilespmem:s19+$0xFFFFFF50]  }
0x2a3: {  	v12 =	vmul.f32 v29, v9;
	v38 =	vld [tilespmem:s18+$0xFFFFFF60];
	[tilespmem:s11+$0xD0] =	vst v36  }
0x2a4: {  	v40 =	vld [tilespmem:s18+$0xE0];
	[tilespmem:s11+$0x50] =	vst v17;
	v39 =	vmul.f32 v18, v15  }
0x2a5: {  	[tilespmem:s11+$0xFFFFFFD0] =	vst v12;
	v35 =	vld [tilespmem:s18+$0x60];
	v11 =	vmul.f32 v11, v16  }
0x2a6: {  	v37 =	vld [tilespmem:s18+$0xFFFFFFE0];
	v43 =	vmul.f32 v34, v13;
	[tilespmem:s4+$0xFFFFFFD0] =	vst v39  }
0x2a7: {  	v41 =	vmul.f32 v21, v14;
	v45 =	vld [tilespmem:s19+$0xFFFFFFE0];
	[tilespmem:s4+$0x50] =	vst v11  }
0x2a8: {  	v47 =	vmul.f32 v38, v7;
	[tilespmem:s4+$0xD0] =	vst v43;
	v42 =	vld [tilespmem:s19+$0x60]  }
0x2a9: {  	v50 =	vmul.f32 v40, v6;
	[tilespmem:s4+$0xFFFFFF50] =	vst v41;
	v48 =	vld [tilespmem:s19+$0xE0]  }
0x2aa: {  	[tilespmem:s11+$0xFFFFFF60] =	vst v47;
	v44 =	vmul.f32 v35, v8;
	v46 =	vld [tilespmem:s19+$0xFFFFFF60]  }
0x2ab: {  	v53 =	vld [tilespmem:s18+$0xFFFFFF70];
	[tilespmem:s11+$0xE0] =	vst v50;
	v10 =	vmul.f32 v37, v9  }
0x2ac: {  	v55 =	vld [tilespmem:s18+$0xF0];
	[tilespmem:s11+$0x60] =	vst v44;
	v54 =	vmul.f32 v45, v15  }
0x2ad: {  	[tilespmem:s11+$0xFFFFFFE0] =	vst v10;
	v49 =	vld [tilespmem:s18+$0x70];
	v52 =	vmul.f32 v42, v16  }
0x2ae: {  	v51 =	vld [tilespmem:s18+$0xFFFFFFF0];
	v58 =	vmul.f32 v48, v13;
	[tilespmem:s4+$0xFFFFFFE0] =	vst v54  }
0x2af: {  	v56 =	vmul.f32 v46, v14;
	v60 =	vld [tilespmem:s19+$0xFFFFFFF0];
	[tilespmem:s4+$0x60] =	vst v52  }
0x2b0: {  	v7 =	vmul.f32 v53, v7;
	[tilespmem:s4+$0xE0] =	vst v58;
	v57 =	vld [tilespmem:s19+$0x70]  }
0x2b1: {  	v6 =	vmul.f32 v55, v6;
	[tilespmem:s4+$0xFFFFFF60] =	vst v56;
	v63 =	vld [tilespmem:s19+$0xF0]  }
0x2b2: {  	[tilespmem:s11+$0xFFFFFF70] =	vst v7;
	v59 =	vmul.f32 v49, v8;
	v62 =	vld [tilespmem:s19+$0xFFFFFF70]  }
0x2b3: {  	[tilespmem:s11+$0xF0] =	vst v6;
	v61 =	vmul.f32 v51, v9  }
0x2b4: {  	[tilespmem:s11+$0x70] =	vst v59;
	v6 =	vmul.f32 v60, v15  }
0x2b5: {  	[tilespmem:s11+$0xFFFFFFF0] =	vst v61;
	v7 =	vmul.f32 v57, v16  }
0x2b6: {  	p1 =	seq.s32 s7, $0x27;
	[tilespmem:s4+$0xFFFFFFF0] =	vst v6;
	v6 =	vmul.f32 v63, v13  }
.Ltmp10:
0x2b7: {  	[tilespmem:s4+$0x70] =	vst v7;
	v7 =	vmul.f32 v62, v14;
	(pc) =	sbr.rel @p1 .LBB2_19-.Ltmp10, $4  }
0x2b8: {  	[tilespmem:s4+$0xF0] =	vst v6  }
0x2b9: {  	s31 =	rddreg [dreg:$0x2];
	s1 =	simm.s32 $0x5000;
	s2 =	simm.s32 $0x7080;
	[tilespmem:s4+$0xFFFFFF70] =	vst v7  }
0x2ba: {  	[spmem:s31] =	stream.indirect.scatter.add.f32 [tilespmem:s1], [sflag:$0x3], $0x80, s2, s3, $0xb8;
	[tilespmem:$0x1F9C0] =	vst v63  }
0x2bb: {  	[dreg:$0x19] =	wrdreg s7  }
0x2bc: {  	[dreg:$0x1b] =	wrdreg s9;
	s0 =	sadd.s32 $0x2, s8  }
0x2bd: {  	[dreg:$0x1a] =	wrdreg s8;
	vm12 =	vmmov vm11;
	vm11 =	vmmov vm15;
	s0 =	sshll.u32 s0, $0x6  }
0x2be: {  	s1 =	simm.s32 $0x0;
	p2 =	por $0x1, $0x1;
	vm15 =	vmmov vm14;
	vm14 =	vmmov vm13;
	vm13 =	vcmask $0x1714;
	[dreg:$0x1c] =	wrdreg s0  }
.LBB2_17:
0x2bf: {  	s0 =	rddreg [dreg:$0x1c]  }
0x2c0: {  	s2 =	sor.u32 s0, s1  }
0x2c1: {  	v6 =	vld [tilespmem:s2+$0x0];
	_ =	sdelay $0x4  }
0x2c2: {  	(v2sf) =	vpush v6, $0xD;
	_ =	sdelay $0x1  }
0x2c3: {  	(v2sf) =	vpush v6, $0xC;
	_ =	sdelay $0x1  }
0x2c4: {  	(v2sf) =	vpush v6, $0xE;
	_ =	sdelay $0x1  }
0x2c5: {  	(v2sf) =	vpush v6, $0xF;
	_ =	sdelay $0x1  }
0x2c6: {  	(v2sf) =	vpush v6, $0x9;
	_ =	sdelay $0x1  }
0x2c7: {  	(v2sf) =	vpush v6, $0x8;
	_ =	sdelay $0x1  }
0x2c8: {  	(v2sf) =	vpush v6, $0xA  }
0x2c9: {  	(v2sf) =	vpush v6, $0xB;
	_ =	sdelay $0x1  }
0x2ca: {  	s8 =	spop (v2sf)  }
0x2cb: {  	[dreg:$0x1e] =	wrdreg s1;
	s4 =	smulhi.u32 $0x66666667, s8;
	s1 =	sshra.s32 s8, $0x1F  }
0x2cc: {  	(v2sf) =	vpush v6, $0x0;
	s9 =	spop (v2sf);
	s10 =	smul.u32 $0x66666667, s1  }
0x2cd: {  	s5 =	smulhi.u32 $0x66666667, s9;
	s1 =	sshra.s32 s9, $0x1F  }
0x2ce: {  	(v2sf) =	vpush v6, $0x1;
	s11 =	spop (v2sf);
	s23 =	smul.u32 $0x66666667, s1  }
0x2cf: {  	s6 =	smulhi.u32 $0x66666667, s11;
	s1 =	sshra.s32 s11, $0x1F  }
0x2d0: {  	(v2sf) =	vpush v6, $0x2;
	s13 =	spop (v2sf);
	s8 =	smul.u32 $0x66666667, s1  }
0x2d1: {  	s7 =	smulhi.u32 $0x66666667, s13;
	s1 =	sshra.s32 s13, $0x1F  }
0x2d2: {  	(v2sf) =	vpush v6, $0x3;
	s14 =	spop (v2sf);
	s11 =	smul.u32 $0x66666667, s1  }
0x2d3: {  	s9 =	smulhi.u32 $0x66666667, s14;
	s1 =	sshra.s32 s14, $0x1F  }
0x2d4: {  	(v2sf) =	vpush v6, $0x4;
	s15 =	spop (v2sf);
	s0 =	smul.u32 $0x66666667, s1  }
0x2d5: {  	(v2sf) =	vpush v6, $0x5;
	s19 =	smulhi.u32 $0x66666667, s15;
	s1 =	sshra.s32 s15, $0x1F  }
0x2d6: {  	s3 =	sor.u32 $0x10, s2;
	s16 =	spop (v2sf);
	s1 =	smul.u32 $0x66666667, s1  }
0x2d7: {  	v7 =	vld [tilespmem:s3+$0x0];
	(v2sf) =	vpush v6, $0x6;
	s17 =	smulhi.u32 $0x66666667, s16;
	s18 =	spop (v2sf)  }
0x2d8: {  	s20 =	smulhi.u32 $0x66666667, s18;
	[smem:$0x7BB] =	sst s1;
	s1 =	sshra.s32 s16, $0x1F  }
0x2d9: {  	[smem:$0x7CE] =	sst s3;
	(v2sf) =	vpush v6, $0x7;
	s3 =	smul.u32 $0x66666667, s1;
	s1 =	sshra.s32 s18, $0x1F  }
0x2da: {  	[smem:$0x7CD] =	sst s2;
	s1 =	smul.u32 $0x66666667, s1  }
0x2db: {  	[smem:$0x7BC] =	sst s17;
	s21 =	spop (v2sf)  }
0x2dc: {  	[smem:$0x7BE] =	sst s1;
	(v2sf) =	vpush v7, $0xD;
	s22 =	smulhi.u32 $0x66666667, s21;
	s1 =	sshra.s32 s21, $0x1F  }
0x2dd: {  	s24 =	spop (v2sf);
	s30 =	smul.u32 $0x66666667, s1  }
0x2de: {  	[smem:$0x7BD] =	sst s20;
	(v2sf) =	vpush v7, $0xC;
	s25 =	smulhi.u32 $0x66666667, s24;
	s1 =	sshra.s32 s24, $0x1F  }
0x2df: {  	s26 =	spop (v2sf);
	s20 =	smul.u32 $0x66666667, s1  }
0x2e0: {  	(v2sf) =	vpush v7, $0xE;
	[smem:$0x7BF] =	sst s22;
	s28 =	smulhi.u32 $0x66666667, s26;
	s1 =	sshra.s32 s26, $0x1F  }
0x2e1: {  	s29 =	spop (v2sf);
	s15 =	smul.u32 $0x66666667, s1  }
0x2e2: {  	(v2sf) =	vpush v7, $0xF;
	[smem:$0x7C0] =	sst s25;
	s31 =	smulhi.u32 $0x66666667, s29  }
0x2e3: {  	s18 =	spop (v2sf);
	[smem:$0x7C1] =	sst s28  }
0x2e4: {  	s13 =	smulhi.u32 $0x66666667, s18;
	s18 =	sshra.s32 s18, $0x1F;
	s25 =	spop (v2sf)  }
0x2e5: {  	(v2sf) =	vpush v7, $0x9;
	[smem:$0x7C2] =	sst s31;
	s31 =	smul.u32 $0x66666667, s18  }
0x2e6: {  	s14 =	smulhi.u32 $0x66666667, s25;
	s25 =	sshra.s32 s25, $0x1F;
	s16 =	spop (v2sf)  }
0x2e7: {  	s2 =	sshra.s32 s29, $0x1F;
	(v2sf) =	vpush v7, $0x8;
	[smem:$0x7C3] =	sst s13;
	s29 =	smul.u32 $0x66666667, s25  }
0x2e8: {  	s17 =	smulhi.u32 $0x66666667, s16;
	s25 =	sshra.s32 s16, $0x1F;
	s18 =	spop (v2sf)  }
0x2e9: {  	(v2sf) =	vpush v7, $0xA;
	s13 =	sadd.s32 s10, s4;
	s4 =	sld [smem:$0x7BC];
	s28 =	smul.u32 $0x66666667, s25  }
0x2ea: {  	[smem:$0x7C4] =	sst s14;
	s21 =	smulhi.u32 $0x66666667, s18;
	s25 =	sshra.s32 s18, $0x1F  }
0x2eb: {  	s24 =	smul.u32 $0x66666667, s25;
	s22 =	spop (v2sf)  }
0x2ec: {  	[smem:$0x7C5] =	sst s17;
	s26 =	smulhi.u32 $0x66666667, s22;
	s25 =	sshra.s32 s22, $0x1F  }
0x2ed: {  	s23 =	sadd.s32 s23, s5;
	s1 =	spop (v2sf);
	s22 =	smul.u32 $0x66666667, s25  }
0x2ee: {  	[smem:$0x7C6] =	sst s21;
	s21 =	smulhi.u32 $0x66666667, s1;
	s25 =	sshra.s32 s1, $0x1F  }
0x2ef: {  	s14 =	sadd.s32 s11, s7;
	s5 =	spop (v2sf);
	s17 =	smul.u32 $0x66666667, s25  }
0x2f0: {  	s25 =	sadd.s32 s8, s6;
	s18 =	smulhi.u32 $0x66666667, s5;
	s8 =	sld [smem:$0x7BB]  }
0x2f1: {  	s1 =	sshra.s32 s5, $0x1F;
	s6 =	spop (v2sf);
	s5 =	sld [smem:$0x7BD]  }
0x2f2: {  	s11 =	smulhi.u32 $0x66666667, s6;
	s7 =	sshra.s32 s6, $0x1F;
	s6 =	sld [smem:$0x7BE]  }
0x2f3: {  	s10 =	smul.u32 $0x66666667, s1;
	s1 =	sadd.s32 s3, s4;
	s3 =	sld [smem:$0x7BF]  }
0x2f4: {  	s16 =	sadd.s32 s0, s9;
	s9 =	spop (v2sf);
	s4 =	sld [smem:$0x7C0]  }
0x2f5: {  	(v2sf) =	vpush v7, $0xB;
	[smem:$0x7C7] =	sst s1;
	s0 =	sshra.s32 s9, $0x1F;
	s19 =	sadd.s32 s8, s19  }
0x2f6: {  	s8 =	smulhi.u32 $0x66666667, s9;
	s9 =	spop (v2sf);
	s1 =	sadd.s32 s6, s5  }
0x2f7: {  	s5 =	smul.u32 $0x66666667, s0;
	s20 =	sadd.s32 s20, s4;
	s4 =	sld [smem:$0x7C1]  }
0x2f8: {  	(v2sf) =	vpush v7, $0x0;
	s6 =	smulhi.u32 $0x66666667, s9;
	s0 =	sshra.s32 s9, $0x1F;
	s9 =	spop (v2sf)  }
0x2f9: {  	s30 =	sadd.s32 s30, s3;
	s3 =	smul.u32 $0x66666667, s0;
	s0 =	sshra.s32 s9, $0x1F  }
0x2fa: {  	(v2sf) =	vpush v7, $0x1;
	s15 =	sadd.s32 s15, s4;
	s4 =	smulhi.u32 $0x66666667, s9;
	s9 =	sld [smem:$0x7C2]  }
0x2fb: {  	s2 =	smul.u32 $0x66666667, s2  }
0x2fc: {  	(v2sf) =	vpush v7, $0x2  }
0x2fd: {  	s9 =	sadd.s32 s2, s9;
	s2 =	sld [smem:$0x7C3]  }
0x2fe: {  	(v2sf) =	vpush v7, $0x3;
	_ =	sdelay $0x1  }
0x2ff: {  	(v2sf) =	vpush v7, $0x4;
	s22 =	sadd.s32 s22, s26;
	s2 =	sadd.s32 s31, s2;
	s31 =	sld [smem:$0x7C4]  }
0x300: {  	[smem:$0x7CC] =	sst s22  }
0x301: {  	[smem:$0x7C9] =	sst s1  }
0x302: {  	s7 =	smul.u32 $0x66666667, s7;
	s31 =	sadd.s32 s29, s31;
	s29 =	sld [smem:$0x7C5]  }
0x303: {  	s1 =	smul.u32 $0x66666667, s0;
	s0 =	spop (v2sf)  }
0x304: {  	[smem:$0x7C8] =	sst s2;
	s2 =	smulhi.u32 $0x66666667, s0;
	s0 =	sshra.s32 s0, $0x1F  }
0x305: {  	s0 =	smul.u32 $0x66666667, s0;
	s28 =	sadd.s32 s28, s29;
	s29 =	sld [smem:$0x7C6]  }
0x306: {  	s21 =	sadd.s32 s17, s21;
	[smem:$0x7CA] =	sst s31;
	s31 =	spop (v2sf)  }
0x307: {  	[smem:$0x7CB] =	sst s28;
	s28 =	smulhi.u32 $0x66666667, s31;
	s31 =	sshra.s32 s31, $0x1F  }
0x308: {  	s24 =	sadd.s32 s24, s29;
	s29 =	smul.u32 $0x66666667, s31;
	s31 =	spop (v2sf)  }
0x309: {  	s10 =	sadd.s32 s10, s18;
	s22 =	smulhi.u32 $0x66666667, s31;
	s31 =	sshra.s32 s31, $0x1F  }
0x30a: {  	s11 =	sadd.s32 s7, s11;
	s26 =	smul.u32 $0x66666667, s31;
	s31 =	spop (v2sf)  }
0x30b: {  	s1 =	sadd.s32 s1, s4;
	s18 =	smulhi.u32 $0x66666667, s31;
	s17 =	sshra.s32 s31, $0x1F  }
0x30c: {  	s7 =	spop (v2sf);
	s31 =	smul.u32 $0x66666667, s17;
	s17 =	sadd.s32 s5, s8  }
0x30d: {  	s5 =	smulhi.u32 $0x66666667, s7;
	s8 =	sshra.s32 s7, $0x1F;
	s7 =	sadd.s32 s3, s6  }
0x30e: {  	s6 =	sadd.s32 s0, s2;
	s3 =	smul.u32 $0x66666667, s8;
	s8 =	spop (v2sf)  }
0x30f: {  	s26 =	sadd.s32 s26, s22;
	s22 =	sshrl.u32 s30, $0x1F;
	s4 =	smulhi.u32 $0x66666667, s8  }
0x310: {  	s8 =	sshra.s32 s8, $0x1F;
	s18 =	sadd.s32 s31, s18;
	s31 =	sshrl.u32 s13, $0x1F  }
0x311: {  	(v2sf) =	vpush v7, $0x5;
	s0 =	sadd.s32 s3, s5;
	s3 =	sshra.s32 s13, $0x3;
	s13 =	sshrl.u32 s23, $0x1F  }
0x312: {  	(v2sf) =	vpush v7, $0x6;
	s28 =	sadd.s32 s29, s28;
	v9 =	vmov s22;
	s29 =	smul.u32 $0x66666667, s8;
	s8 =	sshra.s32 s23, $0x3;
	v8 =	vmov s13  }
0x313: {  	(v2sf) =	vpush v7, $0x7;
	v9 =	vnsel vm3, $0x0, v9;
	s23 =	sshrl.u32 s25, $0x1F;
	s13 =	sshra.s32 s25, $0x3;
	v8 =	vsel vm0, s31, v8;
	s31 =	sshrl.u32 s20, $0x1F  }
0x314: {  	s25 =	sshrl.u32 s15, $0x1F;
	s4 =	sadd.s32 s29, s4;
	s29 =	sshrl.u32 s14, $0x1F;
	v8 =	vsel vm1, s23, v8;
	v9 =	vsel vm0, s31, v9  }
0x315: {  	v8 =	vsel vm2, s29, v8;
	v9 =	vsel vm1, s25, v9;
	s29 =	sshrl.u32 s9, $0x1F  }
0x316: {  	v9 =	vsel vm2, s29, v9;
	s29 =	sld [smem:$0x7C8];
	_ =	sdelay $0x1  }
0x317: {  	s2 =	sshra.s32 s14, $0x3;
	s23 =	sshrl.u32 s19, $0x1F;
	s31 =	sshra.s32 s24, $0x1F  }
0x318: {  	v10 =	vmov s23;
	s23 =	smov.u32 s24;
	s24 =	sld [smem:$0x7C7];
	s25 =	sshrl.u32 s29, $0x1F  }
0x319: {  	s14 =	sshrl.u32 s16, $0x1F;
	v11 =	vmov s31;
	s31 =	sshra.s32 s30, $0x3;
	v9 =	vsel vm4, s25, v9;
	s25 =	sld [smem:$0x7CA]  }
0x31a: {  	v10 =	vsel vm0, s14, v10;
	v11 =	vsel vm3, s31, v11;
	s14 =	sshra.s32 s30, $0x1F;
	s30 =	sld [smem:$0x7C9]  }
0x31b: {  	v12 =	vmov s8;
	v11 =	vsel vm9, s14, v11;
	s22 =	sshrl.u32 s24, $0x1F;
	s14 =	sshra.s32 s24, $0x3;
	s24 =	sld [smem:$0x7CB]  }
0x31c: {  	s5 =	sshra.s32 s16, $0x3;
	s16 =	sshra.s32 s19, $0x3;
	v12 =	vsel vm0, s3, v12;
	s31 =	sshrl.u32 s25, $0x1F  }
0x31d: {  	v12 =	vsel vm1, s13, v12;
	s13 =	sshra.s32 s15, $0x1F;
	v10 =	vsel vm1, s22, v10;
	s22 =	sshrl.u32 s30, $0x1F;
	v9 =	vsel vm5, s31, v9;
	s31 =	sshra.s32 s20, $0x3  }
0x31e: {  	v13 =	vmov s16;
	s19 =	sshra.s32 s9, $0x1F;
	v10 =	vsel vm2, s22, v10;
	s22 =	sshrl.u32 s24, $0x1F;
	v11 =	vsel vm0, s31, v11;
	s31 =	sshra.s32 s20, $0x1F  }
0x31f: {  	v12 =	vsel vm2, s2, v12;
	v9 =	vsel vm6, s22, v9;
	s22 =	spop (v2sf);
	s20 =	sshrl.u32 s23, $0x1F;
	v11 =	vsel vm10, s31, v11;
	s31 =	sshra.s32 s15, $0x3  }
0x320: {  	v13 =	vsel vm0, s5, v13;
	s3 =	sshra.s32 s30, $0x3;
	s30 =	sshrl.u32 s21, $0x1F;
	v9 =	vsel vm7, s20, v9;
	s20 =	spop (v2sf);
	v11 =	vsel vm1, s31, v11  }
0x321: {  	v13 =	vsel vm1, s14, v13;
	s14 =	sld [smem:$0x7CC];
	v14 =	vmov s30;
	s15 =	sshra.s32 s9, $0x3;
	s16 =	spop (v2sf);
	v11 =	vsel vm13, s13, v11  }
0x322: {  	v13 =	vsel vm2, s3, v13;
	s30 =	sshra.s32 s21, $0x3;
	v8 =	vcombine.low v10, v8;
	s8 =	smulhi.u32 $0x66666667, s16;
	s31 =	sshra.s32 s16, $0x1F;
	v11 =	vsel vm2, s15, v11  }
0x323: {  	s3 =	sshra.s32 s29, $0x3;
	s21 =	sshra.s32 s7, $0x3;
	v16 =	vmov s30;
	v12 =	vcombine.low v13, v12;
	v11 =	vsel vm14, s19, v11;
	s19 =	smul.u32 $0x66666667, s31  }
0x324: {  	s30 =	sshra.s32 s28, $0x3;
	v17 =	vmov s21;
	s21 =	sshra.s32 s18, $0x1F;
	v8 =	vperm.xlane v8, v1;
	s9 =	sshrl.u32 s17, $0x1F;
	v9 =	vperm.xlane v9, v2  }
0x325: {  	v12 =	vperm.xlane v12, v1;
	s13 =	sshrl.u32 s14, $0x1F;
	s16 =	sshrl.u32 s7, $0x1F;
	s2 =	sadd.s32 s19, s8  }
0x326: {  	s15 =	sshrl.u32 s10, $0x1F;
	v14 =	vsel vm0, s13, v14;
	v15 =	vmov s16;
	s13 =	sshra.s32 s14, $0x3;
	v8 =	vsel vm8, v9, v8;
	s8 =	sshra.s32 s2, $0x1F  }
0x327: {  	s14 =	sshrl.u32 s1, $0x1F;
	s16 =	sshrl.u32 s6, $0x1F;
	v14 =	vsel vm1, s15, v14;
	v16 =	vsel vm0, s13, v16;
	s15 =	sshra.s32 s10, $0x3;
	v49 =	vmov s8  }
0x328: {  	s31 =	sshrl.u32 s11, $0x1F;
	v15 =	vsel vm0, s9, v15;
	v48 =	vsel vm1, s15, v16;
	s19 =	sshra.s32 s11, $0x3;
	s11 =	sshra.s32 s28, $0x1F;
	v16 =	vsel vm3, s30, v49  }
0x329: {  	s1 =	sshra.s32 s1, $0x3;
	s10 =	sshra.s32 s17, $0x3;
	s13 =	sshra.s32 s26, $0x3;
	v14 =	vsel vm2, s31, v14;
	v47 =	vsel vm1, s14, v15;
	v16 =	vsel vm9, s11, v16  }
0x32a: {  	s6 =	sshra.s32 s6, $0x3;
	s17 =	sshrl.u32 s26, $0x1F;
	v17 =	vsel vm0, s10, v17;
	s14 =	sshra.s32 s26, $0x1F;
	v11 =	vsel vm4, s3, v11;
	v50 =	vsel vm0, s13, v16  }
0x32b: {  	s31 =	sshra.s32 s29, $0x1F;
	s15 =	sshrl.u32 s28, $0x1F;
	v10 =	vsel vm2, s16, v47;
	v17 =	vsel vm1, s1, v17;
	s16 =	sshra.s32 s18, $0x3;
	v13 =	vsel vm10, s14, v50  }
0x32c: {  	s26 =	sshra.s32 s22, $0x1F;
	s29 =	sshrl.u32 s0, $0x1F;
	s1 =	sshra.s32 s25, $0x1F;
	v52 =	vmov s15;
	v11 =	vsel vm15, s31, v11;
	v13 =	vsel vm1, s16, v13  }
0x32d: {  	s28 =	sshra.s32 s0, $0x3;
	v15 =	vsel vm2, s19, v48;
	v51 =	vsel vm2, s6, v17;
	s8 =	sshra.s32 s25, $0x3;
	s25 =	smulhi.u32 $0x66666667, s22;
	v13 =	vsel vm13, s21, v13  }
0x32e: {  	s0 =	sshra.s32 s0, $0x1F;
	s31 =	sshra.s32 s20, $0x1F;
	v10 =	vcombine.low v10, v14;
	v14 =	vnsel vm3, $0x0, v52;
	s13 =	smul.u32 $0x66666667, s26;
	v13 =	vsel vm2, s28, v13  }
0x32f: {  	s19 =	sshrl.u32 s18, $0x1F;
	v9 =	vcombine.low v51, v15;
	v14 =	vsel vm0, s17, v14;
	s30 =	smulhi.u32 $0x66666667, s20;
	s11 =	sshra.s32 s4, $0x3;
	v13 =	vsel vm14, s0, v13  }
0x330: {  	s15 =	sshra.s32 s4, $0x1F;
	v11 =	vsel vm5, s8, v11;
	v14 =	vsel vm1, s19, v14;
	s14 =	smul.u32 $0x66666667, s31;
	s13 =	sadd.s32 s13, s25;
	v13 =	vsel vm4, s11, v13  }
0x331: {  	s6 =	sshra.s32 s24, $0x3;
	s17 =	sshrl.u32 s4, $0x1F;
	v10 =	vperm.xlane v10, v1;
	v11 =	vsel vm11, s1, v11;
	s18 =	sshra.s32 s13, $0x3;
	v13 =	vsel vm15, s15, v13  }
0x332: {  	v14 =	vsel vm2, s29, v14;
	v11 =	vsel vm6, s6, v11;
	s16 =	sshra.s32 s24, $0x1F;
	s20 =	sadd.s32 s14, s30;
	s21 =	sshra.s32 s13, $0x1F;
	v13 =	vsel vm5, s18, v13  }
0x333: {  	s22 =	sshra.s32 s23, $0x3;
	v14 =	vsel vm4, s17, v14;
	s19 =	sshrl.u32 s13, $0x1F;
	v11 =	vsel vm12, s16, v11;
	s24 =	sshra.s32 s20, $0x3;
	v13 =	vsel vm11, s21, v13  }
0x334: {  	v14 =	vsel vm5, s19, v14;
	s23 =	sshrl.u32 s20, $0x1F;
	v11 =	vsel vm7, s22, v11;
	s26 =	sshra.s32 s20, $0x1F;
	v13 =	vsel vm6, s24, v13  }
0x335: {  	s25 =	sshrl.u32 s2, $0x1F;
	s28 =	sshra.s32 s2, $0x3;
	v14 =	vsel vm6, s23, v14;
	v11 =	vperm.xlane v11, v2;
	v13 =	vsel vm12, s26, v13  }
0x336: {  	v9 =	vperm.xlane v9, v1;
	s29 =	sld [smem:$0x7CD];
	v14 =	vsel vm7, s25, v14;
	v13 =	vsel vm7, s28, v13  }
0x337: {  	v14 =	vperm.xlane v14, v2;
	v11 =	vsel vm8, v11, v12;
	v53 =	vperm.xlane v13, v2  }
0x338: {  	s30 =	sld [smem:$0x7CE];
	v8 =	vadd.s32 v8, v11  }
0x339: {  	v54 =	vld [tilespmem:s29+$0x1400];
	v10 =	vsel vm8, v14, v10;
	v55 =	vmul.u32 $0xFFFFFFEC, v8;
	v9 =	vsel vm8, v53, v9  }
0x33a: {  	v56 =	vsub.s32 $0x0, v6;
	v9 =	vadd.s32 v10, v9  }
0x33b: {  	vm9 =	vlt.s32 v6, $0x1;
	v57 =	vld [tilespmem:s30+$0x1400];
	vm10 =	vne.s32 v55, v56;
	v58 =	vmul.u32 $0xFFFFFFEC, v9  }
0x33c: {  	v59 =	vsub.s32 $0x0, v7;
	vm9 =	vmand vm9, vm10  }
0x33d: {  	v60 =	vsel vm9, $0xFFFFFFFF, v3;
	vm9 =	vlt.s32 v7, $0x1;
	vm10 =	vne.s32 v58, v59  }
0x33e: {  	v11 =	vmul.u32 $0x14, v54;
	v8 =	vadd.s32 v60, v8;
	vm9 =	vmand vm9, vm10  }
0x33f: {  	p3 =	por p2, p2;
	v62 =	vmul.u32 $0xFFFFFFEC, v8;
	v61 =	vsel vm9, $0xFFFFFFFF, v3  }
.Ltmp11:
0x340: {  	s31 =	rddreg [dreg:$0x1e];
	v6 =	vadd.s32 v6, v11;
	v10 =	vmul.u32 $0x14, v57;
	v9 =	vadd.s32 v61, v9;
	(pc) =	sbr.rel @p3 .LBB2_17-.Ltmp11, $4  }
0x341: {  	[tilespmem:s31+$0x7000] =	vst v8;
	v6 =	vadd.s32 v62, v6;
	v63 =	vmul.u32 $0xFFFFFFEC, v9  }
0x342: {  	[tilespmem:s31+$0x7040] =	vst v6;
	v6 =	vadd.s32 v7, v10  }
0x343: {  	[tilespmem:s31+$0x7010] =	vst v9;
	v6 =	vadd.s32 v63, v6  }
0x344: {  	p2 =	por $0x0, $0x0;
	s1 =	simm.s32 $0x20;
	vm10 =	vcmask $0xF0C;
	vm9 =	vcmask $0x704;
	[tilespmem:s31+$0x7050] =	vst v6  }
0x345: {  	s0 =	rddreg [dreg:$0x1c]  }
0x346: {  	s1 =	rddreg [dreg:$0x5];
	s3 =	simm.s32 $0x40  }
0x347: {  	s2 =	simm.s32 $0x2800;
	s25 =	rddreg [dreg:$0x1];
	s26 =	simm.s32 $0x7040  }
0x348: {  	s28 =	simm.s32 $0x2C00;
	s29 =	rddreg [dreg:$0x4];
	s0 =	sand.u32 $0x3FFFFFC0, s0  }
0x349: {  	[tilespmem:s2], [sflag:$0x1] =	stream.indirect.gather [hbm4b:s1+s3], $0x10, s0, s3, $0xb8;
	[tilespmem:$0x1F9C0] =	vst v63  }
0x34a: {  	s30 =	simm.s32 $0x7000;
	s31 =	simm.s32 $0x3000;
	s8 =	rddreg [dreg:$0x1a]  }
0x34b: {  	[tilespmem:s28], [sflag:$0x1] =	stream.indirect.gather [hbm4b:s25+s3], $0x10, s26, s3, $0xb8;
	[tilespmem:$0x1F9C0] =	vst v63  }
0x34c: {  	s5 =	simm.s32 $0x70C0;
	s6 =	simm.s32 $0x74C0;
	vm13 =	vmmov vm14;
	s9 =	rddreg [dreg:$0x1b]  }
0x34d: {  	vm14 =	vmmov vm15;
	vm15 =	vmmov vm11;
	vm11 =	vmmov vm12;
	[tilespmem:s31], [sflag:$0x1] =	stream.indirect.gather [hbm4b:s29+s3], $0x80, s30, s3, $0xb8;
	[tilespmem:$0x1F9C0] =	vst v63  }
.LBB2_19:
0x34e: {  	s0 =	simm.s32 $0x2  }
0x34f: {  	_ =	swait.ge [sflag:s0], $0x400  }
0x350: {  	[sflag:s0] =	ssyncset.done $0x0  }
0x351: {  	[sflag:s0] =	ssyncadd.s32 $0xFFFFFC00  }
0x352: {  	_ =	swait.ge [sflag:s0], $0x400  }
0x353: {  	[sflag:s0] =	ssyncset.done $0x0  }
0x354: {  	[sflag:s0] =	ssyncadd.s32 $0xFFFFFC00  }
0x355: {  	_ =	swait.ge [sflag:s0], $0x2000  }
0x356: {  	[sflag:s0] =	ssyncset.done $0x0  }
0x357: {  	s1 =	sadd.s32 $0x1440, s9;
	[sflag:s0] =	ssyncadd.s32 $0xFFFFE000;
	s0 =	simm.s32 @!p0 $0x4  }
0x358: {  	v6 =	vmov s1;
	_ =	swait.ge @!p0 [sflag:s0], $0x2000  }
0x359: {  	s1 =	simm.s32 $0x0;
	[sflag:s0] =	ssyncset.done @!p0 $0x0  }
0x35a: {  	[sflag:s0] =	ssyncadd.s32 @!p0 $0xFFFFE000;
	s0 =	simm.s32 $0x0;
	p0 =	por $0x1, $0x1  }
.LBB2_20:
0x35b: {  	v7 =	vmov s1  }
0x35c: {  	s2 =	sor.u32 $0x10, s1;
	v7 =	vshll.u32 v7, $0x4  }
0x35d: {  	v8 =	vld.idx.msk [tilespmem:v6+s1+$0x0 ss:$0x1], $0xffff;
	v9 =	vmov s2;
	v7 =	vor.u32 v4, v7  }
0x35e: {  	v9 =	vshll.u32 v9, $0x4;
	v7 =	vor.u32 v5, v7  }
0x35f: {  	v10 =	vld.idx.msk [tilespmem:v6+s2+$0x0 ss:$0x1], $0xffff;
	v9 =	vor.u32 v4, v9  }
0x360: {  	v9 =	vor.u32 v5, v9;
	_ =	sdelay $0x1  }
0x361: {  	[tilespmem:s1+$0xB940] =	vst v8  }
0x362: {  	v8 =	vld.idx.msk [tilespmem:v7+s5+$0x0], $0xffff  }
0x363: {  	[tilespmem:s1+$0xB950] =	vst v10;
	v7 =	vld.idx.msk [tilespmem:v7+s6+$0x0], $0xffff  }
0x364: {  	v10 =	vld.idx.msk [tilespmem:v9+s5+$0x0], $0xffff  }
0x365: {  	v9 =	vld.idx.msk [tilespmem:v9+s6+$0x0], $0xffff;
	_ =	sdelay $0x3  }
0x366: {  	v7 =	vadd.f32 v7, v8  }
0x367: {  	v8 =	vadd.f32 v9, v10  }
0x368: {  	v63 =	vmin.f32 v7, $0.0e+00  }
0x369: {  	p2 =	por p0, p0;
	v9 =	vmul.f32 $9.999999770e-03, v63;
	v10 =	vmin.f32 v8, $0.0e+00  }
.Ltmp12:
0x36a: {  	v7 =	vmax.f32 v7, $0.0e+00;
	v10 =	vmul.f32 $9.999999770e-03, v10;
	(pc) =	sbr.rel @p2 .LBB2_20-.Ltmp12, $4  }
0x36b: {  	v8 =	vmax.f32 v8, $0.0e+00;
	v7 =	vadd.f32 v9, v7  }
0x36c: {  	v8 =	vadd.f32 v10, v8  }
0x36d: {  	s22 =	simm.s32 $0x99C0;
	[tilespmem:s1+$0xB980] =	vst v7  }
0x36e: {  	s23 =	simm.s32 $0x79C0;
	p0 =	por $0x0, $0x0;
	[tilespmem:s1+$0xB990] =	vst v8;
	s1 =	simm.s32 $0x20  }
0x36f: {  	v6 =	vmov s0;
	s20 =	simm.s32 $0x1  }
0x370: {  	s21 =	simm.s32 $0x2;
	v6 =	vand.u32 $0xFFFFFFFC, v6;
	v7 =	vmov s20  }
0x371: {  	v8 =	vmov s21;
	v6 =	vbroadcast v6, $0x0;
	v7 =	vand.u32 $0xFFFFFFFD, v7  }
0x372: {  	v8 =	vand.u32 $0xFFFFFFFE, v8;
	v7 =	vbroadcast v7, $0x0  }
0x373: {  	v8 =	vbroadcast v8, $0x0;
	_ =	sdelay $0x3  }
0x374: {  	v11 =	vld.idx.msk [tilespmem:v6+s12+$0x0], $0xffff  }
0x375: {  	s24 =	simm.s32 $0x3;
	v12 =	vld.idx.msk [tilespmem:v7+s12+$0x0], $0xffff  }
0x376: {  	v6 =	vmov s24;
	v13 =	vld.idx.msk [tilespmem:v8+s12+$0x0], $0xffff  }
0x377: {  	v7 =	vld [tilespmem:s23+$0x0]  }
0x378: {  	v8 =	vld [tilespmem:s23+$0xFFFFFF00]  }
0x379: {  	v9 =	vld [tilespmem:s23+$0xFFFFFF80];
	_ =	sdelay $0x1  }
0x37a: {  	v10 =	vld.idx.msk [tilespmem:v6+s12+$0x0], $0xffff  }
0x37b: {  	v6 =	vld [tilespmem:s23+$0x80];
	v7 =	vmul.f32 v7, v13  }
0x37c: {  	v8 =	vmul.f32 v8, v11  }
0x37d: {  	v9 =	vmul.f32 v9, v12;
	[tilespmem:s22+$0x0] =	vst v7  }
0x37e: {  	[tilespmem:s22+$0xFFFFFF00] =	vst v8;
	v7 =	vld [tilespmem:s23+$0x10]  }
0x37f: {  	[tilespmem:s22+$0xFFFFFF80] =	vst v9;
	v8 =	vld [tilespmem:s23+$0xFFFFFF10]  }
0x380: {  	v9 =	vld [tilespmem:s23+$0xFFFFFF90];
	v6 =	vmul.f32 v6, v10;
	_ =	sdelay $0x1  }
0x381: {  	[tilespmem:s22+$0x80] =	vst v6  }
0x382: {  	v6 =	vld [tilespmem:s23+$0x90];
	v7 =	vmul.f32 v7, v13  }
0x383: {  	v8 =	vmul.f32 v8, v11  }
0x384: {  	v9 =	vmul.f32 v9, v12;
	[tilespmem:s22+$0x10] =	vst v7  }
0x385: {  	[tilespmem:s22+$0xFFFFFF10] =	vst v8;
	v7 =	vld [tilespmem:s23+$0x20]  }
0x386: {  	[tilespmem:s22+$0xFFFFFF90] =	vst v9;
	v8 =	vld [tilespmem:s23+$0xFFFFFF20]  }
0x387: {  	v9 =	vld [tilespmem:s23+$0xFFFFFFA0];
	v6 =	vmul.f32 v6, v10;
	_ =	sdelay $0x1  }
0x388: {  	[tilespmem:s22+$0x90] =	vst v6  }
0x389: {  	s25 =	simm.s32 $0x4;
	v6 =	vld [tilespmem:s23+$0xA0];
	v7 =	vmul.f32 v7, v13  }
0x38a: {  	s26 =	simm.s32 $0x5;
	v14 =	vmov s25;
	v8 =	vmul.f32 v8, v11  }
0x38b: {  	s1 =	simm.s32 $0x7;
	v15 =	vmov s26;
	v14 =	vand.u32 $0xFFFFFFFC, v14;
	v9 =	vmul.f32 v9, v12;
	[tilespmem:s22+$0x20] =	vst v7  }
0x38c: {  	v15 =	vand.u32 $0xFFFFFFFD, v15;
	v14 =	vbroadcast v14, $0x0;
	v7 =	vmov s1;
	[tilespmem:s22+$0xFFFFFF20] =	vst v8;
	v8 =	vld [tilespmem:s23+$0x30]  }
0x38d: {  	v15 =	vbroadcast v15, $0x0;
	[tilespmem:s22+$0xFFFFFFA0] =	vst v9;
	v16 =	vld [tilespmem:s23+$0xFFFFFF30]  }
0x38e: {  	v17 =	vld [tilespmem:s23+$0xFFFFFFB0];
	v6 =	vmul.f32 v6, v10  }
0x38f: {  	s28 =	simm.s32 $0x6  }
0x390: {  	[tilespmem:s22+$0xA0] =	vst v6;
	v6 =	vmov s28  }
0x391: {  	v9 =	vand.u32 $0xFFFFFFFE, v6;
	v6 =	vld.idx.msk [tilespmem:v7+s12+$0x0], $0xffff;
	v8 =	vmul.f32 v8, v13  }
0x392: {  	v7 =	vld.idx.msk [tilespmem:v14+s12+$0x0], $0xffff;
	v14 =	vmul.f32 v16, v11  }
0x393: {  	v19 =	vbroadcast v9, $0x0;
	v9 =	vld.idx.msk [tilespmem:v15+s12+$0x0], $0xffff;
	v15 =	vmul.f32 v17, v12;
	[tilespmem:s22+$0x30] =	vst v8  }
0x394: {  	v18 =	vld [tilespmem:s23+$0xB0];
	[tilespmem:s22+$0xFFFFFF30] =	vst v14  }
0x395: {  	[tilespmem:s22+$0xFFFFFFB0] =	vst v15;
	v14 =	vld [tilespmem:s23+$0x40]  }
0x396: {  	s18 =	simm.s32 $0x7BC0;
	v15 =	vld [tilespmem:s23+$0xFFFFFFC0]  }
0x397: {  	v17 =	vld [tilespmem:s18+$0x0]  }
0x398: {  	v16 =	vld [tilespmem:s23+$0xFFFFFF40]  }
0x399: {  	v18 =	vmul.f32 v18, v10;
	v8 =	vld.idx.msk [tilespmem:v19+s12+$0x0], $0xffff  }
0x39a: {  	v19 =	vld [tilespmem:s18+$0xFFFFFF00];
	v14 =	vmul.f32 v14, v13  }
0x39b: {  	v20 =	vld [tilespmem:s18+$0xFFFFFF80];
	[tilespmem:s22+$0xB0] =	vst v18;
	v15 =	vmul.f32 v15, v12  }
0x39c: {  	v21 =	vld [tilespmem:s18+$0x80];
	[tilespmem:s22+$0x40] =	vst v14  }
0x39d: {  	v14 =	vmul.f32 v16, v11;
	[tilespmem:s22+$0xFFFFFFC0] =	vst v15;
	v15 =	vld [tilespmem:s23+$0xC0]  }
0x39e: {  	v16 =	vld [tilespmem:s23+$0x50];
	v17 =	vmul.f32 v17, v8  }
0x39f: {  	s11 =	simm.s32 $0x9BC0;
	v18 =	vld [tilespmem:s23+$0xFFFFFFD0];
	[tilespmem:s22+$0xFFFFFF40] =	vst v14;
	v14 =	vmul.f32 v19, v7  }
0x3a0: {  	v19 =	vmul.f32 v20, v9;
	[tilespmem:s11+$0x0] =	vst v17;
	v17 =	vld [tilespmem:s23+$0xFFFFFF50]  }
0x3a1: {  	v20 =	vmul.f32 v21, v6;
	[tilespmem:s11+$0xFFFFFF00] =	vst v14;
	v14 =	vld [tilespmem:s18+$0x10]  }
0x3a2: {  	[tilespmem:s11+$0xFFFFFF80] =	vst v19;
	v21 =	vld [tilespmem:s18+$0xFFFFFF10];
	v15 =	vmul.f32 v15, v10  }
0x3a3: {  	[tilespmem:s11+$0x80] =	vst v20;
	v19 =	vld [tilespmem:s18+$0xFFFFFF90];
	v16 =	vmul.f32 v16, v13  }
0x3a4: {  	v20 =	vld [tilespmem:s18+$0x90];
	v18 =	vmul.f32 v18, v12;
	[tilespmem:s22+$0xC0] =	vst v15  }
0x3a5: {  	[tilespmem:s22+$0x50] =	vst v16;
	v16 =	vmul.f32 v17, v11;
	v15 =	vld [tilespmem:s23+$0xD0]  }
0x3a6: {  	[tilespmem:s22+$0xFFFFFFD0] =	vst v18;
	v17 =	vld [tilespmem:s23+$0x60];
	v14 =	vmul.f32 v14, v8  }
0x3a7: {  	v18 =	vmul.f32 v21, v7;
	[tilespmem:s22+$0xFFFFFF50] =	vst v16;
	v16 =	vld [tilespmem:s23+$0xFFFFFFE0]  }
0x3a8: {  	v19 =	vmul.f32 v19, v9;
	[tilespmem:s11+$0x10] =	vst v14;
	v14 =	vld [tilespmem:s23+$0xFFFFFF60]  }
0x3a9: {  	v20 =	vmul.f32 v20, v6;
	[tilespmem:s11+$0xFFFFFF10] =	vst v18;
	v18 =	vld [tilespmem:s18+$0x20]  }
0x3aa: {  	[tilespmem:s11+$0xFFFFFF90] =	vst v19;
	v21 =	vld [tilespmem:s18+$0xFFFFFF20];
	v15 =	vmul.f32 v15, v10  }
0x3ab: {  	[tilespmem:s11+$0x90] =	vst v20;
	v17 =	vmul.f32 v17, v13  }
0x3ac: {  	v22 =	vld [tilespmem:s18+$0xFFFFFFA0];
	v16 =	vmul.f32 v16, v12;
	[tilespmem:s22+$0xD0] =	vst v15  }
0x3ad: {  	v23 =	vld [tilespmem:s18+$0xA0];
	[tilespmem:s22+$0x60] =	vst v17;
	v14 =	vmul.f32 v14, v11  }
0x3ae: {  	v24 =	vld [tilespmem:s23+$0x70];
	v15 =	vmul.f32 v18, v8;
	[tilespmem:s22+$0xFFFFFFE0] =	vst v16  }
0x3af: {  	s29 =	simm.s32 $0x8;
	s30 =	simm.s32 $0x9;
	v25 =	vld [tilespmem:s23+$0xE0];
	v16 =	vmul.f32 v21, v7;
	[tilespmem:s22+$0xFFFFFF60] =	vst v14  }
0x3b0: {  	s31 =	simm.s32 $0xB;
	v17 =	vmov s30;
	v19 =	vld [tilespmem:s23+$0xFFFFFFF0];
	v14 =	vmov s29;
	[tilespmem:s11+$0x20] =	vst v15  }
0x3b1: {  	v18 =	vmul.f32 v22, v9;
	v20 =	vld [tilespmem:s23+$0xFFFFFF70];
	v14 =	vand.u32 $0xFFFFFFFC, v14;
	[tilespmem:s11+$0xFFFFFF20] =	vst v16;
	v16 =	vmov s31  }
0x3b2: {  	v22 =	vmul.f32 v23, v6;
	v15 =	vand.u32 $0xFFFFFFFD, v17;
	v21 =	vld [tilespmem:s18+$0x30];
	v14 =	vbroadcast v14, $0x0  }
0x3b3: {  	v15 =	vbroadcast v15, $0x0;
	[tilespmem:s11+$0xFFFFFFA0] =	vst v18;
	v17 =	vld [tilespmem:s18+$0xFFFFFF30];
	v23 =	vmul.f32 v24, v13  }
0x3b4: {  	s0 =	simm.s32 $0xA;
	s24 =	simm.s32 $0xC;
	[tilespmem:s11+$0xA0] =	vst v22;
	v18 =	vld [tilespmem:s18+$0xFFFFFFB0];
	v22 =	vmul.f32 v25, v10  }
.LBB2_22:
0x3b5: {  	p0 =	slt.u32 s24, $0x3C;
	v13 =	vmov s0;
	v24 =	vld [tilespmem:s18+$0xB0];
	v19 =	vmul.f32 v19, v12;
	[tilespmem:s22+$0x70] =	vst v23;
	v12 =	vmov v9  }
0x3b6: {  	v9 =	vand.u32 $0xFFFFFFFE, v13;
	v13 =	vld.idx.msk [tilespmem:v16+s12+$0x0], $0xffff;
	v16 =	vmul.f32 v20, v11;
	[tilespmem:s22+$0xE0] =	vst v22;
	v11 =	vmov v7  }
0x3b7: {  	v20 =	vbroadcast v9, $0x0;
	v21 =	vmul.f32 v21, v8;
	[tilespmem:s22+$0xFFFFFFF0] =	vst v19;
	v19 =	vld [tilespmem:s23+$0xF0];
	s23 =	smov.u32 s18  }
0x3b8: {  	v7 =	vld.idx.msk [tilespmem:v14+s12+$0x0], $0xffff;
	v14 =	vmul.f32 v17, v11;
	[tilespmem:s22+$0xFFFFFF70] =	vst v16  }
0x3b9: {  	v9 =	vld.idx.msk [tilespmem:v15+s12+$0x0], $0xffff;
	v15 =	vmul.f32 v18, v12;
	[tilespmem:s11+$0x30] =	vst v21  }
0x3ba: {  	[tilespmem:s11+$0xFFFFFF30] =	vst v14;
	v14 =	vld [tilespmem:s18+$0x40];
	v16 =	vmul.f32 v24, v6  }
0x3bb: {  	v17 =	vld [tilespmem:s18+$0xFFFFFF40];
	[tilespmem:s11+$0xFFFFFFB0] =	vst v15  }
0x3bc: {  	v15 =	vld [tilespmem:s18+$0xFFFFFFC0];
	[tilespmem:s11+$0xB0] =	vst v16;
	v16 =	vmul.f32 v19, v10;
	v10 =	vmov v6;
	v6 =	vmov v13  }
0x3bd: {  	s18 =	sadd.s32 $0x200, s18;
	v13 =	vld.idx.msk [tilespmem:v20+s12+$0x0], $0xffff  }
0x3be: {  	v18 =	vld [tilespmem:s18+$0x0];
	[tilespmem:s22+$0xF0] =	vst v16;
	s22 =	smov.u32 s11  }
0x3bf: {  	v16 =	vld [tilespmem:s18+$0xFFFFFF00];
	v14 =	vmul.f32 v14, v8  }
0x3c0: {  	v19 =	vld [tilespmem:s18+$0xFFFFFF80];
	v17 =	vmul.f32 v17, v11  }
0x3c1: {  	v20 =	vld [tilespmem:s18+$0x80];
	v15 =	vmul.f32 v15, v12;
	[tilespmem:s11+$0x40] =	vst v14  }
0x3c2: {  	[tilespmem:s11+$0xFFFFFF40] =	vst v17;
	v14 =	vld [tilespmem:s23+$0x50]  }
0x3c3: {  	v17 =	vmul.f32 v18, v13;
	[tilespmem:s11+$0xFFFFFFC0] =	vst v15;
	v15 =	vld [tilespmem:s23+$0xC0]  }
0x3c4: {  	s11 =	sadd.s32 $0x200, s11;
	v16 =	vmul.f32 v16, v7;
	v18 =	vld [tilespmem:s23+$0xFFFFFFD0]  }
0x3c5: {  	v19 =	vmul.f32 v19, v9;
	[tilespmem:s11+$0x0] =	vst v17;
	v17 =	vld [tilespmem:s23+$0xFFFFFF50]  }
0x3c6: {  	[tilespmem:s11+$0xFFFFFF00] =	vst v16;
	v16 =	vld [tilespmem:s18+$0x10];
	v20 =	vmul.f32 v20, v6  }
0x3c7: {  	v21 =	vld [tilespmem:s18+$0xFFFFFF10];
	[tilespmem:s11+$0xFFFFFF80] =	vst v19;
	v14 =	vmul.f32 v14, v8  }
0x3c8: {  	v19 =	vld [tilespmem:s18+$0xFFFFFF90];
	[tilespmem:s11+$0x80] =	vst v20;
	v15 =	vmul.f32 v15, v10  }
0x3c9: {  	v20 =	vld [tilespmem:s18+$0x90];
	v18 =	vmul.f32 v18, v12;
	[tilespmem:s22+$0x50] =	vst v14  }
0x3ca: {  	v14 =	vmul.f32 v17, v11;
	v17 =	vld [tilespmem:s23+$0x60];
	[tilespmem:s22+$0xC0] =	vst v15  }
0x3cb: {  	v15 =	vmul.f32 v16, v13;
	[tilespmem:s22+$0xFFFFFFD0] =	vst v18;
	v16 =	vld [tilespmem:s23+$0xD0]  }
0x3cc: {  	v18 =	vmul.f32 v21, v7;
	[tilespmem:s22+$0xFFFFFF50] =	vst v14;
	v14 =	vld [tilespmem:s23+$0xFFFFFFE0]  }
0x3cd: {  	v19 =	vmul.f32 v19, v9;
	[tilespmem:s11+$0x10] =	vst v15;
	v15 =	vld [tilespmem:s23+$0xFFFFFF60]  }
0x3ce: {  	[tilespmem:s11+$0xFFFFFF10] =	vst v18;
	v18 =	vld [tilespmem:s18+$0x20];
	v20 =	vmul.f32 v20, v6  }
0x3cf: {  	v21 =	vld [tilespmem:s18+$0xFFFFFF20];
	[tilespmem:s11+$0xFFFFFF90] =	vst v19;
	v17 =	vmul.f32 v17, v8  }
0x3d0: {  	v22 =	vld [tilespmem:s18+$0xFFFFFFA0];
	[tilespmem:s11+$0x90] =	vst v20;
	v16 =	vmul.f32 v16, v10  }
0x3d1: {  	v23 =	vld [tilespmem:s18+$0xA0];
	v14 =	vmul.f32 v14, v12;
	[tilespmem:s22+$0x60] =	vst v17  }
0x3d2: {  	v15 =	vmul.f32 v15, v11;
	v24 =	vld [tilespmem:s23+$0x70];
	[tilespmem:s22+$0xD0] =	vst v16  }
0x3d3: {  	s0 =	sadd.s32 $0x3, s24;
	v17 =	vmul.f32 v18, v13;
	[tilespmem:s22+$0xFFFFFFE0] =	vst v14;
	v25 =	vld [tilespmem:s23+$0xE0]  }
.Ltmp13:
0x3d4: {  	s1 =	sadd.s32 $0x1, s24;
	v16 =	vmov s0;
	v14 =	vmov s24;
	v18 =	vmul.f32 v21, v7;
	[tilespmem:s22+$0xFFFFFF60] =	vst v15;
	v19 =	vld [tilespmem:s23+$0xFFFFFFF0];
	(pc) =	sbr.rel @p0 .LBB2_22-.Ltmp13, $4  }
0x3d5: {  	v14 =	vand.u32 $0xFFFFFFFC, v14;
	v15 =	vmov s1;
	v22 =	vmul.f32 v22, v9;
	[tilespmem:s11+$0x20] =	vst v17;
	v20 =	vld [tilespmem:s23+$0xFFFFFF70]  }
0x3d6: {  	v14 =	vbroadcast v14, $0x0;
	v15 =	vand.u32 $0xFFFFFFFD, v15;
	[tilespmem:s11+$0xFFFFFF20] =	vst v18;
	v21 =	vld [tilespmem:s18+$0x30];
	v26 =	vmul.f32 v23, v6  }
0x3d7: {  	v15 =	vbroadcast v15, $0x0;
	v17 =	vld [tilespmem:s18+$0xFFFFFF30];
	[tilespmem:s11+$0xFFFFFFA0] =	vst v22;
	v23 =	vmul.f32 v24, v8;
	v8 =	vmov v13  }
0x3d8: {  	s0 =	sadd.s32 $0x2, s24;
	s24 =	sadd.s32 $0x4, s24;
	v18 =	vld [tilespmem:s18+$0xFFFFFFB0];
	[tilespmem:s11+$0xA0] =	vst v26;
	v22 =	vmul.f32 v25, v10  }
0x3d9: {  	_ = 	snop  }
0x3da: {  	v13 =	vmov s0  }
0x3db: {  	v13 =	vand.u32 $0xFFFFFFFE, v13  }
0x3dc: {  	v24 =	vbroadcast v13, $0x0  }
0x3dd: {  	v14 =	vld.idx.msk [tilespmem:v14+s12+$0x0], $0xffff  }
0x3de: {  	v15 =	vld.idx.msk [tilespmem:v15+s12+$0x0], $0xffff;
	s19 =	sadd.s32 $0x200, s18  }
0x3df: {  	v46 =	vld [tilespmem:s19+$0x0]  }
0x3e0: {  	v25 =	vld [tilespmem:s19+$0xFFFFFF80]  }
0x3e1: {  	v13 =	vld.idx.msk [tilespmem:v16+s12+$0x0], $0xffff  }
0x3e2: {  	v16 =	vld.idx.msk [tilespmem:v24+s12+$0x0], $0xffff  }
0x3e3: {  	v27 =	vld [tilespmem:s19+$0x80]  }
0x3e4: {  	v26 =	vld [tilespmem:s19+$0xFFFFFF00];
	_ =	sdelay $0x1  }
0x3e5: {  	v25 =	vmul.f32 v25, v15  }
0x3e6: {  	s4 =	sadd.s32 $0x200, s11;
	v24 =	vmul.f32 v46, v16  }
0x3e7: {  	v27 =	vmul.f32 v27, v13;
	[tilespmem:s4+$0xFFFFFF80] =	vst v25  }
0x3e8: {  	v26 =	vmul.f32 v26, v14;
	v25 =	vld [tilespmem:s19+$0xFFFFFF90];
	[tilespmem:s4+$0x0] =	vst v24  }
0x3e9: {  	[tilespmem:s4+$0x80] =	vst v27;
	v24 =	vld [tilespmem:s19+$0x10]  }
0x3ea: {  	[tilespmem:s4+$0xFFFFFF00] =	vst v26;
	v27 =	vld [tilespmem:s19+$0x90]  }
0x3eb: {  	v26 =	vld [tilespmem:s19+$0xFFFFFF10];
	_ =	sdelay $0x1  }
0x3ec: {  	v47 =	vmul.f32 v25, v15  }
0x3ed: {  	[tilespmem:s22+$0x70] =	vst v23;
	v24 =	vmul.f32 v24, v16  }
0x3ee: {  	v50 =	vmul.f32 v27, v13;
	[tilespmem:s4+$0xFFFFFF90] =	vst v47  }
0x3ef: {  	v48 =	vmul.f32 v26, v14;
	v51 =	vld [tilespmem:s19+$0xFFFFFFA0];
	[tilespmem:s4+$0x10] =	vst v24  }
0x3f0: {  	[tilespmem:s4+$0x90] =	vst v50;
	v49 =	vld [tilespmem:s19+$0x20]  }
0x3f1: {  	v12 =	vmul.f32 v19, v12;
	[tilespmem:s4+$0xFFFFFF10] =	vst v48;
	v53 =	vld [tilespmem:s19+$0xA0]  }
0x3f2: {  	v11 =	vmul.f32 v20, v11;
	[tilespmem:s22+$0xE0] =	vst v22;
	v52 =	vld [tilespmem:s19+$0xFFFFFF20]  }
0x3f3: {  	v21 =	vmul.f32 v21, v8;
	[tilespmem:s22+$0xFFFFFFF0] =	vst v12  }
0x3f4: {  	v55 =	vld [tilespmem:s18+$0xB0];
	[tilespmem:s22+$0xFFFFFF70] =	vst v11;
	v56 =	vmul.f32 v51, v15  }
0x3f5: {  	[tilespmem:s11+$0x30] =	vst v21;
	v54 =	vmul.f32 v49, v16  }
0x3f6: {  	v22 =	vld [tilespmem:s23+$0xF0];
	v20 =	vmul.f32 v53, v13;
	[tilespmem:s4+$0xFFFFFFA0] =	vst v56  }
0x3f7: {  	v19 =	vmul.f32 v52, v14;
	v57 =	vld [tilespmem:s19+$0xFFFFFFB0];
	[tilespmem:s4+$0x20] =	vst v54  }
0x3f8: {  	v17 =	vmul.f32 v17, v7;
	[tilespmem:s4+$0xA0] =	vst v20;
	v11 =	vld [tilespmem:s19+$0x30]  }
0x3f9: {  	v12 =	vmul.f32 v55, v6;
	[tilespmem:s4+$0xFFFFFF20] =	vst v19;
	v59 =	vld [tilespmem:s19+$0xB0]  }
0x3fa: {  	v18 =	vmul.f32 v18, v9;
	[tilespmem:s11+$0xFFFFFF30] =	vst v17;
	v58 =	vld [tilespmem:s19+$0xFFFFFF30]  }
0x3fb: {  	v61 =	vld [tilespmem:s18+$0xFFFFFF40];
	v10 =	vmul.f32 v22, v10;
	[tilespmem:s11+$0xB0] =	vst v12  }
0x3fc: {  	[tilespmem:s11+$0xFFFFFFB0] =	vst v18;
	v63 =	vld [tilespmem:s18+$0xC0];
	v62 =	vmul.f32 v57, v15  }
0x3fd: {  	v60 =	vld [tilespmem:s18+$0x40];
	[tilespmem:s22+$0xF0] =	vst v10;
	v11 =	vmul.f32 v11, v16  }
0x3fe: {  	v18 =	vld [tilespmem:s18+$0xFFFFFFC0];
	v17 =	vmul.f32 v59, v13;
	[tilespmem:s4+$0xFFFFFFB0] =	vst v62  }
0x3ff: {  	v21 =	vmul.f32 v58, v14;
	v25 =	vld [tilespmem:s19+$0xFFFFFFC0];
	[tilespmem:s4+$0x30] =	vst v11  }
0x400: {  	v12 =	vmul.f32 v61, v7;
	[tilespmem:s4+$0xB0] =	vst v17;
	v11 =	vld [tilespmem:s19+$0x40]  }
0x401: {  	v28 =	vmul.f32 v63, v6;
	[tilespmem:s4+$0xFFFFFF30] =	vst v21;
	v26 =	vld [tilespmem:s19+$0xC0]  }
0x402: {  	[tilespmem:s11+$0xFFFFFF40] =	vst v12;
	v24 =	vmul.f32 v60, v8;
	v21 =	vld [tilespmem:s19+$0xFFFFFF40]  }
0x403: {  	v18 =	vmul.f32 v18, v9;
	v30 =	vld [tilespmem:s18+$0xFFFFFF50];
	[tilespmem:s11+$0xC0] =	vst v28  }
0x404: {  	v32 =	vld [tilespmem:s18+$0xD0];
	[tilespmem:s11+$0x40] =	vst v24;
	v31 =	vmul.f32 v25, v15  }
0x405: {  	[tilespmem:s11+$0xFFFFFFC0] =	vst v18;
	v27 =	vld [tilespmem:s18+$0x50];
	v11 =	vmul.f32 v11, v16  }
0x406: {  	v29 =	vld [tilespmem:s18+$0xFFFFFFD0];
	v10 =	vmul.f32 v26, v13;
	[tilespmem:s4+$0xFFFFFFC0] =	vst v31  }
0x407: {  	v21 =	vmul.f32 v21, v14;
	v18 =	vld [tilespmem:s19+$0xFFFFFFD0];
	[tilespmem:s4+$0x40] =	vst v11  }
0x408: {  	v33 =	vmul.f32 v30, v7;
	[tilespmem:s4+$0xC0] =	vst v10;
	v11 =	vld [tilespmem:s19+$0x50]  }
0x409: {  	v36 =	vmul.f32 v32, v6;
	[tilespmem:s4+$0xFFFFFF40] =	vst v21;
	v34 =	vld [tilespmem:s19+$0xD0]  }
0x40a: {  	[tilespmem:s11+$0xFFFFFF50] =	vst v33;
	v17 =	vmul.f32 v27, v8;
	v21 =	vld [tilespmem:s19+$0xFFFFFF50]  }
0x40b: {  	v12 =	vmul.f32 v29, v9;
	v38 =	vld [tilespmem:s18+$0xFFFFFF60];
	[tilespmem:s11+$0xD0] =	vst v36  }
0x40c: {  	v40 =	vld [tilespmem:s18+$0xE0];
	[tilespmem:s11+$0x50] =	vst v17;
	v39 =	vmul.f32 v18, v15  }
0x40d: {  	[tilespmem:s11+$0xFFFFFFD0] =	vst v12;
	v35 =	vld [tilespmem:s18+$0x60];
	v11 =	vmul.f32 v11, v16  }
0x40e: {  	v37 =	vld [tilespmem:s18+$0xFFFFFFE0];
	v43 =	vmul.f32 v34, v13;
	[tilespmem:s4+$0xFFFFFFD0] =	vst v39  }
0x40f: {  	v41 =	vmul.f32 v21, v14;
	v45 =	vld [tilespmem:s19+$0xFFFFFFE0];
	[tilespmem:s4+$0x50] =	vst v11  }
0x410: {  	v47 =	vmul.f32 v38, v7;
	[tilespmem:s4+$0xD0] =	vst v43;
	v42 =	vld [tilespmem:s19+$0x60]  }
0x411: {  	v50 =	vmul.f32 v40, v6;
	[tilespmem:s4+$0xFFFFFF50] =	vst v41;
	v48 =	vld [tilespmem:s19+$0xE0]  }
0x412: {  	[tilespmem:s11+$0xFFFFFF60] =	vst v47;
	v44 =	vmul.f32 v35, v8;
	v46 =	vld [tilespmem:s19+$0xFFFFFF60]  }
0x413: {  	v53 =	vld [tilespmem:s18+$0xFFFFFF70];
	[tilespmem:s11+$0xE0] =	vst v50;
	v10 =	vmul.f32 v37, v9  }
0x414: {  	v55 =	vld [tilespmem:s18+$0xF0];
	[tilespmem:s11+$0x60] =	vst v44;
	v54 =	vmul.f32 v45, v15  }
0x415: {  	[tilespmem:s11+$0xFFFFFFE0] =	vst v10;
	v49 =	vld [tilespmem:s18+$0x70];
	v52 =	vmul.f32 v42, v16  }
0x416: {  	v51 =	vld [tilespmem:s18+$0xFFFFFFF0];
	v58 =	vmul.f32 v48, v13;
	[tilespmem:s4+$0xFFFFFFE0] =	vst v54  }
0x417: {  	v56 =	vmul.f32 v46, v14;
	v60 =	vld [tilespmem:s19+$0xFFFFFFF0];
	[tilespmem:s4+$0x60] =	vst v52  }
0x418: {  	v7 =	vmul.f32 v53, v7;
	[tilespmem:s4+$0xE0] =	vst v58;
	v57 =	vld [tilespmem:s19+$0x70]  }
0x419: {  	v6 =	vmul.f32 v55, v6;
	[tilespmem:s4+$0xFFFFFF60] =	vst v56;
	v63 =	vld [tilespmem:s19+$0xF0]  }
0x41a: {  	[tilespmem:s11+$0xFFFFFF70] =	vst v7;
	v59 =	vmul.f32 v49, v8;
	v62 =	vld [tilespmem:s19+$0xFFFFFF70]  }
0x41b: {  	[tilespmem:s11+$0xF0] =	vst v6;
	v61 =	vmul.f32 v51, v9  }
0x41c: {  	[tilespmem:s11+$0x70] =	vst v59;
	v6 =	vmul.f32 v60, v15  }
0x41d: {  	[tilespmem:s11+$0xFFFFFFF0] =	vst v61;
	v7 =	vmul.f32 v57, v16  }
.Ltmp14:
0x41e: {  	[tilespmem:s4+$0xFFFFFFF0] =	vst v6;
	v6 =	vmul.f32 v63, v13;
	(pc) =	sbr.rel @p1 .LBB2_27-.Ltmp14, $4  }
0x41f: {  	[tilespmem:s4+$0x70] =	vst v7;
	v7 =	vmul.f32 v62, v14  }
0x420: {  	[tilespmem:s4+$0xF0] =	vst v6  }
0x421: {  	s31 =	rddreg [dreg:$0x2];
	s1 =	simm.s32 $0xB940;
	s2 =	simm.s32 $0x98C0;
	[tilespmem:s4+$0xFFFFFF70] =	vst v7  }
0x422: {  	[spmem:s31] =	stream.indirect.scatter.add.f32 [tilespmem:s2], [sflag:$0x4], $0x80, s1, s3, $0xb8;
	[tilespmem:$0x1F9C0] =	vst v63  }
0x423: {  	s0 =	sadd.s32 $0x3, s8  }
0x424: {  	vm12 =	vmmov vm11;
	vm11 =	vmmov vm15;
	s0 =	sshll.u32 s0, $0x6  }
0x425: {  	s1 =	simm.s32 $0x0;
	p0 =	por $0x1, $0x1;
	vm15 =	vmmov vm14;
	vm14 =	vmmov vm13;
	vm13 =	vcmask $0x1714;
	[dreg:$0x1d] =	wrdreg s0  }
.LBB2_25:
0x426: {  	s0 =	rddreg [dreg:$0x1d]  }
0x427: {  	s0 =	sor.u32 s0, s1  }
0x428: {  	v6 =	vld [tilespmem:s0+$0x0];
	_ =	sdelay $0x4  }
0x429: {  	(v2sf) =	vpush v6, $0xD;
	_ =	sdelay $0x1  }
0x42a: {  	(v2sf) =	vpush v6, $0xC;
	_ =	sdelay $0x1  }
0x42b: {  	(v2sf) =	vpush v6, $0xE;
	_ =	sdelay $0x1  }
0x42c: {  	(v2sf) =	vpush v6, $0xF;
	_ =	sdelay $0x1  }
0x42d: {  	(v2sf) =	vpush v6, $0x9;
	_ =	sdelay $0x1  }
0x42e: {  	(v2sf) =	vpush v6, $0x8;
	_ =	sdelay $0x1  }
0x42f: {  	(v2sf) =	vpush v6, $0xA;
	_ =	sdelay $0x1  }
0x430: {  	(v2sf) =	vpush v6, $0xB  }
0x431: {  	s10 =	spop (v2sf)  }
0x432: {  	[dreg:$0x1f] =	wrdreg s1;
	s4 =	smulhi.u32 $0x66666667, s10;
	s1 =	sshra.s32 s10, $0x1F  }
0x433: {  	(v2sf) =	vpush v6, $0x0;
	s11 =	spop (v2sf);
	s10 =	smul.u32 $0x66666667, s1  }
0x434: {  	s5 =	smulhi.u32 $0x66666667, s11;
	s1 =	sshra.s32 s11, $0x1F  }
0x435: {  	(v2sf) =	vpush v6, $0x1;
	s13 =	spop (v2sf);
	s7 =	smul.u32 $0x66666667, s1  }
0x436: {  	(v2sf) =	vpush v6, $0x2;
	s6 =	smulhi.u32 $0x66666667, s13;
	s1 =	sshra.s32 s13, $0x1F  }
0x437: {  	s14 =	spop (v2sf);
	s21 =	smul.u32 $0x66666667, s1  }
0x438: {  	(v2sf) =	vpush v6, $0x3;
	s9 =	smulhi.u32 $0x66666667, s14;
	s1 =	sshra.s32 s14, $0x1F  }
0x439: {  	s15 =	spop (v2sf);
	s11 =	smul.u32 $0x66666667, s1  }
0x43a: {  	s13 =	smulhi.u32 $0x66666667, s15;
	s1 =	sshra.s32 s15, $0x1F  }
0x43b: {  	(v2sf) =	vpush v6, $0x4;
	s16 =	spop (v2sf);
	s8 =	smul.u32 $0x66666667, s1  }
0x43c: {  	[smem:$0x7B9] =	sst s0;
	s26 =	smulhi.u32 $0x66666667, s16;
	s1 =	sshra.s32 s16, $0x1F  }
0x43d: {  	s2 =	sor.u32 $0x10, s0;
	(v2sf) =	vpush v6, $0x5;
	s18 =	spop (v2sf);
	s17 =	smul.u32 $0x66666667, s1  }
0x43e: {  	[smem:$0x7BA] =	sst s2;
	(v2sf) =	vpush v6, $0x6;
	s19 =	smulhi.u32 $0x66666667, s18;
	s1 =	sshra.s32 s18, $0x1F  }
0x43f: {  	v7 =	vld [tilespmem:s2+$0x0];
	s20 =	spop (v2sf);
	s2 =	smul.u32 $0x66666667, s1  }
0x440: {  	s22 =	smulhi.u32 $0x66666667, s20;
	s1 =	sshra.s32 s20, $0x1F;
	[smem:$0x7A3] =	sst s17  }
0x441: {  	(v2sf) =	vpush v6, $0x7;
	[smem:$0x7A4] =	sst s19;
	s23 =	smul.u32 $0x66666667, s1  }
0x442: {  	[smem:$0x7A5] =	sst s22;
	s24 =	spop (v2sf)  }
0x443: {  	[smem:$0x7A6] =	sst s23;
	s25 =	smulhi.u32 $0x66666667, s24;
	s1 =	sshra.s32 s24, $0x1F  }
0x444: {  	(v2sf) =	vpush v7, $0xD;
	s28 =	spop (v2sf);
	s30 =	smul.u32 $0x66666667, s1  }
0x445: {  	s29 =	smulhi.u32 $0x66666667, s28;
	s1 =	sshra.s32 s28, $0x1F;
	s31 =	spop (v2sf)  }
0x446: {  	(v2sf) =	vpush v7, $0xC;
	[smem:$0x7A7] =	sst s25;
	s20 =	smul.u32 $0x66666667, s1  }
0x447: {  	s3 =	smulhi.u32 $0x66666667, s31;
	s1 =	sshra.s32 s31, $0x1F;
	s14 =	spop (v2sf)  }
0x448: {  	(v2sf) =	vpush v7, $0xE;
	[smem:$0x7A8] =	sst s29;
	s15 =	smul.u32 $0x66666667, s1  }
0x449: {  	s16 =	smulhi.u32 $0x66666667, s14;
	s1 =	sshra.s32 s14, $0x1F;
	[smem:$0x7A9] =	sst s3  }
0x44a: {  	(v2sf) =	vpush v7, $0xF;
	s28 =	smul.u32 $0x66666667, s1;
	s3 =	spop (v2sf)  }
0x44b: {  	[smem:$0x7AA] =	sst s16;
	s17 =	smulhi.u32 $0x66666667, s3;
	s3 =	sshra.s32 s3, $0x1F  }
0x44c: {  	s22 =	spop (v2sf);
	s18 =	smul.u32 $0x66666667, s3  }
0x44d: {  	(v2sf) =	vpush v7, $0x9;
	s19 =	smulhi.u32 $0x66666667, s22;
	s22 =	sshra.s32 s22, $0x1F;
	s23 =	spop (v2sf)  }
0x44e: {  	[smem:$0x7AB] =	sst s17;
	s22 =	smul.u32 $0x66666667, s22  }
0x44f: {  	(v2sf) =	vpush v7, $0x8;
	s24 =	smulhi.u32 $0x66666667, s23;
	s17 =	sadd.s32 s8, s13;
	s8 =	sld [smem:$0x7A3]  }
0x450: {  	s25 =	spop (v2sf);
	[smem:$0x7AC] =	sst s18  }
0x451: {  	s29 =	smulhi.u32 $0x66666667, s25;
	[smem:$0x7AE] =	sst s22;
	s22 =	sshra.s32 s23, $0x1F  }
0x452: {  	(v2sf) =	vpush v7, $0xA;
	[smem:$0x7AD] =	sst s19;
	s31 =	smul.u32 $0x66666667, s22;
	s22 =	sshra.s32 s25, $0x1F  }
0x453: {  	s21 =	sadd.s32 s21, s6;
	s25 =	smul.u32 $0x66666667, s22;
	s1 =	spop (v2sf)  }
0x454: {  	[smem:$0x7B0] =	sst s29;
	s29 =	smulhi.u32 $0x66666667, s1;
	s22 =	sshra.s32 s1, $0x1F  }
0x455: {  	s16 =	sadd.s32 s10, s4;
	s3 =	spop (v2sf);
	s23 =	smul.u32 $0x66666667, s22  }
0x456: {  	[smem:$0x7AF] =	sst s24;
	s24 =	smulhi.u32 $0x66666667, s3;
	s4 =	sshra.s32 s3, $0x1F  }
0x457: {  	s22 =	sadd.s32 s7, s5;
	s5 =	spop (v2sf);
	s19 =	smul.u32 $0x66666667, s4  }
0x458: {  	s14 =	sadd.s32 s11, s9;
	s18 =	smulhi.u32 $0x66666667, s5;
	s4 =	sld [smem:$0x7A5]  }
0x459: {  	s1 =	sshra.s32 s5, $0x1F;
	s6 =	spop (v2sf);
	s5 =	sld [smem:$0x7A6]  }
0x45a: {  	s11 =	smul.u32 $0x66666667, s1;
	s1 =	sadd.s32 s8, s26;
	s26 =	sld [smem:$0x7A8]  }
0x45b: {  	(v2sf) =	vpush v7, $0xB;
	s13 =	smulhi.u32 $0x66666667, s6;
	s7 =	sshra.s32 s6, $0x1F;
	[smem:$0x7B1] =	sst s1  }
0x45c: {  	s8 =	smul.u32 $0x66666667, s7;
	s9 =	spop (v2sf)  }
0x45d: {  	s1 =	sld [smem:$0x7A4];
	s10 =	smulhi.u32 $0x66666667, s9  }
0x45e: {  	(v2sf) =	vpush v7, $0x0;
	s3 =	sshra.s32 s9, $0x1F;
	s6 =	spop (v2sf);
	s9 =	sld [smem:$0x7A7]  }
0x45f: {  	s7 =	smul.u32 $0x66666667, s3;
	s3 =	sld [smem:$0x7AA]  }
0x460: {  	(v2sf) =	vpush v7, $0x1;
	s0 =	sadd.s32 s2, s1;
	s1 =	sadd.s32 s5, s4;
	s2 =	sld [smem:$0x7A9]  }
0x461: {  	s29 =	sadd.s32 s23, s29;
	[smem:$0x7B4] =	sst s1;
	s1 =	spop (v2sf)  }
0x462: {  	(v2sf) =	vpush v7, $0x2;
	s20 =	sadd.s32 s20, s26;
	s4 =	sld [smem:$0x7AB];
	s26 =	sshra.s32 s1, $0x1F  }
0x463: {  	s28 =	sadd.s32 s28, s3;
	s3 =	smul.u32 $0x66666667, s26;
	s26 =	sld [smem:$0x7AC]  }
0x464: {  	(v2sf) =	vpush v7, $0x3;
	[smem:$0x7B2] =	sst s0;
	s30 =	sadd.s32 s30, s9;
	s9 =	smulhi.u32 $0x66666667, s6  }
0x465: {  	(v2sf) =	vpush v7, $0x4;
	s0 =	sshra.s32 s6, $0x1F;
	s15 =	sadd.s32 s15, s2;
	s2 =	sld [smem:$0x7AD]  }
0x466: {  	s6 =	smulhi.u32 $0x66666667, s1;
	s1 =	sadd.s32 s26, s4;
	s26 =	sld [smem:$0x7AE]  }
0x467: {  	[smem:$0x7B7] =	sst s29  }
0x468: {  	[smem:$0x7B3] =	sst s1  }
0x469: {  	s1 =	sadd.s32 s26, s2;
	s26 =	sld [smem:$0x7AF]  }
0x46a: {  	s5 =	smul.u32 $0x66666667, s0;
	s0 =	spop (v2sf)  }
0x46b: {  	s4 =	smulhi.u32 $0x66666667, s0;
	[smem:$0x7B5] =	sst s1  }
0x46c: {  	s0 =	sshra.s32 s0, $0x1F;
	s1 =	sadd.s32 s31, s26;
	s26 =	sld [smem:$0x7B0]  }
0x46d: {  	s23 =	sadd.s32 s19, s24;
	s2 =	smul.u32 $0x66666667, s0;
	s0 =	spop (v2sf)  }
0x46e: {  	s31 =	smulhi.u32 $0x66666667, s0;
	s0 =	sshra.s32 s0, $0x1F;
	[smem:$0x7B6] =	sst s1  }
0x46f: {  	s1 =	smul.u32 $0x66666667, s0;
	s26 =	sadd.s32 s25, s26;
	s25 =	spop (v2sf)  }
0x470: {  	s18 =	sadd.s32 s11, s18;
	s29 =	smulhi.u32 $0x66666667, s25;
	s25 =	sshra.s32 s25, $0x1F  }
0x471: {  	s8 =	sadd.s32 s8, s13;
	s0 =	spop (v2sf);
	s24 =	smul.u32 $0x66666667, s25  }
0x472: {  	[smem:$0x7B8] =	sst s8;
	s11 =	smulhi.u32 $0x66666667, s0;
	s25 =	sshra.s32 s0, $0x1F  }
0x473: {  	s13 =	spop (v2sf);
	s8 =	smul.u32 $0x66666667, s25  }
0x474: {  	s25 =	sadd.s32 s7, s10;
	s7 =	smulhi.u32 $0x66666667, s13;
	s19 =	spop (v2sf)  }
0x475: {  	s0 =	sshra.s32 s13, $0x1F;
	s13 =	smulhi.u32 $0x66666667, s19;
	s10 =	sshra.s32 s19, $0x1F  }
0x476: {  	s9 =	sadd.s32 s5, s9;
	s5 =	sadd.s32 s3, s6;
	(v2sf) =	vpush v7, $0x5;
	s19 =	smul.u32 $0x66666667, s10  }
0x477: {  	s6 =	sadd.s32 s2, s4;
	s2 =	sshra.s32 s14, $0x3;
	(v2sf) =	vpush v7, $0x6;
	s31 =	sadd.s32 s1, s31  }
0x478: {  	s0 =	smul.u32 $0x66666667, s0;
	s4 =	sadd.s32 s19, s13;
	s13 =	sshrl.u32 s30, $0x1F  }
0x479: {  	(v2sf) =	vpush v7, $0x7;
	s1 =	sadd.s32 s24, s29;
	s3 =	sadd.s32 s8, s11;
	s11 =	sshrl.u32 s22, $0x1F;
	v9 =	vmov s13  }
0x47a: {  	s29 =	sshrl.u32 s16, $0x1F;
	s24 =	sshrl.u32 s20, $0x1F;
	s10 =	sshra.s32 s22, $0x3;
	v8 =	vmov s11;
	v9 =	vnsel vm3, $0x0, v9  }
0x47b: {  	s22 =	sshrl.u32 s15, $0x1F;
	s0 =	sadd.s32 s0, s7;
	v8 =	vsel vm0, s29, v8;
	s29 =	sld [smem:$0x7B1];
	v9 =	vsel vm0, s24, v9  }
0x47c: {  	s7 =	sshra.s32 s16, $0x3;
	s16 =	sshrl.u32 s21, $0x1F;
	s24 =	sshrl.u32 s28, $0x1F;
	v9 =	vsel vm1, s22, v9  }
0x47d: {  	s11 =	sshra.s32 s21, $0x3;
	s19 =	sshrl.u32 s14, $0x1F;
	v9 =	vsel vm2, s24, v9;
	s24 =	sld [smem:$0x7B3]  }
0x47e: {  	v8 =	vsel vm1, s16, v8;
	s21 =	sshrl.u32 s29, $0x1F;
	s13 =	sshra.s32 s29, $0x3;
	s29 =	sshra.s32 s26, $0x1F  }
0x47f: {  	v8 =	vsel vm2, s19, v8;
	s19 =	smov.u32 s26;
	s26 =	sshra.s32 s30, $0x3;
	v10 =	vmov s21;
	v11 =	vmov s29;
	s21 =	sld [smem:$0x7B2]  }
0x480: {  	s14 =	sshrl.u32 s17, $0x1F;
	v11 =	vsel vm3, s26, v11;
	s26 =	sld [smem:$0x7B4];
	s22 =	sshrl.u32 s24, $0x1F  }
0x481: {  	s8 =	sshra.s32 s17, $0x3;
	v10 =	vsel vm0, s14, v10;
	s14 =	sshra.s32 s30, $0x1F;
	v9 =	vsel vm4, s22, v9;
	s22 =	sld [smem:$0x7B5]  }
0x482: {  	v12 =	vmov s10;
	v11 =	vsel vm9, s14, v11;
	s17 =	sshrl.u32 s21, $0x1F;
	s14 =	sshra.s32 s21, $0x3;
	s21 =	sld [smem:$0x7B6]  }
0x483: {  	v12 =	vsel vm0, s7, v12;
	s16 =	sshra.s32 s15, $0x1F;
	s29 =	sshrl.u32 s26, $0x1F  }
0x484: {  	v12 =	vsel vm1, s11, v12;
	v13 =	vmov s13;
	v10 =	vsel vm1, s17, v10;
	s17 =	sshra.s32 s20, $0x1F;
	s10 =	sshra.s32 s26, $0x3;
	s30 =	sshrl.u32 s22, $0x1F  }
0x485: {  	v13 =	vsel vm0, s8, v13;
	v10 =	vsel vm2, s29, v10;
	s29 =	sshrl.u32 s21, $0x1F;
	v9 =	vsel vm5, s30, v9;
	s30 =	sshra.s32 s20, $0x3;
	s20 =	spop (v2sf)  }
0x486: {  	v13 =	vsel vm1, s14, v13;
	s14 =	sshra.s32 s31, $0x1F;
	v9 =	vsel vm6, s29, v9;
	v11 =	vsel vm0, s30, v11;
	s29 =	sshrl.u32 s19, $0x1F;
	s7 =	spop (v2sf)  }
0x487: {  	v12 =	vsel vm2, s2, v12;
	v13 =	vsel vm2, s10, v13;
	s30 =	sshra.s32 s15, $0x3;
	s15 =	sld [smem:$0x7B7];
	v11 =	vsel vm10, s17, v11;
	s17 =	sshra.s32 s28, $0x3  }
0x488: {  	v8 =	vcombine.low v10, v8;
	v9 =	vsel vm7, s29, v9;
	s26 =	spop (v2sf);
	s29 =	sshra.s32 s28, $0x1F;
	s28 =	sshrl.u32 s9, $0x1F;
	v11 =	vsel vm1, s30, v11  }
0x489: {  	v12 =	vcombine.low v13, v12;
	s9 =	sshra.s32 s9, $0x3;
	s11 =	smulhi.u32 $0x66666667, s26;
	v11 =	vsel vm13, s16, v11;
	s16 =	sshra.s32 s26, $0x1F  }
0x48a: {  	v8 =	vperm.xlane v8, v1;
	s30 =	sshrl.u32 s23, $0x1F;
	v15 =	vmov s28;
	s28 =	sshrl.u32 s6, $0x1F;
	v17 =	vmov s9;
	s8 =	smul.u32 $0x66666667, s16  }
0x48b: {  	s9 =	sshra.s32 s24, $0x1F;
	v9 =	vperm.xlane v9, v2;
	s6 =	sshra.s32 s6, $0x3;
	v14 =	vmov s30;
	s30 =	sld [smem:$0x7B8];
	v11 =	vsel vm2, s17, v11  }
0x48c: {  	v12 =	vperm.xlane v12, v1;
	s17 =	sshrl.u32 s15, $0x1F;
	v11 =	vsel vm14, s29, v11;
	s29 =	sshra.s32 s23, $0x3;
	s2 =	sadd.s32 s8, s11  }
0x48d: {  	s26 =	sshrl.u32 s18, $0x1F;
	v8 =	vsel vm8, v9, v8;
	v14 =	vsel vm0, s17, v14;
	s17 =	sshra.s32 s15, $0x3;
	v16 =	vmov s29;
	s11 =	sshra.s32 s2, $0x1F  }
0x48e: {  	s16 =	sshrl.u32 s25, $0x1F;
	v14 =	vsel vm1, s26, v14;
	s26 =	sshra.s32 s18, $0x3;
	v16 =	vsel vm0, s17, v16;
	v49 =	vmov s11;
	s11 =	sshra.s32 s31, $0x3  }
0x48f: {  	v15 =	vsel vm0, s16, v15;
	s23 =	sshrl.u32 s5, $0x1F;
	s15 =	sshra.s32 s22, $0x3;
	s13 =	sshrl.u32 s30, $0x1F;
	v48 =	vsel vm1, s26, v16;
	v16 =	vsel vm3, s11, v49  }
0x490: {  	s16 =	sshra.s32 s1, $0x3;
	v47 =	vsel vm1, s23, v15;
	s29 =	sshra.s32 s30, $0x3;
	s23 =	sshrl.u32 s31, $0x1F;
	v14 =	vsel vm2, s13, v14;
	v16 =	vsel vm9, s14, v16  }
0x491: {  	s30 =	sshra.s32 s24, $0x3;
	s18 =	sshra.s32 s1, $0x1F;
	v10 =	vsel vm2, s28, v47;
	s13 =	sshra.s32 s25, $0x3;
	v52 =	vmov s23;
	v50 =	vsel vm0, s16, v16  }
0x492: {  	s5 =	sshra.s32 s5, $0x3;
	s24 =	sshra.s32 s3, $0x3;
	s1 =	sshrl.u32 s1, $0x1F;
	v11 =	vsel vm4, s30, v11;
	v17 =	vsel vm0, s13, v17;
	v13 =	vsel vm10, s18, v50  }
0x493: {  	s17 =	sshra.s32 s22, $0x1F;
	s25 =	sshrl.u32 s3, $0x1F;
	s3 =	sshra.s32 s3, $0x1F;
	v10 =	vcombine.low v10, v14;
	v14 =	vnsel vm3, $0x0, v52;
	v13 =	vsel vm1, s24, v13  }
0x494: {  	s28 =	sshra.s32 s20, $0x1F;
	s26 =	smulhi.u32 $0x66666667, s20;
	v11 =	vsel vm15, s9, v11;
	v15 =	vsel vm2, s29, v48;
	s29 =	sshra.s32 s0, $0x3;
	v13 =	vsel vm13, s3, v13  }
0x495: {  	s30 =	sshrl.u32 s0, $0x1F;
	v17 =	vsel vm1, s5, v17;
	s0 =	sshra.s32 s0, $0x1F;
	v14 =	vsel vm0, s1, v14;
	s14 =	smul.u32 $0x66666667, s28;
	v13 =	vsel vm2, s29, v13  }
0x496: {  	s31 =	smulhi.u32 $0x66666667, s7;
	s7 =	sshra.s32 s7, $0x1F;
	s9 =	sshra.s32 s4, $0x3;
	v11 =	vsel vm5, s15, v11;
	v51 =	vsel vm2, s6, v17;
	v13 =	vsel vm14, s0, v13  }
0x497: {  	v14 =	vsel vm1, s25, v14;
	v11 =	vsel vm11, s17, v11;
	s16 =	sshra.s32 s4, $0x1F;
	s15 =	sadd.s32 s14, s26;
	s3 =	smul.u32 $0x66666667, s7;
	v13 =	vsel vm4, s9, v13  }
0x498: {  	s22 =	sshra.s32 s21, $0x3;
	s17 =	sshra.s32 s21, $0x1F;
	v10 =	vperm.xlane v10, v1;
	v9 =	vcombine.low v51, v15;
	s18 =	sshra.s32 s15, $0x3;
	v13 =	vsel vm15, s16, v13  }
0x499: {  	v14 =	vsel vm2, s30, v14;
	s4 =	sshrl.u32 s4, $0x1F;
	v11 =	vsel vm6, s22, v11;
	s21 =	sshra.s32 s15, $0x1F;
	s1 =	sadd.s32 s3, s31;
	v13 =	vsel vm5, s18, v13  }
0x49a: {  	s22 =	sshra.s32 s19, $0x3;
	v14 =	vsel vm4, s4, v14;
	v11 =	vsel vm12, s17, v11;
	s20 =	sshrl.u32 s15, $0x1F;
	s24 =	sshra.s32 s1, $0x3;
	v13 =	vsel vm11, s21, v13  }
0x49b: {  	v11 =	vsel vm7, s22, v11;
	v14 =	vsel vm5, s20, v14;
	s23 =	sshrl.u32 s1, $0x1F;
	s26 =	sshra.s32 s1, $0x1F;
	v13 =	vsel vm6, s24, v13  }
0x49c: {  	s25 =	sshrl.u32 s2, $0x1F;
	s28 =	sshra.s32 s2, $0x3;
	v11 =	vperm.xlane v11, v2;
	v14 =	vsel vm6, s23, v14;
	v13 =	vsel vm12, s26, v13  }
0x49d: {  	v9 =	vperm.xlane v9, v1;
	s29 =	sld [smem:$0x7B9];
	v14 =	vsel vm7, s25, v14;
	v13 =	vsel vm7, s28, v13  }
0x49e: {  	v11 =	vsel vm8, v11, v12;
	v14 =	vperm.xlane v14, v2;
	v53 =	vperm.xlane v13, v2  }
0x49f: {  	s30 =	sld [smem:$0x7BA];
	v8 =	vadd.s32 v8, v11  }
0x4a0: {  	v54 =	vld [tilespmem:s29+$0x1400];
	v55 =	vmul.u32 $0xFFFFFFEC, v8;
	v10 =	vsel vm8, v14, v10;
	v9 =	vsel vm8, v53, v9  }
0x4a1: {  	v56 =	vsub.s32 $0x0, v6;
	v9 =	vadd.s32 v10, v9  }
0x4a2: {  	vm9 =	vlt.s32 v6, $0x1;
	v57 =	vld [tilespmem:s30+$0x1400];
	vm10 =	vne.s32 v55, v56;
	v58 =	vmul.u32 $0xFFFFFFEC, v9  }
0x4a3: {  	v59 =	vsub.s32 $0x0, v7;
	vm9 =	vmand vm9, vm10  }
0x4a4: {  	v60 =	vsel vm9, $0xFFFFFFFF, v3;
	vm9 =	vlt.s32 v7, $0x1;
	vm10 =	vne.s32 v58, v59  }
0x4a5: {  	v8 =	vadd.s32 v60, v8;
	v11 =	vmul.u32 $0x14, v54;
	vm9 =	vmand vm9, vm10  }
0x4a6: {  	p1 =	por p0, p0;
	v62 =	vmul.u32 $0xFFFFFFEC, v8;
	v61 =	vsel vm9, $0xFFFFFFFF, v3  }
.Ltmp15:
0x4a7: {  	s31 =	rddreg [dreg:$0x1f];
	v6 =	vadd.s32 v6, v11;
	v10 =	vmul.u32 $0x14, v57;
	v9 =	vadd.s32 v61, v9;
	(pc) =	sbr.rel @p1 .LBB2_25-.Ltmp15, $4  }
0x4a8: {  	[tilespmem:s31+$0xB8C0] =	vst v8;
	v6 =	vadd.s32 v62, v6;
	v63 =	vmul.u32 $0xFFFFFFEC, v9  }
0x4a9: {  	[tilespmem:s31+$0xB900] =	vst v6;
	v6 =	vadd.s32 v7, v10  }
0x4aa: {  	[tilespmem:s31+$0xB8D0] =	vst v9;
	v6 =	vadd.s32 v63, v6  }
0x4ab: {  	p0 =	por $0x0, $0x0;
	s1 =	simm.s32 $0x20;
	vm10 =	vcmask $0xF0C;
	vm9 =	vcmask $0x704;
	[tilespmem:s31+$0xB910] =	vst v6  }
0x4ac: {  	s0 =	rddreg [dreg:$0x1d]  }
0x4ad: {  	s1 =	rddreg [dreg:$0x5];
	s3 =	simm.s32 $0x40  }
0x4ae: {  	s5 =	simm.s32 $0x70C0;
	s28 =	rddreg [dreg:$0x1];
	s0 =	sand.u32 $0x3FFFFFC0, s0  }
0x4af: {  	[tilespmem:s5], [sflag:$0x2] =	stream.indirect.gather [hbm4b:s1+s3], $0x10, s0, s3, $0xb8;
	[tilespmem:$0x1F9C0] =	vst v63  }
.Ltmp16:
0x4b0: {  	s30 =	rddreg [dreg:$0x4];
	(pc) =	sbr.rel .LBB2_11-.Ltmp16, $4  }
0x4b1: {  	s29 =	simm.s32 $0xB900;
	s6 =	simm.s32 $0x74C0;
	s7 =	rddreg [dreg:$0x19]  }
0x4b2: {  	[tilespmem:s6], [sflag:$0x2] =	stream.indirect.gather [hbm4b:s28+s3], $0x10, s29, s3, $0xb8;
	[tilespmem:$0x1F9C0] =	vst v63  }
0x4b3: {  	s31 =	simm.s32 $0xB8C0;
	s2 =	simm.s32 $0x78C0;
	vm13 =	vmmov vm14;
	s7 =	sadd.s32 $0x1, s7  }
0x4b4: {  	vm14 =	vmmov vm15;
	vm15 =	vmmov vm11;
	vm11 =	vmmov vm12;
	[tilespmem:s2], [sflag:$0x2] =	stream.indirect.gather [hbm4b:s30+s3], $0x80, s31, s3, $0xb8;
	[tilespmem:$0x1F9C0] =	vst v63  }
.LBB2_29:
0x4b5: {  	_ =	sfence.sel $0x180000  }
0x4b6: {  	[bflag:$0x0] =	sbarrier.arrive $0xFFFF  }
0x4b7: {  	_ =	strace $0x90000047  }
0x4b8: {  	s0 =	stileid.u32;
	[bflag:$0x2] =	sbarrier.arrive $0xFFFF  }
0x4b9: {  	p0 =	sne.s32 s0, $0x0;
	s0 =	rddreg [dreg:$0x3]  }
0x4ba: {  	s0 =	sadd.s32 @!p0 $0x100000, s0  }
0x4bb: {  	[sflag:s0] =	ssyncadd.tile.s32 @!p0 $0x1;
	_ =	shalt  }
.Lfunc_end2:
_tile_overlayer_lowered:
.L_overlay_start_2:
0x4bc: {  	(tag) =	ssettag $0x2  }
0x4bd: {  	s0 =	rddreg [dreg:$0x0];
	s2 =	stileid.u32  }
0x4be: {  	s1 =	rddreg [dreg:$0x1];
	p0 =	sne.s32 s2, $0x0  }
0x4bf: {  	s3 =	rddreg [dreg:$0x2];
	[bflag:$0x3] =	sbarrier.arrive $0xFFFF;
	s2 =	simm.s32 @!p0 $0x1C05  }
0x4c0: {  	[timem:s3], [sflag:s2] =	dma.local @!p0 [hbm:s0], s1  }
0x4c1: {  	s0 =	simm.s32 @!p0 $0x5  }
0x4c2: {  	_ =	swait.ge @!p0 [sflag:s0], s1  }
0x4c3: {  	s1 =	ssub.s32 @!p0 $0x0, s1;
	[sflag:s0] =	ssyncset.done @!p0 $0x0  }
0x4c4: {  	[sflag:s0] =	ssyncadd.s32 @!p0 s1  }
0x4c5: {  	[bflag:$0x3] =	sbarrier.arrive $0xFFFF  }
0x4c6: {  	_ =	shalt  }

</sc_bundles>
